<compile_context>
chip_gen: v7x
topology: tpu7x:2x2x1
jax: 0.10.2.dev20260603
libtpu: 0.0.44.dev20260713+nightly
codegen_flags: <defaults>
</compile_context>

<pallas_src>
import jax
import jax.numpy as jnp
from jax import lax
from jax.experimental import pallas as pl
from jax.experimental.pallas import tpu as pltpu
from jax.experimental.pallas import tpu_sc as plsc

N, C, H, W = 4, 96, 224, 224
HW = H * W
L = 16
NC, NS = 2, 16
CPAIRS = C // 2
TASKS_PER_TILE = (2 * CPAIRS) // NS
CHUNK_ROWS = 8
ROW_VECS = W // L
CHUNK = CHUNK_ROWS * W
CVECS = CHUNK // L
NCHUNKS = H // CHUNK_ROWS
SCJOBS = 2 * NCHUNKS
SX = float(W) / float(W - 1)
SY = float(H) / float(H - 1)


def _floor_i32(p):
    t = p.astype(jnp.int32)
    tf = t.astype(jnp.float32)
    return jnp.where(tf > p, t - 1, t)


def _sc_body(x_hbm, gxy_hbm, out_hbm, tbl_hbm, img_v,
             ta_v, tb_v, o0_v, o1_v, simg, sta, stb, so):
    g_v = tb_v.at[pl.ds(0, 2 * CHUNK)]
    st_v = ta_v
    cid = lax.axis_index("c")
    sid = lax.axis_index("s")

    def task_chan(t):
        tt = sid * TASKS_PER_TILE + t
        n_local = tt // CPAIRS
        cp = tt % CPAIRS
        n = cid * 2 + n_local
        return n, n * C + cp * 2

    def img_src(chan):
        return x_hbm.at[pl.ds(chan, 2)]

    _, chan0 = task_chan(0)
    pltpu.async_copy(img_src(chan0), img_v, simg)

    def table_job(jj):
        n_local = jj // NCHUNKS
        ck = jj % NCHUNKS
        n = cid * 2 + n_local
        pltpu.sync_copy(
            gxy_hbm.at[pl.ds((n * NCHUNKS + ck) * 2 * CHUNK, 2 * CHUNK)],
            g_v)

        def row_fn(ri, carry2):
            i = ck * CHUNK_ROWS + ri
            i_f = lax.convert_element_type(i, jnp.float32)

            @plsc.parallel_loop(0, ROW_VECS, unroll=2)
            def vec_fn(v):
                off = ri * W + v * L
                gxv = g_v[pl.ds(off, L)]
                gyv = g_v[pl.ds(CHUNK + off, L)]
                jb = lax.convert_element_type(v * L, jnp.float32)
                jf = lax.iota(jnp.int32, L).astype(jnp.float32) + jb
                px = (gxv + jf) * SX - 0.5
                py = (gyv + i_f) * SY - 0.5
                px = jnp.minimum(jnp.maximum(px, -2.0), float(W + 2))
                py = jnp.minimum(jnp.maximum(py, -2.0), float(H + 2))
                x0 = _floor_i32(px)
                y0 = _floor_i32(py)
                wx1 = px - x0.astype(jnp.float32)
                wx0 = 1.0 - wx1
                wy1 = py - y0.astype(jnp.float32)
                wy0 = 1.0 - wy1
                zero = jnp.zeros((L,), jnp.float32)
                wx0 = jnp.where((x0 >= 0) & (x0 <= W - 1), wx0, zero)
                wx1 = jnp.where((x0 >= -1) & (x0 <= W - 2), wx1, zero)
                wy0 = jnp.where((y0 >= 0) & (y0 <= H - 1), wy0, zero)
                wy1 = jnp.where((y0 >= -1) & (y0 <= H - 2), wy1, zero)
                xc0 = jnp.maximum(jnp.minimum(x0, W - 1), 0)
                xc1 = jnp.maximum(jnp.minimum(x0 + 1, W - 1), 0)
                yc0 = jnp.maximum(jnp.minimum(y0, H - 1), 0)
                yc1 = jnp.maximum(jnp.minimum(y0 + 1, H - 1), 0)
                ipk = (xc0 + lax.shift_left(yc0, 8)
                       + lax.shift_left(xc1 - xc0, 16)
                       + lax.shift_left(yc1 - yc0, 17))
                wxp = plsc.pack(wx0, wx1, format=plsc.PackFormat.INTERLEAVED)
                wyp = plsc.pack(wy0, wy1, format=plsc.PackFormat.INTERLEAVED)
                st_v[pl.ds(0 * CHUNK + off, L)] = plsc.bitcast(
                    ipk, jnp.float32)
                st_v[pl.ds(1 * CHUNK + off, L)] = plsc.bitcast(
                    wxp, jnp.float32)
                st_v[pl.ds(2 * CHUNK + off, L)] = plsc.bitcast(
                    wyp, jnp.float32)

            return carry2

        lax.fori_loop(0, CHUNK_ROWS, row_fn, 0)
        pltpu.sync_copy(
            st_v,
            tbl_hbm.at[pl.ds((n * NCHUNKS + ck) * 3 * CHUNK, 3 * CHUNK)])

    def job_fn(q, carry):
        jj = q * NS + sid

        @pl.when(jj < SCJOBS)
        def _():
            table_job(jj)

        return carry

    lax.fori_loop(0, -(-SCJOBS // NS), job_fn, 0)
    plsc.subcore_barrier()

    def t_src(n, ck):
        return tbl_hbm.at[pl.ds((n * NCHUNKS + ck) * 3 * CHUNK, 3 * CHUNK)]

    def compute_chunk(t_v, o0_v, o1_v):
        img0 = img_v.at[0]
        img1 = img_v.at[1]

        @plsc.parallel_loop(0, CVECS, unroll=2)
        def vec_fn(p):
            ri = p // ROW_VECS
            jv = (p % ROW_VECS) * L
            off = p * L
            ipk = plsc.bitcast(t_v[pl.ds(0 * CHUNK + off, L)], jnp.int32)
            wxp = plsc.bitcast(t_v[pl.ds(1 * CHUNK + off, L)],
                               jnp.bfloat16)
            wyp = plsc.bitcast(t_v[pl.ds(2 * CHUNK + off, L)],
                               jnp.bfloat16)
            wx0, wx1 = plsc.unpack(wxp, format=plsc.PackFormat.INTERLEAVED)
            wy0, wy1 = plsc.unpack(wyp, format=plsc.PackFormat.INTERLEAVED)
            x0 = ipk & 0xFF
            y0 = lax.shift_right_logical(ipk, 8) & 0xFF
            dx = lax.shift_right_logical(ipk, 16) & 1
            dy = lax.shift_right_logical(ipk, 17)
            x1 = x0 + dx
            y1 = y0 + dy
            w00 = wx0 * wy0
            w01 = wx1 * wy0
            w10 = wx0 * wy1
            w11 = wx1 * wy1
            a00 = plsc.load_gather(img0, [y0, x0])
            a01 = plsc.load_gather(img0, [y0, x1])
            a10 = plsc.load_gather(img0, [y1, x0])
            a11 = plsc.load_gather(img0, [y1, x1])
            o0_v[0, ri, pl.ds(jv, L)] = (w00 * a00 + w01 * a01
                                         + w10 * a10 + w11 * a11)
            b00 = plsc.load_gather(img1, [y0, x0])
            b01 = plsc.load_gather(img1, [y0, x1])
            b10 = plsc.load_gather(img1, [y1, x0])
            b11 = plsc.load_gather(img1, [y1, x1])
            o1_v[0, ri, pl.ds(jv, L)] = (w00 * b00 + w01 * b01
                                         + w10 * b10 + w11 * b11)

    def task_fn(t, carry):
        n, chan = task_chan(t)
        pltpu.make_async_copy(img_src(chan), img_v, simg).wait()
        pltpu.async_copy(t_src(n, 0), ta_v, sta)

        def out_dst(ck, ch):
            return out_hbm.at[pl.ds(chan + ch, 1),
                              pl.ds(ck * CHUNK_ROWS, CHUNK_ROWS)]

        def half(k, buf, t_v, t_next, st_this, st_next, wait_out):
            ck = k * 2 + buf
            nxt = jnp.minimum(ck + 1, NCHUNKS - 1)
            pltpu.async_copy(t_src(n, nxt), t_next, st_next)
            pltpu.make_async_copy(t_src(n, ck), t_v, st_this).wait()

            @pl.when(wait_out)
            def _():
                pltpu.make_async_copy(o0_v, out_dst(ck, 0), so).wait()
                pltpu.make_async_copy(o1_v, out_dst(ck, 1), so).wait()

            compute_chunk(t_v, o0_v, o1_v)
            pltpu.async_copy(o0_v, out_dst(ck, 0), so)
            pltpu.async_copy(o1_v, out_dst(ck, 1), so)

        def chunk_pair(k, carry2):
            half(k, 0, ta_v, tb_v, sta, stb, k > 0)
            half(k, 1, tb_v, ta_v, stb, sta, True)
            return carry2

        lax.fori_loop(0, NCHUNKS // 2, chunk_pair, 0)

        @pl.when(t < TASKS_PER_TILE - 1)
        def _():
            _, chan_next = task_chan(t + 1)
            pltpu.async_copy(img_src(chan_next), img_v, simg)

        pltpu.make_async_copy(t_src(n, NCHUNKS - 1), ta_v, sta).wait()
        pltpu.make_async_copy(o0_v, out_dst(NCHUNKS - 1, 0), so).wait()
        pltpu.make_async_copy(o1_v, out_dst(NCHUNKS - 1, 1), so).wait()
        return carry

    lax.fori_loop(0, TASKS_PER_TILE, task_fn, 0)


@jax.jit
def _grid_sample_sc(xf, gxy):
    mesh = plsc.VectorSubcoreMesh(core_axis_name="c", subcore_axis_name="s",
                                  num_cores=NC, num_subcores=NS)
    out, _ = pl.kernel(
        _sc_body,
        out_type=(
            jax.ShapeDtypeStruct((N * C, H, W), jnp.float32),
            jax.ShapeDtypeStruct((N * NCHUNKS * 3 * CHUNK,), jnp.float32),
        ),
        mesh=mesh,
        compiler_params=pltpu.CompilerParams(needs_layout_passes=False),
        scratch_types=[
            pltpu.VMEM((2, H, W), jnp.float32),
            pltpu.VMEM((3 * CHUNK,), jnp.float32),
            pltpu.VMEM((3 * CHUNK,), jnp.float32),
            pltpu.VMEM((1, CHUNK_ROWS, W), jnp.float32),
            pltpu.VMEM((1, CHUNK_ROWS, W), jnp.float32),
            pltpu.SemaphoreType.DMA,
            pltpu.SemaphoreType.DMA,
            pltpu.SemaphoreType.DMA,
            pltpu.SemaphoreType.DMA,
        ],
    )(xf, gxy)
    return out


def kernel(x, grid):
    xf = x.reshape(N * C, H, W)
    gxy = jnp.stack([grid[..., 0].reshape(N, NCHUNKS, CHUNK),
                     grid[..., 1].reshape(N, NCHUNKS, CHUNK)],
                    axis=2).reshape(N * NCHUNKS * 2 * CHUNK)
    out = _grid_sample_sc(xf, gxy)
    return out.reshape(N, C, H, W)

# --- scband reference (transcript-rebuilt; emitter-appended) ---
"""Pipeline reference for scband-gridsample-delta-37641093382899 (READ-ONLY COPY).

The authoritative reference and input builder live on the scoring server;
editing this copy changes nothing except your own understanding.
"""

import jax, jax.numpy as jnp
import numpy as np


def setup_inputs(seed: int = 0) -> dict:
    key = jax.random.key(seed)
    k1, k2 = jax.random.split(key)
    x = jax.random.normal(k1, (4, 96, 224, 224), dtype=jnp.float32)
    grid = jax.random.normal(k2, (4, 224, 224, 2), dtype=jnp.float32)
    return {"x": x, "grid": grid}


def _warp(x, grid):
    # x: [N, C, H, W]; grid: [N, h, w, 2] holding (dx, dy) deltas
    N, C, H, W = x.shape
    n, h, w, _ = grid.shape
    base_x = jnp.arange(w, dtype=grid.dtype)[None, None, :]
    base_y = jnp.arange(h, dtype=grid.dtype)[None, :, None]
    abs_x = grid[..., 0] + base_x
    abs_y = grid[..., 1] + base_y
    # normalize exactly as the torch module does (uses size - 1)
    norm_x = abs_x * 2.0 / (W - 1) - 1.0
    norm_y = abs_y * 2.0 / (H - 1) - 1.0
    # F.grid_sample with align_corners=False unnormalizes as ((g+1)*size - 1)/2
    px = ((norm_x + 1.0) * W - 1.0) / 2.0
    py = ((norm_y + 1.0) * H - 1.0) / 2.0
    x0 = jnp.floor(px)
    y0 = jnp.floor(py)
    x1 = x0 + 1.0
    y1 = y0 + 1.0
    wx1 = px - x0
    wx0 = 1.0 - wx1
    wy1 = py - y0
    wy0 = 1.0 - wy1
    xt = jnp.transpose(x, (0, 2, 3, 1))  # [N, H, W, C]
    b = jnp.arange(N)[:, None, None]

    def corner(xi, yi, wgt):
        valid = (xi >= 0) & (xi <= W - 1) & (yi >= 0) & (yi <= H - 1)
        xc = jnp.clip(xi, 0, W - 1).astype(jnp.int32)
        yc = jnp.clip(yi, 0, H - 1).astype(jnp.int32)
        v = xt[b, yc, xc]  # gather -> [N, h, w, C]
        wmask = (wgt * valid.astype(x.dtype))[..., None]
        return v * wmask

    out = (corner(x0, y0, wx0 * wy0)
           + corner(x1, y0, wx1 * wy0)
           + corner(x0, y1, wx0 * wy1)
           + corner(x1, y1, wx1 * wy1))
    return jnp.transpose(out, (0, 3, 1, 2))  # [N, C, h, w]


def reference(x, grid):
    input_dtype = x.dtype
    r = _warp(x.astype(jnp.float32), grid.astype(jnp.float32))
    return r.astype(input_dtype)

if __name__ == "__main__":
    import jax
    _d = setup_inputs()
    print(jax.jit(kernel)(*tuple(_d.values())))

</pallas_src>

<mosaic_0001>
#map = affine_map<(d0, d1) -> (0, 0, 0)>
#map1 = affine_map<(d0, d1) -> (0)>
module attributes {stable_mosaic.version = 14 : i64} {
  func.func @_sc_body(%arg0: i32, %arg1: i32, %arg2: memref<384x224x224xf32, #tpu.memory_space<hbm>>, %arg3: memref<401408xf32, #tpu.memory_space<hbm>>, %arg4: memref<384x224x224xf32, #tpu.memory_space<hbm>>, %arg5: memref<602112xf32, #tpu.memory_space<hbm>>, %arg6: memref<2x224x224xf32, #tpu.memory_space<vmem>>, %arg7: memref<5376xf32, #tpu.memory_space<vmem>>, %arg8: memref<5376xf32, #tpu.memory_space<vmem>>, %arg9: memref<1x8x224xf32, #tpu.memory_space<vmem>>, %arg10: memref<1x8x224xf32, #tpu.memory_space<vmem>>, %arg11: memref<!tpu.dma_semaphore, #tpu.memory_space<semaphore_mem>>, %arg12: memref<!tpu.dma_semaphore, #tpu.memory_space<semaphore_mem>>, %arg13: memref<!tpu.dma_semaphore, #tpu.memory_space<semaphore_mem>>, %arg14: memref<!tpu.dma_semaphore, #tpu.memory_space<semaphore_mem>>) attributes {dimension_semantics = [#tpu.dimension_semantics<core_parallel>, #tpu.dimension_semantics<subcore_parallel>], iteration_bounds = array<i64: 2, 16>, scalar_prefetch = 0 : i64, scratch_operands = 9 : i64, tpu.core_type = #tpu.core_type<sc_vector_subcore>, window_params = [{transform_indices = #map}, {transform_indices = #map1}, {transform_indices = #map}, {transform_indices = #map1}]} {
    %mul3A = arith.constant 6 : i32
    %mul3A_0 = arith.muli %arg1, %mul3A : i32
    %add3A = arith.constant 0 : i32
    %add3A_1 = arith.addi %mul3A_0, %add3A : i32
    %jit3A = arith.constant 48 : i32
    %div3A = arith.divsi %add3A_1, %jit3A : i32
    %sign3A = arith.constant 0 : i32
    %sign3A_2 = arith.cmpi sgt, %add3A_1, %sign3A : i32
    %sign3A_3 = arith.extui %sign3A_2 : i1 to i32
    %sign3A_4 = arith.constant 0 : i32
    %sign3A_5 = arith.cmpi slt, %add3A_1, %sign3A_4 : i32
    %sign3A_6 = arith.extui %sign3A_5 : i1 to i32
    %sign3A_7 = arith.subi %sign3A_3, %sign3A_6 : i32
    %sign3A_8 = arith.constant 0 : i32
    %sign3A_9 = arith.cmpi sgt, %jit3A, %sign3A_8 : i32
    %sign3A_10 = arith.extui %sign3A_9 : i1 to i32
    %sign3A_11 = arith.constant 0 : i32
    %sign3A_12 = arith.cmpi slt, %jit3A, %sign3A_11 : i32
    %sign3A_13 = arith.extui %sign3A_12 : i1 to i32
    %sign3A_14 = arith.subi %sign3A_10, %sign3A_13 : i32
    %ne3A = arith.cmpi ne, %sign3A_7, %sign3A_14 : i32
    %rem3A = arith.remsi %add3A_1, %jit3A : i32
    %ne3A_15 = arith.constant 0 : i32
    %ne3A_16 = arith.cmpi ne, %rem3A, %ne3A_15 : i32
    %and3A = arith.andi %ne3A, %ne3A_16 : i1
    %sub3A = arith.constant 1 : i32
    %sub3A_17 = arith.subi %div3A, %sub3A : i32
    %select_n3A = arith.select %and3A, %sub3A_17, %div3A : i32
    %jit3A_18 = arith.constant 48 : i32
    %eq3A = arith.constant 0 : i32
    %eq3A_19 = arith.cmpi eq, %jit3A_18, %eq3A : i32
    %jit3A_20 = arith.constant 1 : i32
    %select_n3A_21 = arith.select %eq3A_19, %jit3A_20, %jit3A_18 : i32
    %rem3A_22 = arith.remsi %add3A_1, %select_n3A_21 : i32
    %ne3A_23 = arith.constant 0 : i32
    %ne3A_24 = arith.cmpi ne, %rem3A_22, %ne3A_23 : i32
    %lt3A = arith.constant 0 : i32
    %lt3A_25 = arith.cmpi slt, %rem3A_22, %lt3A : i32
    %lt3A_26 = arith.constant 0 : i32
    %lt3A_27 = arith.cmpi slt, %select_n3A_21, %lt3A_26 : i32
    %ne3A_28 = arith.xori %lt3A_25, %lt3A_27 : i1
    %and3A_29 = arith.andi %ne3A_28, %ne3A_24 : i1
    %add3A_30 = arith.addi %rem3A_22, %select_n3A_21 : i32
    %select_n3A_31 = arith.select %and3A_29, %add3A_30, %rem3A_22 : i32
    %mul3A_32 = arith.constant 2 : i32
    %mul3A_33 = arith.muli %arg0, %mul3A_32 : i32
    %add3A_34 = arith.addi %mul3A_33, %select_n3A : i32
    %mul3A_35 = arith.constant 96 : i32
    %mul3A_36 = arith.muli %add3A_34, %mul3A_35 : i32
    %mul3A_37 = arith.constant 2 : i32
    %mul3A_38 = arith.muli %select_n3A_31, %mul3A_37 : i32
    %add3A_39 = arith.addi %mul3A_36, %mul3A_38 : i32
    %dma_start3A = arith.constant 0 : i32
    %dma_start3A_40 = arith.constant 0 : i32
    %dma_start3A_41 = tpu.memref_slice %arg2[%add3A_39, %dma_start3A, %dma_start3A_40] : memref<384x224x224xf32, #tpu.memory_space<hbm>> -> memref<2x224x224xf32, #tpu.memory_space<hbm>>
    %dma_start3A_42 = arith.constant 0 : i32
    %dma_start3A_43 = arith.constant 0 : i32
    %dma_start3A_44 = tpu.memref_slice %arg2[%add3A_39, %dma_start3A_42, %dma_start3A_43] : memref<384x224x224xf32, #tpu.memory_space<hbm>> -> memref<2x224x224xf32, #tpu.memory_space<hbm>>
    tpu.enqueue_dma source(%dma_start3A_44 : memref<2x224x224xf32, #tpu.memory_space<hbm>>) target(%arg6 : memref<2x224x224xf32, #tpu.memory_space<vmem>>) target_semaphore(%arg11 : memref<!tpu.dma_semaphore, #tpu.memory_space<semaphore_mem>>)
    %scan3A = arith.constant 0 : i32
    %scan3A_45 = arith.constant 0 : i32
    %scan3A_46 = arith.constant 4 : i32
    %scan3A_47 = arith.addi %scan3A_45, %scan3A_46 : i32
    %scan3A_48 = arith.constant 1 : i32
    scf.for %scan3A_56 = %scan3A_45 to %scan3A_47 step %scan3A_48  : i32 {
      %mul3A_57 = arith.constant 16 : i32
      %mul3A_58 = arith.muli %scan3A_56, %mul3A_57 : i32
      %add3A_59 = arith.addi %mul3A_58, %arg1 : i32
      %lt3A_60 = arith.constant 56 : i32
      %lt3A_61 = arith.cmpi slt, %add3A_59, %lt3A_60 : i32
      %convert_element_type3A = arith.extui %lt3A_61 : i1 to i32
      %cond3A = arith.constant 0 : i32
      %cond3A_62 = arith.cmpi ne, %convert_element_type3A, %cond3A : i32
      scf.if %cond3A_62 {
        %jit3A_63 = arith.constant 28 : i32
        %div3A_64 = arith.divsi %add3A_59, %jit3A_63 : i32
        %sign3A_65 = arith.constant 0 : i32
        %sign3A_66 = arith.cmpi sgt, %add3A_59, %sign3A_65 : i32
        %sign3A_67 = arith.extui %sign3A_66 : i1 to i32
        %sign3A_68 = arith.constant 0 : i32
        %sign3A_69 = arith.cmpi slt, %add3A_59, %sign3A_68 : i32
        %sign3A_70 = arith.extui %sign3A_69 : i1 to i32
        %sign3A_71 = arith.subi %sign3A_67, %sign3A_70 : i32
        %sign3A_72 = arith.constant 0 : i32
        %sign3A_73 = arith.cmpi sgt, %jit3A_63, %sign3A_72 : i32
        %sign3A_74 = arith.extui %sign3A_73 : i1 to i32
        %sign3A_75 = arith.constant 0 : i32
        %sign3A_76 = arith.cmpi slt, %jit3A_63, %sign3A_75 : i32
        %sign3A_77 = arith.extui %sign3A_76 : i1 to i32
        %sign3A_78 = arith.subi %sign3A_74, %sign3A_77 : i32
        %ne3A_79 = arith.cmpi ne, %sign3A_71, %sign3A_78 : i32
        %rem3A_80 = arith.remsi %add3A_59, %jit3A_63 : i32
        %ne3A_81 = arith.constant 0 : i32
        %ne3A_82 = arith.cmpi ne, %rem3A_80, %ne3A_81 : i32
        %and3A_83 = arith.andi %ne3A_79, %ne3A_82 : i1
        %sub3A_84 = arith.constant 1 : i32
        %sub3A_85 = arith.subi %div3A_64, %sub3A_84 : i32
        %select_n3A_86 = arith.select %and3A_83, %sub3A_85, %div3A_64 : i32
        %jit3A_87 = arith.constant 28 : i32
        %eq3A_88 = arith.constant 0 : i32
        %eq3A_89 = arith.cmpi eq, %jit3A_87, %eq3A_88 : i32
        %jit3A_90 = arith.constant 1 : i32
        %select_n3A_91 = arith.select %eq3A_89, %jit3A_90, %jit3A_87 : i32
        %rem3A_92 = arith.remsi %add3A_59, %select_n3A_91 : i32
        %ne3A_93 = arith.constant 0 : i32
        %ne3A_94 = arith.cmpi ne, %rem3A_92, %ne3A_93 : i32
        %lt3A_95 = arith.constant 0 : i32
        %lt3A_96 = arith.cmpi slt, %rem3A_92, %lt3A_95 : i32
        %lt3A_97 = arith.constant 0 : i32
        %lt3A_98 = arith.cmpi slt, %select_n3A_91, %lt3A_97 : i32
        %ne3A_99 = arith.xori %lt3A_96, %lt3A_98 : i1
        %and3A_100 = arith.andi %ne3A_99, %ne3A_94 : i1
        %add3A_101 = arith.addi %rem3A_92, %select_n3A_91 : i32
        %select_n3A_102 = arith.select %and3A_100, %add3A_101, %rem3A_92 : i32
        %mul3A_103 = arith.constant 2 : i32
        %mul3A_104 = arith.muli %arg0, %mul3A_103 : i32
        %add3A_105 = arith.addi %mul3A_104, %select_n3A_86 : i32
        %mul3A_106 = arith.constant 28 : i32
        %mul3A_107 = arith.muli %add3A_105, %mul3A_106 : i32
        %add3A_108 = arith.addi %mul3A_107, %select_n3A_102 : i32
        %mul3A_109 = arith.constant 2 : i32
        %mul3A_110 = arith.muli %add3A_108, %mul3A_109 : i32
        %mul3A_111 = arith.constant 1792 : i32
        %mul3A_112 = arith.muli %mul3A_110, %mul3A_111 : i32
        "tpu.region"() ({
          %run_scoped3A = tpu.sem_alloc : memref<!tpu.dma_semaphore, #tpu.memory_space<semaphore_mem>>
          %dma_start3A_126 = arith.constant 0 : i32
          %dma_start3A_127 = tpu.memref_slice %arg8[%dma_start3A_126] : memref<5376xf32, #tpu.memory_space<vmem>> -> memref<3584xf32, #tpu.memory_space<vmem>>
          %dma_start3A_128 = tpu.memref_slice %arg3[%mul3A_112] : memref<401408xf32, #tpu.memory_space<hbm>> -> memref<3584xf32, #tpu.memory_space<hbm>>
          %dma_start3A_129 = arith.constant 0 : i32
          %dma_start3A_130 = tpu.memref_slice %arg8[%dma_start3A_129] : memref<5376xf32, #tpu.memory_space<vmem>> -> memref<3584xf32, #tpu.memory_space<vmem>>
          %dma_start3A_131 = tpu.memref_slice %arg3[%mul3A_112] : memref<401408xf32, #tpu.memory_space<hbm>> -> memref<3584xf32, #tpu.memory_space<hbm>>
          tpu.enqueue_dma source(%dma_start3A_131 : memref<3584xf32, #tpu.memory_space<hbm>>) target(%dma_start3A_130 : memref<3584xf32, #tpu.memory_space<vmem>>) target_semaphore(%run_scoped3A : memref<!tpu.dma_semaphore, #tpu.memory_space<semaphore_mem>>)
          %dma_wait3A = arith.constant 0 : i32
          %dma_wait3A_132 = tpu.memref_slice %arg8[%dma_wait3A] : memref<5376xf32, #tpu.memory_space<vmem>> -> memref<3584xf32, #tpu.memory_space<vmem>>
          %dma_wait3A_133 = tpu.memref_slice %arg3[%mul3A_112] : memref<401408xf32, #tpu.memory_space<hbm>> -> memref<3584xf32, #tpu.memory_space<hbm>>
          %dma_wait3A_134 = arith.constant 0 : i32
          %dma_wait3A_135 = tpu.memref_slice %arg8[%dma_wait3A_134] : memref<5376xf32, #tpu.memory_space<vmem>> -> memref<3584xf32, #tpu.memory_space<vmem>>
          %dma_wait3A_136 = tpu.memref_slice %arg3[%mul3A_112] : memref<401408xf32, #tpu.memory_space<hbm>> -> memref<3584xf32, #tpu.memory_space<hbm>>
          tpu.wait_dma2 semaphore(%run_scoped3A : memref<!tpu.dma_semaphore, #tpu.memory_space<semaphore_mem>>) src(%dma_wait3A_136 : memref<3584xf32, #tpu.memory_space<hbm>>) dst(%dma_wait3A_135 : memref<3584xf32, #tpu.memory_space<vmem>>)
          tpu.yield
        }) : () -> ()
        %scan3A_113 = arith.constant 0 : i32
        %scan3A_114 = arith.constant 0 : i32
        %scan3A_115 = arith.constant 8 : i32
        %scan3A_116 = arith.addi %scan3A_114, %scan3A_115 : i32
        %scan3A_117 = arith.constant 1 : i32
        scf.for %scan3A_126 = %scan3A_114 to %scan3A_116 step %scan3A_117  : i32 {
          %mul3A_127 = arith.constant 8 : i32
          %mul3A_128 = arith.muli %select_n3A_102, %mul3A_127 : i32
          %add3A_129 = arith.addi %mul3A_128, %scan3A_126 : i32
          %convert_element_type3A_130 = arith.sitofp %add3A_129 : i32 to f32
          %parallel_loop3A = arith.constant 0 : i32
          %parallel_loop3A_131 = arith.constant 14 : i32
          %parallel_loop3A_132 = arith.constant 1 : i32
          scf.for %parallel_loop3A_133 = %parallel_loop3A to %parallel_loop3A_131 step %parallel_loop3A_132  : i32 {
            %parallel_loop3A_134 = arith.constant 224 : i32
            %parallel_loop3A_135 = arith.muli %scan3A_126, %parallel_loop3A_134 : i32
            %parallel_loop3A_136 = arith.constant 16 : i32
            %parallel_loop3A_137 = arith.muli %parallel_loop3A_133, %parallel_loop3A_136 : i32
            %parallel_loop3A_138 = arith.addi %parallel_loop3A_135, %parallel_loop3A_137 : i32
            %parallel_loop3A_139 = arith.constant 0 : i32
            %parallel_loop3A_140 = tpu.memref_slice %arg8[%parallel_loop3A_139] : memref<5376xf32, #tpu.memory_space<vmem>> -> memref<3584xf32, #tpu.memory_space<vmem>>
            %parallel_loop3A_141 = arith.index_cast %parallel_loop3A_138 : i32 to index
            %parallel_loop3A_142 = tpu.vector_load %parallel_loop3A_140[%parallel_loop3A_141] {strides = array<i32>} : memref<3584xf32, #tpu.memory_space<vmem>>, vector<16xf32>,
            %parallel_loop3A_143 = arith.constant 1792 : i32
            %parallel_loop3A_144 = arith.addi %parallel_loop3A_143, %parallel_loop3A_138 : i32
            %parallel_loop3A_145 = arith.constant 0 : i32
            %parallel_loop3A_146 = tpu.memref_slice %arg8[%parallel_loop3A_145] : memref<5376xf32, #tpu.memory_space<vmem>> -> memref<3584xf32, #tpu.memory_space<vmem>>
            %parallel_loop3A_147 = arith.index_cast %parallel_loop3A_144 : i32 to index
            %parallel_loop3A_148 = tpu.vector_load %parallel_loop3A_146[%parallel_loop3A_147] {strides = array<i32>} : memref<3584xf32, #tpu.memory_space<vmem>>, vector<16xf32>,
            %parallel_loop3A_149 = arith.constant 16 : i32
            %parallel_loop3A_150 = arith.muli %parallel_loop3A_133, %parallel_loop3A_149 : i32
            %parallel_loop3A_151 = arith.sitofp %parallel_loop3A_150 : i32 to f32
            %parallel_loop3A_152 = tpu.iota {dimensions = array<i32: 0>} : vector<16xi32>
            %parallel_loop3A_153 = arith.sitofp %parallel_loop3A_152 : vector<16xi32> to vector<16xf32>
            %parallel_loop3A_154 = vector.broadcast %parallel_loop3A_151 : f32 to vector<16xf32>
            %parallel_loop3A_155 = arith.addf %parallel_loop3A_153, %parallel_loop3A_154 : vector<16xf32>
            %parallel_loop3A_156 = arith.addf %parallel_loop3A_142, %parallel_loop3A_155 : vector<16xf32>
            %parallel_loop3A_157 = arith.constant 1.0044843 : f32
            %parallel_loop3A_158 = vector.broadcast %parallel_loop3A_157 : f32 to vector<16xf32>
            %parallel_loop3A_159 = arith.mulf %parallel_loop3A_156, %parallel_loop3A_158 : vector<16xf32>
            %parallel_loop3A_160 = arith.constant 5.000000e-01 : f32
            %parallel_loop3A_161 = vector.broadcast %parallel_loop3A_160 : f32 to vector<16xf32>
            %parallel_loop3A_162 = arith.subf %parallel_loop3A_159, %parallel_loop3A_161 : vector<16xf32>
            %parallel_loop3A_163 = vector.broadcast %convert_element_type3A_130 : f32 to vector<16xf32>
            %parallel_loop3A_164 = arith.addf %parallel_loop3A_148, %parallel_loop3A_163 : vector<16xf32>
            %parallel_loop3A_165 = arith.constant 1.0044843 : f32
            %parallel_loop3A_166 = vector.broadcast %parallel_loop3A_165 : f32 to vector<16xf32>
            %parallel_loop3A_167 = arith.mulf %parallel_loop3A_164, %parallel_loop3A_166 : vector<16xf32>
            %parallel_loop3A_168 = arith.constant 5.000000e-01 : f32
            %parallel_loop3A_169 = vector.broadcast %parallel_loop3A_168 : f32 to vector<16xf32>
            %parallel_loop3A_170 = arith.subf %parallel_loop3A_167, %parallel_loop3A_169 : vector<16xf32>
            %parallel_loop3A_171 = arith.constant -2.000000e+00 : f32
            %parallel_loop3A_172 = vector.broadcast %parallel_loop3A_171 : f32 to vector<16xf32>
            %parallel_loop3A_173 = arith.maximumf %parallel_loop3A_162, %parallel_loop3A_172 : vector<16xf32>
            %parallel_loop3A_174 = arith.constant 2.260000e+02 : f32
            %parallel_loop3A_175 = vector.broadcast %parallel_loop3A_174 : f32 to vector<16xf32>
            %parallel_loop3A_176 = arith.minimumf %parallel_loop3A_173, %parallel_loop3A_175 : vector<16xf32>
            %parallel_loop3A_177 = arith.constant -2.000000e+00 : f32
            %parallel_loop3A_178 = vector.broadcast %parallel_loop3A_177 : f32 to vector<16xf32>
            %parallel_loop3A_179 = arith.maximumf %parallel_loop3A_170, %parallel_loop3A_178 : vector<16xf32>
            %parallel_loop3A_180 = arith.constant 2.260000e+02 : f32
            %parallel_loop3A_181 = vector.broadcast %parallel_loop3A_180 : f32 to vector<16xf32>
            %parallel_loop3A_182 = arith.minimumf %parallel_loop3A_179, %parallel_loop3A_181 : vector<16xf32>
            %parallel_loop3A_183 = arith.fptosi %parallel_loop3A_176 : vector<16xf32> to vector<16xi32>
            %parallel_loop3A_184 = arith.sitofp %parallel_loop3A_183 : vector<16xi32> to vector<16xf32>
            %parallel_loop3A_185 = arith.cmpf ogt, %parallel_loop3A_184, %parallel_loop3A_176 : vector<16xf32>
            %parallel_loop3A_186 = arith.constant 1 : i32
            %parallel_loop3A_187 = vector.broadcast %parallel_loop3A_186 : i32 to vector<16xi32>
            %parallel_loop3A_188 = arith.subi %parallel_loop3A_183, %parallel_loop3A_187 : vector<16xi32>
            %parallel_loop3A_189 = arith.select %parallel_loop3A_185, %parallel_loop3A_188, %parallel_loop3A_183 : vector<16xi1>, vector<16xi32>
            %parallel_loop3A_190 = arith.fptosi %parallel_loop3A_182 : vector<16xf32> to vector<16xi32>
            %parallel_loop3A_191 = arith.sitofp %parallel_loop3A_190 : vector<16xi32> to vector<16xf32>
            %parallel_loop3A_192 = arith.cmpf ogt, %parallel_loop3A_191, %parallel_loop3A_182 : vector<16xf32>
            %parallel_loop3A_193 = arith.constant 1 : i32
            %parallel_loop3A_194 = vector.broadcast %parallel_loop3A_193 : i32 to vector<16xi32>
            %parallel_loop3A_195 = arith.subi %parallel_loop3A_190, %parallel_loop3A_194 : vector<16xi32>
            %parallel_loop3A_196 = arith.select %parallel_loop3A_192, %parallel_loop3A_195, %parallel_loop3A_190 : vector<16xi1>, vector<16xi32>
            %parallel_loop3A_197 = arith.sitofp %parallel_loop3A_189 : vector<16xi32> to vector<16xf32>
            %parallel_loop3A_198 = arith.subf %parallel_loop3A_176, %parallel_loop3A_197 : vector<16xf32>
            %parallel_loop3A_199 = arith.constant 1.000000e+00 : f32
            %parallel_loop3A_200 = vector.broadcast %parallel_loop3A_199 : f32 to vector<16xf32>
            %parallel_loop3A_201 = arith.subf %parallel_loop3A_200, %parallel_loop3A_198 : vector<16xf32>
            %parallel_loop3A_202 = arith.sitofp %parallel_loop3A_196 : vector<16xi32> to vector<16xf32>
            %parallel_loop3A_203 = arith.subf %parallel_loop3A_182, %parallel_loop3A_202 : vector<16xf32>
            %parallel_loop3A_204 = arith.constant 1.000000e+00 : f32
            %parallel_loop3A_205 = vector.broadcast %parallel_loop3A_204 : f32 to vector<16xf32>
            %parallel_loop3A_206 = arith.subf %parallel_loop3A_205, %parallel_loop3A_203 : vector<16xf32>
            %parallel_loop3A_207 = arith.constant 0.000000e+00 : f32
            %parallel_loop3A_208 = vector.broadcast %parallel_loop3A_207 : f32 to vector<16xf32>
            %parallel_loop3A_209 = arith.constant 0 : i32
            %parallel_loop3A_210 = vector.broadcast %parallel_loop3A_209 : i32 to vector<16xi32>
            %parallel_loop3A_211 = arith.cmpi sge, %parallel_loop3A_189, %parallel_loop3A_210 : vector<16xi32>
            %parallel_loop3A_212 = arith.constant 223 : i32
            %parallel_loop3A_213 = vector.broadcast %parallel_loop3A_212 : i32 to vector<16xi32>
            %parallel_loop3A_214 = arith.cmpi sle, %parallel_loop3A_189, %parallel_loop3A_213 : vector<16xi32>
            %parallel_loop3A_215 = arith.andi %parallel_loop3A_211, %parallel_loop3A_214 : vector<16xi1>
            %parallel_loop3A_216 = arith.select %parallel_loop3A_215, %parallel_loop3A_201, %parallel_loop3A_208 : vector<16xi1>, vector<16xf32>
            %parallel_loop3A_217 = arith.constant -1 : i32
            %parallel_loop3A_218 = vector.broadcast %parallel_loop3A_217 : i32 to vector<16xi32>
            %parallel_loop3A_219 = arith.cmpi sge, %parallel_loop3A_189, %parallel_loop3A_218 : vector<16xi32>
            %parallel_loop3A_220 = arith.constant 222 : i32
            %parallel_loop3A_221 = vector.broadcast %parallel_loop3A_220 : i32 to vector<16xi32>
            %parallel_loop3A_222 = arith.cmpi sle, %parallel_loop3A_189, %parallel_loop3A_221 : vector<16xi32>
            %parallel_loop3A_223 = arith.andi %parallel_loop3A_219, %parallel_loop3A_222 : vector<16xi1>
            %parallel_loop3A_224 = arith.select %parallel_loop3A_223, %parallel_loop3A_198, %parallel_loop3A_208 : vector<16xi1>, vector<16xf32>
            %parallel_loop3A_225 = arith.constant 0 : i32
            %parallel_loop3A_226 = vector.broadcast %parallel_loop3A_225 : i32 to vector<16xi32>
            %parallel_loop3A_227 = arith.cmpi sge, %parallel_loop3A_196, %parallel_loop3A_226 : vector<16xi32>
            %parallel_loop3A_228 = arith.constant 223 : i32
            %parallel_loop3A_229 = vector.broadcast %parallel_loop3A_228 : i32 to vector<16xi32>
            %parallel_loop3A_230 = arith.cmpi sle, %parallel_loop3A_196, %parallel_loop3A_229 : vector<16xi32>
            %parallel_loop3A_231 = arith.andi %parallel_loop3A_227, %parallel_loop3A_230 : vector<16xi1>
            %parallel_loop3A_232 = arith.select %parallel_loop3A_231, %parallel_loop3A_206, %parallel_loop3A_208 : vector<16xi1>, vector<16xf32>
            %parallel_loop3A_233 = arith.constant -1 : i32
            %parallel_loop3A_234 = vector.broadcast %parallel_loop3A_233 : i32 to vector<16xi32>
            %parallel_loop3A_235 = arith.cmpi sge, %parallel_loop3A_196, %parallel_loop3A_234 : vector<16xi32>
            %parallel_loop3A_236 = arith.constant 222 : i32
            %parallel_loop3A_237 = vector.broadcast %parallel_loop3A_236 : i32 to vector<16xi32>
            %parallel_loop3A_238 = arith.cmpi sle, %parallel_loop3A_196, %parallel_loop3A_237 : vector<16xi32>
            %parallel_loop3A_239 = arith.andi %parallel_loop3A_235, %parallel_loop3A_238 : vector<16xi1>
            %parallel_loop3A_240 = arith.select %parallel_loop3A_239, %parallel_loop3A_203, %parallel_loop3A_208 : vector<16xi1>, vector<16xf32>
            %parallel_loop3A_241 = arith.constant 223 : i32
            %parallel_loop3A_242 = vector.broadcast %parallel_loop3A_241 : i32 to vector<16xi32>
            %parallel_loop3A_243 = arith.minsi %parallel_loop3A_189, %parallel_loop3A_242 : vector<16xi32>
            %parallel_loop3A_244 = arith.constant 0 : i32
            %parallel_loop3A_245 = vector.broadcast %parallel_loop3A_244 : i32 to vector<16xi32>
            %parallel_loop3A_246 = arith.maxsi %parallel_loop3A_243, %parallel_loop3A_245 : vector<16xi32>
            %parallel_loop3A_247 = arith.constant 1 : i32
            %parallel_loop3A_248 = vector.broadcast %parallel_loop3A_247 : i32 to vector<16xi32>
            %parallel_loop3A_249 = arith.addi %parallel_loop3A_189, %parallel_loop3A_248 : vector<16xi32>
            %parallel_loop3A_250 = arith.constant 223 : i32
            %parallel_loop3A_251 = vector.broadcast %parallel_loop3A_250 : i32 to vector<16xi32>
            %parallel_loop3A_252 = arith.minsi %parallel_loop3A_249, %parallel_loop3A_251 : vector<16xi32>
            %parallel_loop3A_253 = arith.constant 0 : i32
            %parallel_loop3A_254 = vector.broadcast %parallel_loop3A_253 : i32 to vector<16xi32>
            %parallel_loop3A_255 = arith.maxsi %parallel_loop3A_252, %parallel_loop3A_254 : vector<16xi32>
            %parallel_loop3A_256 = arith.constant 223 : i32
            %parallel_loop3A_257 = vector.broadcast %parallel_loop3A_256 : i32 to vector<16xi32>
            %parallel_loop3A_258 = arith.minsi %parallel_loop3A_196, %parallel_loop3A_257 : vector<16xi32>
            %parallel_loop3A_259 = arith.constant 0 : i32
            %parallel_loop3A_260 = vector.broadcast %parallel_loop3A_259 : i32 to vector<16xi32>
            %parallel_loop3A_261 = arith.maxsi %parallel_loop3A_258, %parallel_loop3A_260 : vector<16xi32>
            %parallel_loop3A_262 = arith.constant 1 : i32
            %parallel_loop3A_263 = vector.broadcast %parallel_loop3A_262 : i32 to vector<16xi32>
            %parallel_loop3A_264 = arith.addi %parallel_loop3A_196, %parallel_loop3A_263 : vector<16xi32>
            %parallel_loop3A_265 = arith.constant 223 : i32
            %parallel_loop3A_266 = vector.broadcast %parallel_loop3A_265 : i32 to vector<16xi32>
            %parallel_loop3A_267 = arith.minsi %parallel_loop3A_264, %parallel_loop3A_266 : vector<16xi32>
            %parallel_loop3A_268 = arith.constant 0 : i32
            %parallel_loop3A_269 = vector.broadcast %parallel_loop3A_268 : i32 to vector<16xi32>
            %parallel_loop3A_270 = arith.maxsi %parallel_loop3A_267, %parallel_loop3A_269 : vector<16xi32>
            %parallel_loop3A_271 = arith.constant 8 : i32
            %parallel_loop3A_272 = vector.broadcast %parallel_loop3A_271 : i32 to vector<16xi32>
            %parallel_loop3A_273 = arith.shli %parallel_loop3A_261, %parallel_loop3A_272 : vector<16xi32>
            %parallel_loop3A_274 = arith.addi %parallel_loop3A_246, %parallel_loop3A_273 : vector<16xi32>
            %parallel_loop3A_275 = arith.subi %parallel_loop3A_255, %parallel_loop3A_246 : vector<16xi32>
            %parallel_loop3A_276 = arith.constant 16 : i32
            %parallel_loop3A_277 = vector.broadcast %parallel_loop3A_276 : i32 to vector<16xi32>
            %parallel_loop3A_278 = arith.shli %parallel_loop3A_275, %parallel_loop3A_277 : vector<16xi32>
            %parallel_loop3A_279 = arith.addi %parallel_loop3A_274, %parallel_loop3A_278 : vector<16xi32>
            %parallel_loop3A_280 = arith.subi %parallel_loop3A_270, %parallel_loop3A_261 : vector<16xi32>
            %parallel_loop3A_281 = arith.constant 17 : i32
            %parallel_loop3A_282 = vector.broadcast %parallel_loop3A_281 : i32 to vector<16xi32>
            %parallel_loop3A_283 = arith.shli %parallel_loop3A_280, %parallel_loop3A_282 : vector<16xi32>
            %parallel_loop3A_284 = arith.addi %parallel_loop3A_279, %parallel_loop3A_283 : vector<16xi32>
            %parallel_loop3A_285 = tpu.pack_subelements %parallel_loop3A_216, %parallel_loop3A_224 {pack_format = #tpu.pack_format<interleaved>, positions = array<i32: 0, 1>} : vector<16xf32>, vector<16xf32> -> vector<32xbf16>
            %parallel_loop3A_286 = tpu.pack_subelements %parallel_loop3A_232, %parallel_loop3A_240 {pack_format = #tpu.pack_format<interleaved>, positions = array<i32: 0, 1>} : vector<16xf32>, vector<16xf32> -> vector<32xbf16>
            %parallel_loop3A_287 = vector.bitcast %parallel_loop3A_284 : vector<16xi32> to vector<16xf32>
            %parallel_loop3A_288 = arith.constant 0 : i32
            %parallel_loop3A_289 = arith.addi %parallel_loop3A_288, %parallel_loop3A_138 : i32
            %parallel_loop3A_290 = arith.index_cast %parallel_loop3A_289 : i32 to index
            %parallel_loop3A_291 = tpu.vector_load %arg7[%parallel_loop3A_290] {strides = array<i32>} : memref<5376xf32, #tpu.memory_space<vmem>>, vector<16xf32>,
            tpu.vector_store %arg7[%parallel_loop3A_290], %parallel_loop3A_287 {strides = array<i32>} : memref<5376xf32, #tpu.memory_space<vmem>>, vector<16xf32>,
            %parallel_loop3A_292 = vector.bitcast %parallel_loop3A_285 : vector<32xbf16> to vector<16xf32>
            %parallel_loop3A_293 = arith.constant 1792 : i32
            %parallel_loop3A_294 = arith.addi %parallel_loop3A_293, %parallel_loop3A_138 : i32
            %parallel_loop3A_295 = arith.index_cast %parallel_loop3A_294 : i32 to index
            %parallel_loop3A_296 = tpu.vector_load %arg7[%parallel_loop3A_295] {strides = array<i32>} : memref<5376xf32, #tpu.memory_space<vmem>>, vector<16xf32>,
            tpu.vector_store %arg7[%parallel_loop3A_295], %parallel_loop3A_292 {strides = array<i32>} : memref<5376xf32, #tpu.memory_space<vmem>>, vector<16xf32>,
            %parallel_loop3A_297 = vector.bitcast %parallel_loop3A_286 : vector<32xbf16> to vector<16xf32>
            %parallel_loop3A_298 = arith.constant 3584 : i32
            %parallel_loop3A_299 = arith.addi %parallel_loop3A_298, %parallel_loop3A_138 : i32
            %parallel_loop3A_300 = arith.index_cast %parallel_loop3A_299 : i32 to index
            %parallel_loop3A_301 = tpu.vector_load %arg7[%parallel_loop3A_300] {strides = array<i32>} : memref<5376xf32, #tpu.memory_space<vmem>>, vector<16xf32>,
            tpu.vector_store %arg7[%parallel_loop3A_300], %parallel_loop3A_297 {strides = array<i32>} : memref<5376xf32, #tpu.memory_space<vmem>>, vector<16xf32>,
          } {sc.loop_unroll_factor = 2 : i64, sc.parallel_access}
        }
        %scan3A_118 = arith.constant 8 : i32
        %mul3A_119 = arith.constant 28 : i32
        %mul3A_120 = arith.muli %add3A_105, %mul3A_119 : i32
        %add3A_121 = arith.addi %mul3A_120, %select_n3A_102 : i32
        %mul3A_122 = arith.constant 3 : i32
        %mul3A_123 = arith.muli %add3A_121, %mul3A_122 : i32
        %mul3A_124 = arith.constant 1792 : i32
        %mul3A_125 = arith.muli %mul3A_123, %mul3A_124 : i32
        "tpu.region"() ({
          %run_scoped3A = tpu.sem_alloc : memref<!tpu.dma_semaphore, #tpu.memory_space<semaphore_mem>>
          %dma_start3A_126 = tpu.memref_slice %arg5[%mul3A_125] : memref<602112xf32, #tpu.memory_space<hbm>> -> memref<5376xf32, #tpu.memory_space<hbm>>
          %dma_start3A_127 = tpu.memref_slice %arg5[%mul3A_125] : memref<602112xf32, #tpu.memory_space<hbm>> -> memref<5376xf32, #tpu.memory_space<hbm>>
          tpu.enqueue_dma source(%arg7 : memref<5376xf32, #tpu.memory_space<vmem>>) target(%dma_start3A_127 : memref<5376xf32, #tpu.memory_space<hbm>>) target_semaphore(%run_scoped3A : memref<!tpu.dma_semaphore, #tpu.memory_space<semaphore_mem>>)
          %dma_wait3A = tpu.memref_slice %arg5[%mul3A_125] : memref<602112xf32, #tpu.memory_space<hbm>> -> memref<5376xf32, #tpu.memory_space<hbm>>
          %dma_wait3A_128 = tpu.memref_slice %arg5[%mul3A_125] : memref<602112xf32, #tpu.memory_space<hbm>> -> memref<5376xf32, #tpu.memory_space<hbm>>
          tpu.wait_dma2 semaphore(%run_scoped3A : memref<!tpu.dma_semaphore, #tpu.memory_space<semaphore_mem>>) src(%arg7 : memref<5376xf32, #tpu.memory_space<vmem>>) dst(%dma_wait3A_128 : memref<5376xf32, #tpu.memory_space<hbm>>)
          tpu.yield
        }) : () -> ()
      } else {
      }
    }
    %scan3A_49 = arith.constant 4 : i32
    %barrier3A = arith.constant 0 : index
    tpu.barrier barrier_id(%barrier3A)
    %scan3A_50 = arith.constant 0 : i32
    %scan3A_51 = arith.constant 0 : i32
    %scan3A_52 = arith.constant 6 : i32
    %scan3A_53 = arith.addi %scan3A_51, %scan3A_52 : i32
    %scan3A_54 = arith.constant 1 : i32
    scf.for %scan3A_56 = %scan3A_51 to %scan3A_53 step %scan3A_54  : i32 {
      %mul3A_57 = arith.constant 6 : i32
      %mul3A_58 = arith.muli %arg1, %mul3A_57 : i32
      %add3A_59 = arith.addi %mul3A_58, %scan3A_56 : i32
      %jit3A_60 = arith.constant 48 : i32
      %div3A_61 = arith.divsi %add3A_59, %jit3A_60 : i32
      %sign3A_62 = arith.constant 0 : i32
      %sign3A_63 = arith.cmpi sgt, %add3A_59, %sign3A_62 : i32
      %sign3A_64 = arith.extui %sign3A_63 : i1 to i32
      %sign3A_65 = arith.constant 0 : i32
      %sign3A_66 = arith.cmpi slt, %add3A_59, %sign3A_65 : i32
      %sign3A_67 = arith.extui %sign3A_66 : i1 to i32
      %sign3A_68 = arith.subi %sign3A_64, %sign3A_67 : i32
      %sign3A_69 = arith.constant 0 : i32
      %sign3A_70 = arith.cmpi sgt, %jit3A_60, %sign3A_69 : i32
      %sign3A_71 = arith.extui %sign3A_70 : i1 to i32
      %sign3A_72 = arith.constant 0 : i32
      %sign3A_73 = arith.cmpi slt, %jit3A_60, %sign3A_72 : i32
      %sign3A_74 = arith.extui %sign3A_73 : i1 to i32
      %sign3A_75 = arith.subi %sign3A_71, %sign3A_74 : i32
      %ne3A_76 = arith.cmpi ne, %sign3A_68, %sign3A_75 : i32
      %rem3A_77 = arith.remsi %add3A_59, %jit3A_60 : i32
      %ne3A_78 = arith.constant 0 : i32
      %ne3A_79 = arith.cmpi ne, %rem3A_77, %ne3A_78 : i32
      %and3A_80 = arith.andi %ne3A_76, %ne3A_79 : i1
      %sub3A_81 = arith.constant 1 : i32
      %sub3A_82 = arith.subi %div3A_61, %sub3A_81 : i32
      %select_n3A_83 = arith.select %and3A_80, %sub3A_82, %div3A_61 : i32
      %jit3A_84 = arith.constant 48 : i32
      %eq3A_85 = arith.constant 0 : i32
      %eq3A_86 = arith.cmpi eq, %jit3A_84, %eq3A_85 : i32
      %jit3A_87 = arith.constant 1 : i32
      %select_n3A_88 = arith.select %eq3A_86, %jit3A_87, %jit3A_84 : i32
      %rem3A_89 = arith.remsi %add3A_59, %select_n3A_88 : i32
      %ne3A_90 = arith.constant 0 : i32
      %ne3A_91 = arith.cmpi ne, %rem3A_89, %ne3A_90 : i32
      %lt3A_92 = arith.constant 0 : i32
      %lt3A_93 = arith.cmpi slt, %rem3A_89, %lt3A_92 : i32
      %lt3A_94 = arith.constant 0 : i32
      %lt3A_95 = arith.cmpi slt, %select_n3A_88, %lt3A_94 : i32
      %ne3A_96 = arith.xori %lt3A_93, %lt3A_95 : i1
      %and3A_97 = arith.andi %ne3A_96, %ne3A_91 : i1
      %add3A_98 = arith.addi %rem3A_89, %select_n3A_88 : i32
      %select_n3A_99 = arith.select %and3A_97, %add3A_98, %rem3A_89 : i32
      %mul3A_100 = arith.constant 2 : i32
      %mul3A_101 = arith.muli %arg0, %mul3A_100 : i32
      %add3A_102 = arith.addi %mul3A_101, %select_n3A_83 : i32
      %mul3A_103 = arith.constant 96 : i32
      %mul3A_104 = arith.muli %add3A_102, %mul3A_103 : i32
      %mul3A_105 = arith.constant 2 : i32
      %mul3A_106 = arith.muli %select_n3A_99, %mul3A_105 : i32
      %add3A_107 = arith.addi %mul3A_104, %mul3A_106 : i32
      %dma_wait3A = arith.constant 0 : i32
      %dma_wait3A_108 = arith.constant 0 : i32
      %dma_wait3A_109 = tpu.memref_slice %arg2[%add3A_107, %dma_wait3A, %dma_wait3A_108] : memref<384x224x224xf32, #tpu.memory_space<hbm>> -> memref<2x224x224xf32, #tpu.memory_space<hbm>>
      %dma_wait3A_110 = arith.constant 0 : i32
      %dma_wait3A_111 = arith.constant 0 : i32
      %dma_wait3A_112 = tpu.memref_slice %arg2[%add3A_107, %dma_wait3A_110, %dma_wait3A_111] : memref<384x224x224xf32, #tpu.memory_space<hbm>> -> memref<2x224x224xf32, #tpu.memory_space<hbm>>
      tpu.wait_dma2 semaphore(%arg11 : memref<!tpu.dma_semaphore, #tpu.memory_space<semaphore_mem>>) src(%dma_wait3A_112 : memref<2x224x224xf32, #tpu.memory_space<hbm>>) dst(%arg6 : memref<2x224x224xf32, #tpu.memory_space<vmem>>)
      %mul3A_113 = arith.constant 28 : i32
      %mul3A_114 = arith.muli %add3A_102, %mul3A_113 : i32
      %add3A_115 = arith.constant 0 : i32
      %add3A_116 = arith.addi %mul3A_114, %add3A_115 : i32
      %mul3A_117 = arith.constant 3 : i32
      %mul3A_118 = arith.muli %add3A_116, %mul3A_117 : i32
      %mul3A_119 = arith.constant 1792 : i32
      %mul3A_120 = arith.muli %mul3A_118, %mul3A_119 : i32
      %dma_start3A_121 = tpu.memref_slice %arg5[%mul3A_120] : memref<602112xf32, #tpu.memory_space<hbm>> -> memref<5376xf32, #tpu.memory_space<hbm>>
      %dma_start3A_122 = tpu.memref_slice %arg5[%mul3A_120] : memref<602112xf32, #tpu.memory_space<hbm>> -> memref<5376xf32, #tpu.memory_space<hbm>>
      tpu.enqueue_dma source(%dma_start3A_122 : memref<5376xf32, #tpu.memory_space<hbm>>) target(%arg7 : memref<5376xf32, #tpu.memory_space<vmem>>) target_semaphore(%arg12 : memref<!tpu.dma_semaphore, #tpu.memory_space<semaphore_mem>>)
      %scan3A_123 = arith.constant 0 : i32
      %scan3A_124 = arith.constant 0 : i32
      %scan3A_125 = arith.constant 14 : i32
      %scan3A_126 = arith.addi %scan3A_124, %scan3A_125 : i32
      %scan3A_127 = arith.constant 1 : i32
      scf.for %scan3A_158 = %scan3A_124 to %scan3A_126 step %scan3A_127  : i32 {
        %gt3A = arith.constant 0 : i32
        %gt3A_159 = arith.cmpi sgt, %scan3A_158, %gt3A : i32
        %mul3A_160 = arith.constant 2 : i32
        %mul3A_161 = arith.muli %scan3A_158, %mul3A_160 : i32
        %add3A_162 = arith.constant 0 : i32
        %add3A_163 = arith.addi %mul3A_161, %add3A_162 : i32
        %add3A_164 = arith.constant 1 : i32
        %add3A_165 = arith.addi %add3A_163, %add3A_164 : i32
        %min3A = arith.constant 27 : i32
        %min3A_166 = arith.minsi %add3A_165, %min3A : i32
        %mul3A_167 = arith.constant 28 : i32
        %mul3A_168 = arith.muli %add3A_102, %mul3A_167 : i32
        %add3A_169 = arith.addi %mul3A_168, %min3A_166 : i32
        %mul3A_170 = arith.constant 3 : i32
        %mul3A_171 = arith.muli %add3A_169, %mul3A_170 : i32
        %mul3A_172 = arith.constant 1792 : i32
        %mul3A_173 = arith.muli %mul3A_171, %mul3A_172 : i32
        %dma_start3A_174 = tpu.memref_slice %arg5[%mul3A_173] : memref<602112xf32, #tpu.memory_space<hbm>> -> memref<5376xf32, #tpu.memory_space<hbm>>
        %dma_start3A_175 = tpu.memref_slice %arg5[%mul3A_173] : memref<602112xf32, #tpu.memory_space<hbm>> -> memref<5376xf32, #tpu.memory_space<hbm>>
        tpu.enqueue_dma source(%dma_start3A_175 : memref<5376xf32, #tpu.memory_space<hbm>>) target(%arg8 : memref<5376xf32, #tpu.memory_space<vmem>>) target_semaphore(%arg13 : memref<!tpu.dma_semaphore, #tpu.memory_space<semaphore_mem>>)
        %mul3A_176 = arith.constant 28 : i32
        %mul3A_177 = arith.muli %add3A_102, %mul3A_176 : i32
        %add3A_178 = arith.addi %mul3A_177, %add3A_163 : i32
        %mul3A_179 = arith.constant 3 : i32
        %mul3A_180 = arith.muli %add3A_178, %mul3A_179 : i32
        %mul3A_181 = arith.constant 1792 : i32
        %mul3A_182 = arith.muli %mul3A_180, %mul3A_181 : i32
        %dma_wait3A_183 = tpu.memref_slice %arg5[%mul3A_182] : memref<602112xf32, #tpu.memory_space<hbm>> -> memref<5376xf32, #tpu.memory_space<hbm>>
        %dma_wait3A_184 = tpu.memref_slice %arg5[%mul3A_182] : memref<602112xf32, #tpu.memory_space<hbm>> -> memref<5376xf32, #tpu.memory_space<hbm>>
        tpu.wait_dma2 semaphore(%arg12 : memref<!tpu.dma_semaphore, #tpu.memory_space<semaphore_mem>>) src(%dma_wait3A_184 : memref<5376xf32, #tpu.memory_space<hbm>>) dst(%arg7 : memref<5376xf32, #tpu.memory_space<vmem>>)
        %convert_element_type3A_185 = arith.extui %gt3A_159 : i1 to i32
        %cond3A_186 = arith.constant 0 : i32
        %cond3A_187 = arith.cmpi ne, %convert_element_type3A_185, %cond3A_186 : i32
        scf.if %cond3A_187 {
          %add3A_271 = arith.constant 0 : i32
          %add3A_272 = arith.addi %add3A_107, %add3A_271 : i32
          %mul3A_273 = arith.constant 8 : i32
          %mul3A_274 = arith.muli %add3A_163, %mul3A_273 : i32
          %dma_wait3A_275 = arith.constant 0 : i32
          %dma_wait3A_276 = tpu.memref_slice %arg4[%add3A_272, %mul3A_274, %dma_wait3A_275] : memref<384x224x224xf32, #tpu.memory_space<hbm>> -> memref<1x8x224xf32, #tpu.memory_space<hbm>>
          %dma_wait3A_277 = arith.constant 0 : i32
          %dma_wait3A_278 = tpu.memref_slice %arg4[%add3A_272, %mul3A_274, %dma_wait3A_277] : memref<384x224x224xf32, #tpu.memory_space<hbm>> -> memref<1x8x224xf32, #tpu.memory_space<hbm>>
          tpu.wait_dma2 semaphore(%arg14 : memref<!tpu.dma_semaphore, #tpu.memory_space<semaphore_mem>>) src(%arg9 : memref<1x8x224xf32, #tpu.memory_space<vmem>>) dst(%dma_wait3A_278 : memref<1x8x224xf32, #tpu.memory_space<hbm>>)
          %add3A_279 = arith.constant 1 : i32
          %add3A_280 = arith.addi %add3A_107, %add3A_279 : i32
          %mul3A_281 = arith.constant 8 : i32
          %mul3A_282 = arith.muli %add3A_163, %mul3A_281 : i32
          %dma_wait3A_283 = arith.constant 0 : i32
          %dma_wait3A_284 = tpu.memref_slice %arg4[%add3A_280, %mul3A_282, %dma_wait3A_283] : memref<384x224x224xf32, #tpu.memory_space<hbm>> -> memref<1x8x224xf32, #tpu.memory_space<hbm>>
          %dma_wait3A_285 = arith.constant 0 : i32
          %dma_wait3A_286 = tpu.memref_slice %arg4[%add3A_280, %mul3A_282, %dma_wait3A_285] : memref<384x224x224xf32, #tpu.memory_space<hbm>> -> memref<1x8x224xf32, #tpu.memory_space<hbm>>
          tpu.wait_dma2 semaphore(%arg14 : memref<!tpu.dma_semaphore, #tpu.memory_space<semaphore_mem>>) src(%arg10 : memref<1x8x224xf32, #tpu.memory_space<vmem>>) dst(%dma_wait3A_286 : memref<1x8x224xf32, #tpu.memory_space<hbm>>)
        } else {
        }
        %parallel_loop3A = arith.constant 0 : i32
        %parallel_loop3A_188 = arith.constant 112 : i32
        %parallel_loop3A_189 = arith.constant 1 : i32
        %parallel_loop3A_190 = arith.constant 0 : i32
        %parallel_loop3A_191 = arith.constant 1 : i32
        scf.for %parallel_loop3A_271 = %parallel_loop3A to %parallel_loop3A_188 step %parallel_loop3A_189  : i32 {
          %parallel_loop3A_272 = arith.constant 14 : i32
          %parallel_loop3A_273 = arith.divsi %parallel_loop3A_271, %parallel_loop3A_272 : i32
          %parallel_loop3A_274 = arith.constant 0 : i32
          %parallel_loop3A_275 = arith.cmpi sgt, %parallel_loop3A_271, %parallel_loop3A_274 : i32
          %parallel_loop3A_276 = arith.extui %parallel_loop3A_275 : i1 to i32
          %parallel_loop3A_277 = arith.constant 0 : i32
          %parallel_loop3A_278 = arith.cmpi slt, %parallel_loop3A_271, %parallel_loop3A_277 : i32
          %parallel_loop3A_279 = arith.extui %parallel_loop3A_278 : i1 to i32
          %parallel_loop3A_280 = arith.subi %parallel_loop3A_276, %parallel_loop3A_279 : i32
          %parallel_loop3A_281 = arith.constant 0 : i32
          %parallel_loop3A_282 = arith.cmpi sgt, %parallel_loop3A_272, %parallel_loop3A_281 : i32
          %parallel_loop3A_283 = arith.extui %parallel_loop3A_282 : i1 to i32
          %parallel_loop3A_284 = arith.constant 0 : i32
          %parallel_loop3A_285 = arith.cmpi slt, %parallel_loop3A_272, %parallel_loop3A_284 : i32
          %parallel_loop3A_286 = arith.extui %parallel_loop3A_285 : i1 to i32
          %parallel_loop3A_287 = arith.subi %parallel_loop3A_283, %parallel_loop3A_286 : i32
          %parallel_loop3A_288 = arith.cmpi ne, %parallel_loop3A_280, %parallel_loop3A_287 : i32
          %parallel_loop3A_289 = arith.remsi %parallel_loop3A_271, %parallel_loop3A_272 : i32
          %parallel_loop3A_290 = arith.constant 0 : i32
          %parallel_loop3A_291 = arith.cmpi ne, %parallel_loop3A_289, %parallel_loop3A_290 : i32
          %parallel_loop3A_292 = arith.andi %parallel_loop3A_288, %parallel_loop3A_291 : i1
          %parallel_loop3A_293 = arith.constant 1 : i32
          %parallel_loop3A_294 = arith.subi %parallel_loop3A_273, %parallel_loop3A_293 : i32
          %parallel_loop3A_295 = arith.select %parallel_loop3A_292, %parallel_loop3A_294, %parallel_loop3A_273 : i32
          %parallel_loop3A_296 = arith.constant 14 : i32
          %parallel_loop3A_297 = arith.constant 0 : i32
          %parallel_loop3A_298 = arith.cmpi eq, %parallel_loop3A_296, %parallel_loop3A_297 : i32
          %parallel_loop3A_299 = arith.constant 1 : i32
          %parallel_loop3A_300 = arith.select %parallel_loop3A_298, %parallel_loop3A_299, %parallel_loop3A_296 : i32
          %parallel_loop3A_301 = arith.remsi %parallel_loop3A_271, %parallel_loop3A_300 : i32
          %parallel_loop3A_302 = arith.constant 0 : i32
          %parallel_loop3A_303 = arith.cmpi ne, %parallel_loop3A_301, %parallel_loop3A_302 : i32
          %parallel_loop3A_304 = arith.constant 0 : i32
          %parallel_loop3A_305 = arith.cmpi slt, %parallel_loop3A_301, %parallel_loop3A_304 : i32
          %parallel_loop3A_306 = arith.constant 0 : i32
          %parallel_loop3A_307 = arith.cmpi slt, %parallel_loop3A_300, %parallel_loop3A_306 : i32
          %parallel_loop3A_308 = arith.xori %parallel_loop3A_305, %parallel_loop3A_307 : i1
          %parallel_loop3A_309 = arith.andi %parallel_loop3A_308, %parallel_loop3A_303 : i1
          %parallel_loop3A_310 = arith.addi %parallel_loop3A_301, %parallel_loop3A_300 : i32
          %parallel_loop3A_311 = arith.select %parallel_loop3A_309, %parallel_loop3A_310, %parallel_loop3A_301 : i32
          %parallel_loop3A_312 = arith.constant 16 : i32
          %parallel_loop3A_313 = arith.muli %parallel_loop3A_311, %parallel_loop3A_312 : i32
          %parallel_loop3A_314 = arith.constant 16 : i32
          %parallel_loop3A_315 = arith.muli %parallel_loop3A_271, %parallel_loop3A_314 : i32
          %parallel_loop3A_316 = arith.constant 0 : i32
          %parallel_loop3A_317 = arith.addi %parallel_loop3A_316, %parallel_loop3A_315 : i32
          %parallel_loop3A_318 = arith.index_cast %parallel_loop3A_317 : i32 to index
          %parallel_loop3A_319 = tpu.vector_load %arg7[%parallel_loop3A_318] {strides = array<i32>} : memref<5376xf32, #tpu.memory_space<vmem>>, vector<16xf32>,
          %parallel_loop3A_320 = vector.bitcast %parallel_loop3A_319 : vector<16xf32> to vector<16xi32>
          %parallel_loop3A_321 = arith.constant 1792 : i32
          %parallel_loop3A_322 = arith.addi %parallel_loop3A_321, %parallel_loop3A_315 : i32
          %parallel_loop3A_323 = arith.index_cast %parallel_loop3A_322 : i32 to index
          %parallel_loop3A_324 = tpu.vector_load %arg7[%parallel_loop3A_323] {strides = array<i32>} : memref<5376xf32, #tpu.memory_space<vmem>>, vector<16xf32>,
          %parallel_loop3A_325 = vector.bitcast %parallel_loop3A_324 : vector<16xf32> to vector<32xbf16>
          %parallel_loop3A_326 = arith.constant 3584 : i32
          %parallel_loop3A_327 = arith.addi %parallel_loop3A_326, %parallel_loop3A_315 : i32
          %parallel_loop3A_328 = arith.index_cast %parallel_loop3A_327 : i32 to index
          %parallel_loop3A_329 = tpu.vector_load %arg7[%parallel_loop3A_328] {strides = array<i32>} : memref<5376xf32, #tpu.memory_space<vmem>>, vector<16xf32>,
          %parallel_loop3A_330 = vector.bitcast %parallel_loop3A_329 : vector<16xf32> to vector<32xbf16>
          %parallel_loop3A_331 = tpu.unpack_subelements %parallel_loop3A_325, 0 {pack_format = #tpu.pack_format<interleaved>} : vector<32xbf16> -> vector<16xf32>
          %parallel_loop3A_332 = tpu.unpack_subelements %parallel_loop3A_325, 1 {pack_format = #tpu.pack_format<interleaved>} : vector<32xbf16> -> vector<16xf32>
          %parallel_loop3A_333 = tpu.unpack_subelements %parallel_loop3A_330, 0 {pack_format = #tpu.pack_format<interleaved>} : vector<32xbf16> -> vector<16xf32>
          %parallel_loop3A_334 = tpu.unpack_subelements %parallel_loop3A_330, 1 {pack_format = #tpu.pack_format<interleaved>} : vector<32xbf16> -> vector<16xf32>
          %parallel_loop3A_335 = arith.constant 255 : i32
          %parallel_loop3A_336 = vector.broadcast %parallel_loop3A_335 : i32 to vector<16xi32>
          %parallel_loop3A_337 = arith.andi %parallel_loop3A_320, %parallel_loop3A_336 : vector<16xi32>
          %parallel_loop3A_338 = arith.constant 8 : i32
          %parallel_loop3A_339 = vector.broadcast %parallel_loop3A_338 : i32 to vector<16xi32>
          %parallel_loop3A_340 = arith.shrui %parallel_loop3A_320, %parallel_loop3A_339 : vector<16xi32>
          %parallel_loop3A_341 = arith.constant 255 : i32
          %parallel_loop3A_342 = vector.broadcast %parallel_loop3A_341 : i32 to vector<16xi32>
          %parallel_loop3A_343 = arith.andi %parallel_loop3A_340, %parallel_loop3A_342 : vector<16xi32>
          %parallel_loop3A_344 = arith.constant 16 : i32
          %parallel_loop3A_345 = vector.broadcast %parallel_loop3A_344 : i32 to vector<16xi32>
          %parallel_loop3A_346 = arith.shrui %parallel_loop3A_320, %parallel_loop3A_345 : vector<16xi32>
          %parallel_loop3A_347 = arith.constant 1 : i32
          %parallel_loop3A_348 = vector.broadcast %parallel_loop3A_347 : i32 to vector<16xi32>
          %parallel_loop3A_349 = arith.andi %parallel_loop3A_346, %parallel_loop3A_348 : vector<16xi32>
          %parallel_loop3A_350 = arith.constant 17 : i32
          %parallel_loop3A_351 = vector.broadcast %parallel_loop3A_350 : i32 to vector<16xi32>
          %parallel_loop3A_352 = arith.shrui %parallel_loop3A_320, %parallel_loop3A_351 : vector<16xi32>
          %parallel_loop3A_353 = arith.addi %parallel_loop3A_337, %parallel_loop3A_349 : vector<16xi32>
          %parallel_loop3A_354 = arith.addi %parallel_loop3A_343, %parallel_loop3A_352 : vector<16xi32>
          %parallel_loop3A_355 = arith.mulf %parallel_loop3A_331, %parallel_loop3A_333 : vector<16xf32>
          %parallel_loop3A_356 = arith.mulf %parallel_loop3A_332, %parallel_loop3A_333 : vector<16xf32>
          %parallel_loop3A_357 = arith.mulf %parallel_loop3A_331, %parallel_loop3A_334 : vector<16xf32>
          %parallel_loop3A_358 = arith.mulf %parallel_loop3A_332, %parallel_loop3A_334 : vector<16xf32>
          %parallel_loop3A_359 = arith.constant 0 : i32
          %parallel_loop3A_360 = arith.constant 0 : i32
          %parallel_loop3A_361 = tpu.memref_slice %arg6[%parallel_loop3A_190, %parallel_loop3A_359, %parallel_loop3A_360] : memref<2x224x224xf32, #tpu.memory_space<vmem>> -> memref<1x224x224xf32, #tpu.memory_space<vmem>>
          %parallel_loop3A_362 = tpu.memref_squeeze %parallel_loop3A_361 : memref<1x224x224xf32, #tpu.memory_space<vmem>> -> memref<224x224xf32, #tpu.memory_space<vmem>>
          %parallel_loop3A_363 = tpu.vector_load_idx %parallel_loop3A_362[%parallel_loop3A_343, %parallel_loop3A_337] : memref<224x224xf32, #tpu.memory_space<vmem>>[vector<16xi32>, vector<16xi32>], vector<16xf32>,
          %parallel_loop3A_364 = arith.constant 0 : i32
          %parallel_loop3A_365 = arith.constant 0 : i32
          %parallel_loop3A_366 = tpu.memref_slice %arg6[%parallel_loop3A_190, %parallel_loop3A_364, %parallel_loop3A_365] : memref<2x224x224xf32, #tpu.memory_space<vmem>> -> memref<1x224x224xf32, #tpu.memory_space<vmem>>
          %parallel_loop3A_367 = tpu.memref_squeeze %parallel_loop3A_366 : memref<1x224x224xf32, #tpu.memory_space<vmem>> -> memref<224x224xf32, #tpu.memory_space<vmem>>
          %parallel_loop3A_368 = tpu.vector_load_idx %parallel_loop3A_367[%parallel_loop3A_343, %parallel_loop3A_353] : memref<224x224xf32, #tpu.memory_space<vmem>>[vector<16xi32>, vector<16xi32>], vector<16xf32>,
          %parallel_loop3A_369 = arith.constant 0 : i32
          %parallel_loop3A_370 = arith.constant 0 : i32
          %parallel_loop3A_371 = tpu.memref_slice %arg6[%parallel_loop3A_190, %parallel_loop3A_369, %parallel_loop3A_370] : memref<2x224x224xf32, #tpu.memory_space<vmem>> -> memref<1x224x224xf32, #tpu.memory_space<vmem>>
          %parallel_loop3A_372 = tpu.memref_squeeze %parallel_loop3A_371 : memref<1x224x224xf32, #tpu.memory_space<vmem>> -> memref<224x224xf32, #tpu.memory_space<vmem>>
          %parallel_loop3A_373 = tpu.vector_load_idx %parallel_loop3A_372[%parallel_loop3A_354, %parallel_loop3A_337] : memref<224x224xf32, #tpu.memory_space<vmem>>[vector<16xi32>, vector<16xi32>], vector<16xf32>,
          %parallel_loop3A_374 = arith.constant 0 : i32
          %parallel_loop3A_375 = arith.constant 0 : i32
          %parallel_loop3A_376 = tpu.memref_slice %arg6[%parallel_loop3A_190, %parallel_loop3A_374, %parallel_loop3A_375] : memref<2x224x224xf32, #tpu.memory_space<vmem>> -> memref<1x224x224xf32, #tpu.memory_space<vmem>>
          %parallel_loop3A_377 = tpu.memref_squeeze %parallel_loop3A_376 : memref<1x224x224xf32, #tpu.memory_space<vmem>> -> memref<224x224xf32, #tpu.memory_space<vmem>>
          %parallel_loop3A_378 = tpu.vector_load_idx %parallel_loop3A_377[%parallel_loop3A_354, %parallel_loop3A_353] : memref<224x224xf32, #tpu.memory_space<vmem>>[vector<16xi32>, vector<16xi32>], vector<16xf32>,
          %parallel_loop3A_379 = arith.mulf %parallel_loop3A_355, %parallel_loop3A_363 : vector<16xf32>
          %parallel_loop3A_380 = arith.mulf %parallel_loop3A_356, %parallel_loop3A_368 : vector<16xf32>
          %parallel_loop3A_381 = arith.addf %parallel_loop3A_379, %parallel_loop3A_380 : vector<16xf32>
          %parallel_loop3A_382 = arith.mulf %parallel_loop3A_357, %parallel_loop3A_373 : vector<16xf32>
          %parallel_loop3A_383 = arith.addf %parallel_loop3A_381, %parallel_loop3A_382 : vector<16xf32>
          %parallel_loop3A_384 = arith.mulf %parallel_loop3A_358, %parallel_loop3A_378 : vector<16xf32>
          %parallel_loop3A_385 = arith.addf %parallel_loop3A_383, %parallel_loop3A_384 : vector<16xf32>
          %parallel_loop3A_386 = arith.constant 0 : i32
          %parallel_loop3A_387 = arith.index_cast %parallel_loop3A_386 : i32 to index
          %parallel_loop3A_388 = arith.index_cast %parallel_loop3A_295 : i32 to index
          %parallel_loop3A_389 = arith.index_cast %parallel_loop3A_313 : i32 to index
          %parallel_loop3A_390 = tpu.vector_load %arg9[%parallel_loop3A_387, %parallel_loop3A_388, %parallel_loop3A_389] {strides = array<i32>} : memref<1x8x224xf32, #tpu.memory_space<vmem>>, vector<16xf32>,
          tpu.vector_store %arg9[%parallel_loop3A_387, %parallel_loop3A_388, %parallel_loop3A_389], %parallel_loop3A_385 {strides = array<i32>} : memref<1x8x224xf32, #tpu.memory_space<vmem>>, vector<16xf32>,
          %parallel_loop3A_391 = arith.constant 0 : i32
          %parallel_loop3A_392 = arith.constant 0 : i32
          %parallel_loop3A_393 = tpu.memref_slice %arg6[%parallel_loop3A_191, %parallel_loop3A_391, %parallel_loop3A_392] : memref<2x224x224xf32, #tpu.memory_space<vmem>> -> memref<1x224x224xf32, #tpu.memory_space<vmem>>
          %parallel_loop3A_394 = tpu.memref_squeeze %parallel_loop3A_393 : memref<1x224x224xf32, #tpu.memory_space<vmem>> -> memref<224x224xf32, #tpu.memory_space<vmem>>
          %parallel_loop3A_395 = tpu.vector_load_idx %parallel_loop3A_394[%parallel_loop3A_343, %parallel_loop3A_337] : memref<224x224xf32, #tpu.memory_space<vmem>>[vector<16xi32>, vector<16xi32>], vector<16xf32>,
          %parallel_loop3A_396 = arith.constant 0 : i32
          %parallel_loop3A_397 = arith.constant 0 : i32
          %parallel_loop3A_398 = tpu.memref_slice %arg6[%parallel_loop3A_191, %parallel_loop3A_396, %parallel_loop3A_397] : memref<2x224x224xf32, #tpu.memory_space<vmem>> -> memref<1x224x224xf32, #tpu.memory_space<vmem>>
          %parallel_loop3A_399 = tpu.memref_squeeze %parallel_loop3A_398 : memref<1x224x224xf32, #tpu.memory_space<vmem>> -> memref<224x224xf32, #tpu.memory_space<vmem>>
          %parallel_loop3A_400 = tpu.vector_load_idx %parallel_loop3A_399[%parallel_loop3A_343, %parallel_loop3A_353] : memref<224x224xf32, #tpu.memory_space<vmem>>[vector<16xi32>, vector<16xi32>], vector<16xf32>,
          %parallel_loop3A_401 = arith.constant 0 : i32
          %parallel_loop3A_402 = arith.constant 0 : i32
          %parallel_loop3A_403 = tpu.memref_slice %arg6[%parallel_loop3A_191, %parallel_loop3A_401, %parallel_loop3A_402] : memref<2x224x224xf32, #tpu.memory_space<vmem>> -> memref<1x224x224xf32, #tpu.memory_space<vmem>>
          %parallel_loop3A_404 = tpu.memref_squeeze %parallel_loop3A_403 : memref<1x224x224xf32, #tpu.memory_space<vmem>> -> memref<224x224xf32, #tpu.memory_space<vmem>>
          %parallel_loop3A_405 = tpu.vector_load_idx %parallel_loop3A_404[%parallel_loop3A_354, %parallel_loop3A_337] : memref<224x224xf32, #tpu.memory_space<vmem>>[vector<16xi32>, vector<16xi32>], vector<16xf32>,
          %parallel_loop3A_406 = arith.constant 0 : i32
          %parallel_loop3A_407 = arith.constant 0 : i32
          %parallel_loop3A_408 = tpu.memref_slice %arg6[%parallel_loop3A_191, %parallel_loop3A_406, %parallel_loop3A_407] : memref<2x224x224xf32, #tpu.memory_space<vmem>> -> memref<1x224x224xf32, #tpu.memory_space<vmem>>
          %parallel_loop3A_409 = tpu.memref_squeeze %parallel_loop3A_408 : memref<1x224x224xf32, #tpu.memory_space<vmem>> -> memref<224x224xf32, #tpu.memory_space<vmem>>
          %parallel_loop3A_410 = tpu.vector_load_idx %parallel_loop3A_409[%parallel_loop3A_354, %parallel_loop3A_353] : memref<224x224xf32, #tpu.memory_space<vmem>>[vector<16xi32>, vector<16xi32>], vector<16xf32>,
          %parallel_loop3A_411 = arith.mulf %parallel_loop3A_355, %parallel_loop3A_395 : vector<16xf32>
          %parallel_loop3A_412 = arith.mulf %parallel_loop3A_356, %parallel_loop3A_400 : vector<16xf32>
          %parallel_loop3A_413 = arith.addf %parallel_loop3A_411, %parallel_loop3A_412 : vector<16xf32>
          %parallel_loop3A_414 = arith.mulf %parallel_loop3A_357, %parallel_loop3A_405 : vector<16xf32>
          %parallel_loop3A_415 = arith.addf %parallel_loop3A_413, %parallel_loop3A_414 : vector<16xf32>
          %parallel_loop3A_416 = arith.mulf %parallel_loop3A_358, %parallel_loop3A_410 : vector<16xf32>
          %parallel_loop3A_417 = arith.addf %parallel_loop3A_415, %parallel_loop3A_416 : vector<16xf32>
          %parallel_loop3A_418 = arith.constant 0 : i32
          %parallel_loop3A_419 = arith.index_cast %parallel_loop3A_418 : i32 to index
          %parallel_loop3A_420 = arith.index_cast %parallel_loop3A_295 : i32 to index
          %parallel_loop3A_421 = arith.index_cast %parallel_loop3A_313 : i32 to index
          %parallel_loop3A_422 = tpu.vector_load %arg10[%parallel_loop3A_419, %parallel_loop3A_420, %parallel_loop3A_421] {strides = array<i32>} : memref<1x8x224xf32, #tpu.memory_space<vmem>>, vector<16xf32>,
          tpu.vector_store %arg10[%parallel_loop3A_419, %parallel_loop3A_420, %parallel_loop3A_421], %parallel_loop3A_417 {strides = array<i32>} : memref<1x8x224xf32, #tpu.memory_space<vmem>>, vector<16xf32>,
        } {sc.loop_unroll_factor = 2 : i64, sc.parallel_access}
        %add3A_192 = arith.constant 0 : i32
        %add3A_193 = arith.addi %add3A_107, %add3A_192 : i32
        %mul3A_194 = arith.constant 8 : i32
        %mul3A_195 = arith.muli %add3A_163, %mul3A_194 : i32
        %dma_start3A_196 = arith.constant 0 : i32
        %dma_start3A_197 = tpu.memref_slice %arg4[%add3A_193, %mul3A_195, %dma_start3A_196] : memref<384x224x224xf32, #tpu.memory_space<hbm>> -> memref<1x8x224xf32, #tpu.memory_space<hbm>>
        %dma_start3A_198 = arith.constant 0 : i32
        %dma_start3A_199 = tpu.memref_slice %arg4[%add3A_193, %mul3A_195, %dma_start3A_198] : memref<384x224x224xf32, #tpu.memory_space<hbm>> -> memref<1x8x224xf32, #tpu.memory_space<hbm>>
        tpu.enqueue_dma source(%arg9 : memref<1x8x224xf32, #tpu.memory_space<vmem>>) target(%dma_start3A_199 : memref<1x8x224xf32, #tpu.memory_space<hbm>>) target_semaphore(%arg14 : memref<!tpu.dma_semaphore, #tpu.memory_space<semaphore_mem>>)
        %add3A_200 = arith.constant 1 : i32
        %add3A_201 = arith.addi %add3A_107, %add3A_200 : i32
        %mul3A_202 = arith.constant 8 : i32
        %mul3A_203 = arith.muli %add3A_163, %mul3A_202 : i32
        %dma_start3A_204 = arith.constant 0 : i32
        %dma_start3A_205 = tpu.memref_slice %arg4[%add3A_201, %mul3A_203, %dma_start3A_204] : memref<384x224x224xf32, #tpu.memory_space<hbm>> -> memref<1x8x224xf32, #tpu.memory_space<hbm>>
        %dma_start3A_206 = arith.constant 0 : i32
        %dma_start3A_207 = tpu.memref_slice %arg4[%add3A_201, %mul3A_203, %dma_start3A_206] : memref<384x224x224xf32, #tpu.memory_space<hbm>> -> memref<1x8x224xf32, #tpu.memory_space<hbm>>
        tpu.enqueue_dma source(%arg10 : memref<1x8x224xf32, #tpu.memory_space<vmem>>) target(%dma_start3A_207 : memref<1x8x224xf32, #tpu.memory_space<hbm>>) target_semaphore(%arg14 : memref<!tpu.dma_semaphore, #tpu.memory_space<semaphore_mem>>)
        %mul3A_208 = arith.constant 2 : i32
        %mul3A_209 = arith.muli %scan3A_158, %mul3A_208 : i32
        %add3A_210 = arith.constant 1 : i32
        %add3A_211 = arith.addi %mul3A_209, %add3A_210 : i32
        %add3A_212 = arith.constant 1 : i32
        %add3A_213 = arith.addi %add3A_211, %add3A_212 : i32
        %min3A_214 = arith.constant 27 : i32
        %min3A_215 = arith.minsi %add3A_213, %min3A_214 : i32
        %mul3A_216 = arith.constant 28 : i32
        %mul3A_217 = arith.muli %add3A_102, %mul3A_216 : i32
        %add3A_218 = arith.addi %mul3A_217, %min3A_215 : i32
        %mul3A_219 = arith.constant 3 : i32
        %mul3A_220 = arith.muli %add3A_218, %mul3A_219 : i32
        %mul3A_221 = arith.constant 1792 : i32
        %mul3A_222 = arith.muli %mul3A_220, %mul3A_221 : i32
        %dma_start3A_223 = tpu.memref_slice %arg5[%mul3A_222] : memref<602112xf32, #tpu.memory_space<hbm>> -> memref<5376xf32, #tpu.memory_space<hbm>>
        %dma_start3A_224 = tpu.memref_slice %arg5[%mul3A_222] : memref<602112xf32, #tpu.memory_space<hbm>> -> memref<5376xf32, #tpu.memory_space<hbm>>
        tpu.enqueue_dma source(%dma_start3A_224 : memref<5376xf32, #tpu.memory_space<hbm>>) target(%arg7 : memref<5376xf32, #tpu.memory_space<vmem>>) target_semaphore(%arg12 : memref<!tpu.dma_semaphore, #tpu.memory_space<semaphore_mem>>)
        %mul3A_225 = arith.constant 28 : i32
        %mul3A_226 = arith.muli %add3A_102, %mul3A_225 : i32
        %add3A_227 = arith.addi %mul3A_226, %add3A_211 : i32
        %mul3A_228 = arith.constant 3 : i32
        %mul3A_229 = arith.muli %add3A_227, %mul3A_228 : i32
        %mul3A_230 = arith.constant 1792 : i32
        %mul3A_231 = arith.muli %mul3A_229, %mul3A_230 : i32
        %dma_wait3A_232 = tpu.memref_slice %arg5[%mul3A_231] : memref<602112xf32, #tpu.memory_space<hbm>> -> memref<5376xf32, #tpu.memory_space<hbm>>
        %dma_wait3A_233 = tpu.memref_slice %arg5[%mul3A_231] : memref<602112xf32, #tpu.memory_space<hbm>> -> memref<5376xf32, #tpu.memory_space<hbm>>
        tpu.wait_dma2 semaphore(%arg13 : memref<!tpu.dma_semaphore, #tpu.memory_space<semaphore_mem>>) src(%dma_wait3A_233 : memref<5376xf32, #tpu.memory_space<hbm>>) dst(%arg8 : memref<5376xf32, #tpu.memory_space<vmem>>)
        %add3A_234 = arith.constant 0 : i32
        %add3A_235 = arith.addi %add3A_107, %add3A_234 : i32
        %mul3A_236 = arith.constant 8 : i32
        %mul3A_237 = arith.muli %add3A_211, %mul3A_236 : i32
        %dma_wait3A_238 = arith.constant 0 : i32
        %dma_wait3A_239 = tpu.memref_slice %arg4[%add3A_235, %mul3A_237, %dma_wait3A_238] : memref<384x224x224xf32, #tpu.memory_space<hbm>> -> memref<1x8x224xf32, #tpu.memory_space<hbm>>
        %dma_wait3A_240 = arith.constant 0 : i32
        %dma_wait3A_241 = tpu.memref_slice %arg4[%add3A_235, %mul3A_237, %dma_wait3A_240] : memref<384x224x224xf32, #tpu.memory_space<hbm>> -> memref<1x8x224xf32, #tpu.memory_space<hbm>>
        tpu.wait_dma2 semaphore(%arg14 : memref<!tpu.dma_semaphore, #tpu.memory_space<semaphore_mem>>) src(%arg9 : memref<1x8x224xf32, #tpu.memory_space<vmem>>) dst(%dma_wait3A_241 : memref<1x8x224xf32, #tpu.memory_space<hbm>>)
        %add3A_242 = arith.constant 1 : i32
        %add3A_243 = arith.addi %add3A_107, %add3A_242 : i32
        %mul3A_244 = arith.constant 8 : i32
        %mul3A_245 = arith.muli %add3A_211, %mul3A_244 : i32
        %dma_wait3A_246 = arith.constant 0 : i32
        %dma_wait3A_247 = tpu.memref_slice %arg4[%add3A_243, %mul3A_245, %dma_wait3A_246] : memref<384x224x224xf32, #tpu.memory_space<hbm>> -> memref<1x8x224xf32, #tpu.memory_space<hbm>>
        %dma_wait3A_248 = arith.constant 0 : i32
        %dma_wait3A_249 = tpu.memref_slice %arg4[%add3A_243, %mul3A_245, %dma_wait3A_248] : memref<384x224x224xf32, #tpu.memory_space<hbm>> -> memref<1x8x224xf32, #tpu.memory_space<hbm>>
        tpu.wait_dma2 semaphore(%arg14 : memref<!tpu.dma_semaphore, #tpu.memory_space<semaphore_mem>>) src(%arg10 : memref<1x8x224xf32, #tpu.memory_space<vmem>>) dst(%dma_wait3A_249 : memref<1x8x224xf32, #tpu.memory_space<hbm>>)
        %parallel_loop3A_250 = arith.constant 0 : i32
        %parallel_loop3A_251 = arith.constant 112 : i32
        %parallel_loop3A_252 = arith.constant 1 : i32
        %parallel_loop3A_253 = arith.constant 0 : i32
        %parallel_loop3A_254 = arith.constant 1 : i32
        scf.for %parallel_loop3A_271 = %parallel_loop3A_250 to %parallel_loop3A_251 step %parallel_loop3A_252  : i32 {
          %parallel_loop3A_272 = arith.constant 14 : i32
          %parallel_loop3A_273 = arith.divsi %parallel_loop3A_271, %parallel_loop3A_272 : i32
          %parallel_loop3A_274 = arith.constant 0 : i32
          %parallel_loop3A_275 = arith.cmpi sgt, %parallel_loop3A_271, %parallel_loop3A_274 : i32
          %parallel_loop3A_276 = arith.extui %parallel_loop3A_275 : i1 to i32
          %parallel_loop3A_277 = arith.constant 0 : i32
          %parallel_loop3A_278 = arith.cmpi slt, %parallel_loop3A_271, %parallel_loop3A_277 : i32
          %parallel_loop3A_279 = arith.extui %parallel_loop3A_278 : i1 to i32
          %parallel_loop3A_280 = arith.subi %parallel_loop3A_276, %parallel_loop3A_279 : i32
          %parallel_loop3A_281 = arith.constant 0 : i32
          %parallel_loop3A_282 = arith.cmpi sgt, %parallel_loop3A_272, %parallel_loop3A_281 : i32
          %parallel_loop3A_283 = arith.extui %parallel_loop3A_282 : i1 to i32
          %parallel_loop3A_284 = arith.constant 0 : i32
          %parallel_loop3A_285 = arith.cmpi slt, %parallel_loop3A_272, %parallel_loop3A_284 : i32
          %parallel_loop3A_286 = arith.extui %parallel_loop3A_285 : i1 to i32
          %parallel_loop3A_287 = arith.subi %parallel_loop3A_283, %parallel_loop3A_286 : i32
          %parallel_loop3A_288 = arith.cmpi ne, %parallel_loop3A_280, %parallel_loop3A_287 : i32
          %parallel_loop3A_289 = arith.remsi %parallel_loop3A_271, %parallel_loop3A_272 : i32
          %parallel_loop3A_290 = arith.constant 0 : i32
          %parallel_loop3A_291 = arith.cmpi ne, %parallel_loop3A_289, %parallel_loop3A_290 : i32
          %parallel_loop3A_292 = arith.andi %parallel_loop3A_288, %parallel_loop3A_291 : i1
          %parallel_loop3A_293 = arith.constant 1 : i32
          %parallel_loop3A_294 = arith.subi %parallel_loop3A_273, %parallel_loop3A_293 : i32
          %parallel_loop3A_295 = arith.select %parallel_loop3A_292, %parallel_loop3A_294, %parallel_loop3A_273 : i32
          %parallel_loop3A_296 = arith.constant 14 : i32
          %parallel_loop3A_297 = arith.constant 0 : i32
          %parallel_loop3A_298 = arith.cmpi eq, %parallel_loop3A_296, %parallel_loop3A_297 : i32
          %parallel_loop3A_299 = arith.constant 1 : i32
          %parallel_loop3A_300 = arith.select %parallel_loop3A_298, %parallel_loop3A_299, %parallel_loop3A_296 : i32
          %parallel_loop3A_301 = arith.remsi %parallel_loop3A_271, %parallel_loop3A_300 : i32
          %parallel_loop3A_302 = arith.constant 0 : i32
          %parallel_loop3A_303 = arith.cmpi ne, %parallel_loop3A_301, %parallel_loop3A_302 : i32
          %parallel_loop3A_304 = arith.constant 0 : i32
          %parallel_loop3A_305 = arith.cmpi slt, %parallel_loop3A_301, %parallel_loop3A_304 : i32
          %parallel_loop3A_306 = arith.constant 0 : i32
          %parallel_loop3A_307 = arith.cmpi slt, %parallel_loop3A_300, %parallel_loop3A_306 : i32
          %parallel_loop3A_308 = arith.xori %parallel_loop3A_305, %parallel_loop3A_307 : i1
          %parallel_loop3A_309 = arith.andi %parallel_loop3A_308, %parallel_loop3A_303 : i1
          %parallel_loop3A_310 = arith.addi %parallel_loop3A_301, %parallel_loop3A_300 : i32
          %parallel_loop3A_311 = arith.select %parallel_loop3A_309, %parallel_loop3A_310, %parallel_loop3A_301 : i32
          %parallel_loop3A_312 = arith.constant 16 : i32
          %parallel_loop3A_313 = arith.muli %parallel_loop3A_311, %parallel_loop3A_312 : i32
          %parallel_loop3A_314 = arith.constant 16 : i32
          %parallel_loop3A_315 = arith.muli %parallel_loop3A_271, %parallel_loop3A_314 : i32
          %parallel_loop3A_316 = arith.constant 0 : i32
          %parallel_loop3A_317 = arith.addi %parallel_loop3A_316, %parallel_loop3A_315 : i32
          %parallel_loop3A_318 = arith.index_cast %parallel_loop3A_317 : i32 to index
          %parallel_loop3A_319 = tpu.vector_load %arg8[%parallel_loop3A_318] {strides = array<i32>} : memref<5376xf32, #tpu.memory_space<vmem>>, vector<16xf32>,
          %parallel_loop3A_320 = vector.bitcast %parallel_loop3A_319 : vector<16xf32> to vector<16xi32>
          %parallel_loop3A_321 = arith.constant 1792 : i32
          %parallel_loop3A_322 = arith.addi %parallel_loop3A_321, %parallel_loop3A_315 : i32
          %parallel_loop3A_323 = arith.index_cast %parallel_loop3A_322 : i32 to index
          %parallel_loop3A_324 = tpu.vector_load %arg8[%parallel_loop3A_323] {strides = array<i32>} : memref<5376xf32, #tpu.memory_space<vmem>>, vector<16xf32>,
          %parallel_loop3A_325 = vector.bitcast %parallel_loop3A_324 : vector<16xf32> to vector<32xbf16>
          %parallel_loop3A_326 = arith.constant 3584 : i32
          %parallel_loop3A_327 = arith.addi %parallel_loop3A_326, %parallel_loop3A_315 : i32
          %parallel_loop3A_328 = arith.index_cast %parallel_loop3A_327 : i32 to index
          %parallel_loop3A_329 = tpu.vector_load %arg8[%parallel_loop3A_328] {strides = array<i32>} : memref<5376xf32, #tpu.memory_space<vmem>>, vector<16xf32>,
          %parallel_loop3A_330 = vector.bitcast %parallel_loop3A_329 : vector<16xf32> to vector<32xbf16>
          %parallel_loop3A_331 = tpu.unpack_subelements %parallel_loop3A_325, 0 {pack_format = #tpu.pack_format<interleaved>} : vector<32xbf16> -> vector<16xf32>
          %parallel_loop3A_332 = tpu.unpack_subelements %parallel_loop3A_325, 1 {pack_format = #tpu.pack_format<interleaved>} : vector<32xbf16> -> vector<16xf32>
          %parallel_loop3A_333 = tpu.unpack_subelements %parallel_loop3A_330, 0 {pack_format = #tpu.pack_format<interleaved>} : vector<32xbf16> -> vector<16xf32>
          %parallel_loop3A_334 = tpu.unpack_subelements %parallel_loop3A_330, 1 {pack_format = #tpu.pack_format<interleaved>} : vector<32xbf16> -> vector<16xf32>
          %parallel_loop3A_335 = arith.constant 255 : i32
          %parallel_loop3A_336 = vector.broadcast %parallel_loop3A_335 : i32 to vector<16xi32>
          %parallel_loop3A_337 = arith.andi %parallel_loop3A_320, %parallel_loop3A_336 : vector<16xi32>
          %parallel_loop3A_338 = arith.constant 8 : i32
          %parallel_loop3A_339 = vector.broadcast %parallel_loop3A_338 : i32 to vector<16xi32>
          %parallel_loop3A_340 = arith.shrui %parallel_loop3A_320, %parallel_loop3A_339 : vector<16xi32>
          %parallel_loop3A_341 = arith.constant 255 : i32
          %parallel_loop3A_342 = vector.broadcast %parallel_loop3A_341 : i32 to vector<16xi32>
          %parallel_loop3A_343 = arith.andi %parallel_loop3A_340, %parallel_loop3A_342 : vector<16xi32>
          %parallel_loop3A_344 = arith.constant 16 : i32
          %parallel_loop3A_345 = vector.broadcast %parallel_loop3A_344 : i32 to vector<16xi32>
          %parallel_loop3A_346 = arith.shrui %parallel_loop3A_320, %parallel_loop3A_345 : vector<16xi32>
          %parallel_loop3A_347 = arith.constant 1 : i32
          %parallel_loop3A_348 = vector.broadcast %parallel_loop3A_347 : i32 to vector<16xi32>
          %parallel_loop3A_349 = arith.andi %parallel_loop3A_346, %parallel_loop3A_348 : vector<16xi32>
          %parallel_loop3A_350 = arith.constant 17 : i32
          %parallel_loop3A_351 = vector.broadcast %parallel_loop3A_350 : i32 to vector<16xi32>
          %parallel_loop3A_352 = arith.shrui %parallel_loop3A_320, %parallel_loop3A_351 : vector<16xi32>
          %parallel_loop3A_353 = arith.addi %parallel_loop3A_337, %parallel_loop3A_349 : vector<16xi32>
          %parallel_loop3A_354 = arith.addi %parallel_loop3A_343, %parallel_loop3A_352 : vector<16xi32>
          %parallel_loop3A_355 = arith.mulf %parallel_loop3A_331, %parallel_loop3A_333 : vector<16xf32>
          %parallel_loop3A_356 = arith.mulf %parallel_loop3A_332, %parallel_loop3A_333 : vector<16xf32>
          %parallel_loop3A_357 = arith.mulf %parallel_loop3A_331, %parallel_loop3A_334 : vector<16xf32>
          %parallel_loop3A_358 = arith.mulf %parallel_loop3A_332, %parallel_loop3A_334 : vector<16xf32>
          %parallel_loop3A_359 = arith.constant 0 : i32
          %parallel_loop3A_360 = arith.constant 0 : i32
          %parallel_loop3A_361 = tpu.memref_slice %arg6[%parallel_loop3A_253, %parallel_loop3A_359, %parallel_loop3A_360] : memref<2x224x224xf32, #tpu.memory_space<vmem>> -> memref<1x224x224xf32, #tpu.memory_space<vmem>>
          %parallel_loop3A_362 = tpu.memref_squeeze %parallel_loop3A_361 : memref<1x224x224xf32, #tpu.memory_space<vmem>> -> memref<224x224xf32, #tpu.memory_space<vmem>>
          %parallel_loop3A_363 = tpu.vector_load_idx %parallel_loop3A_362[%parallel_loop3A_343, %parallel_loop3A_337] : memref<224x224xf32, #tpu.memory_space<vmem>>[vector<16xi32>, vector<16xi32>], vector<16xf32>,
          %parallel_loop3A_364 = arith.constant 0 : i32
          %parallel_loop3A_365 = arith.constant 0 : i32
          %parallel_loop3A_366 = tpu.memref_slice %arg6[%parallel_loop3A_253, %parallel_loop3A_364, %parallel_loop3A_365] : memref<2x224x224xf32, #tpu.memory_space<vmem>> -> memref<1x224x224xf32, #tpu.memory_space<vmem>>
          %parallel_loop3A_367 = tpu.memref_squeeze %parallel_loop3A_366 : memref<1x224x224xf32, #tpu.memory_space<vmem>> -> memref<224x224xf32, #tpu.memory_space<vmem>>
          %parallel_loop3A_368 = tpu.vector_load_idx %parallel_loop3A_367[%parallel_loop3A_343, %parallel_loop3A_353] : memref<224x224xf32, #tpu.memory_space<vmem>>[vector<16xi32>, vector<16xi32>], vector<16xf32>,
          %parallel_loop3A_369 = arith.constant 0 : i32
          %parallel_loop3A_370 = arith.constant 0 : i32
          %parallel_loop3A_371 = tpu.memref_slice %arg6[%parallel_loop3A_253, %parallel_loop3A_369, %parallel_loop3A_370] : memref<2x224x224xf32, #tpu.memory_space<vmem>> -> memref<1x224x224xf32, #tpu.memory_space<vmem>>
          %parallel_loop3A_372 = tpu.memref_squeeze %parallel_loop3A_371 : memref<1x224x224xf32, #tpu.memory_space<vmem>> -> memref<224x224xf32, #tpu.memory_space<vmem>>
          %parallel_loop3A_373 = tpu.vector_load_idx %parallel_loop3A_372[%parallel_loop3A_354, %parallel_loop3A_337] : memref<224x224xf32, #tpu.memory_space<vmem>>[vector<16xi32>, vector<16xi32>], vector<16xf32>,
          %parallel_loop3A_374 = arith.constant 0 : i32
          %parallel_loop3A_375 = arith.constant 0 : i32
          %parallel_loop3A_376 = tpu.memref_slice %arg6[%parallel_loop3A_253, %parallel_loop3A_374, %parallel_loop3A_375] : memref<2x224x224xf32, #tpu.memory_space<vmem>> -> memref<1x224x224xf32, #tpu.memory_space<vmem>>
          %parallel_loop3A_377 = tpu.memref_squeeze %parallel_loop3A_376 : memref<1x224x224xf32, #tpu.memory_space<vmem>> -> memref<224x224xf32, #tpu.memory_space<vmem>>
          %parallel_loop3A_378 = tpu.vector_load_idx %parallel_loop3A_377[%parallel_loop3A_354, %parallel_loop3A_353] : memref<224x224xf32, #tpu.memory_space<vmem>>[vector<16xi32>, vector<16xi32>], vector<16xf32>,
          %parallel_loop3A_379 = arith.mulf %parallel_loop3A_355, %parallel_loop3A_363 : vector<16xf32>
          %parallel_loop3A_380 = arith.mulf %parallel_loop3A_356, %parallel_loop3A_368 : vector<16xf32>
          %parallel_loop3A_381 = arith.addf %parallel_loop3A_379, %parallel_loop3A_380 : vector<16xf32>
          %parallel_loop3A_382 = arith.mulf %parallel_loop3A_357, %parallel_loop3A_373 : vector<16xf32>
          %parallel_loop3A_383 = arith.addf %parallel_loop3A_381, %parallel_loop3A_382 : vector<16xf32>
          %parallel_loop3A_384 = arith.mulf %parallel_loop3A_358, %parallel_loop3A_378 : vector<16xf32>
          %parallel_loop3A_385 = arith.addf %parallel_loop3A_383, %parallel_loop3A_384 : vector<16xf32>
          %parallel_loop3A_386 = arith.constant 0 : i32
          %parallel_loop3A_387 = arith.index_cast %parallel_loop3A_386 : i32 to index
          %parallel_loop3A_388 = arith.index_cast %parallel_loop3A_295 : i32 to index
          %parallel_loop3A_389 = arith.index_cast %parallel_loop3A_313 : i32 to index
          %parallel_loop3A_390 = tpu.vector_load %arg9[%parallel_loop3A_387, %parallel_loop3A_388, %parallel_loop3A_389] {strides = array<i32>} : memref<1x8x224xf32, #tpu.memory_space<vmem>>, vector<16xf32>,
          tpu.vector_store %arg9[%parallel_loop3A_387, %parallel_loop3A_388, %parallel_loop3A_389], %parallel_loop3A_385 {strides = array<i32>} : memref<1x8x224xf32, #tpu.memory_space<vmem>>, vector<16xf32>,
          %parallel_loop3A_391 = arith.constant 0 : i32
          %parallel_loop3A_392 = arith.constant 0 : i32
          %parallel_loop3A_393 = tpu.memref_slice %arg6[%parallel_loop3A_254, %parallel_loop3A_391, %parallel_loop3A_392] : memref<2x224x224xf32, #tpu.memory_space<vmem>> -> memref<1x224x224xf32, #tpu.memory_space<vmem>>
          %parallel_loop3A_394 = tpu.memref_squeeze %parallel_loop3A_393 : memref<1x224x224xf32, #tpu.memory_space<vmem>> -> memref<224x224xf32, #tpu.memory_space<vmem>>
          %parallel_loop3A_395 = tpu.vector_load_idx %parallel_loop3A_394[%parallel_loop3A_343, %parallel_loop3A_337] : memref<224x224xf32, #tpu.memory_space<vmem>>[vector<16xi32>, vector<16xi32>], vector<16xf32>,
          %parallel_loop3A_396 = arith.constant 0 : i32
          %parallel_loop3A_397 = arith.constant 0 : i32
          %parallel_loop3A_398 = tpu.memref_slice %arg6[%parallel_loop3A_254, %parallel_loop3A_396, %parallel_loop3A_397] : memref<2x224x224xf32, #tpu.memory_space<vmem>> -> memref<1x224x224xf32, #tpu.memory_space<vmem>>
          %parallel_loop3A_399 = tpu.memref_squeeze %parallel_loop3A_398 : memref<1x224x224xf32, #tpu.memory_space<vmem>> -> memref<224x224xf32, #tpu.memory_space<vmem>>
          %parallel_loop3A_400 = tpu.vector_load_idx %parallel_loop3A_399[%parallel_loop3A_343, %parallel_loop3A_353] : memref<224x224xf32, #tpu.memory_space<vmem>>[vector<16xi32>, vector<16xi32>], vector<16xf32>,
          %parallel_loop3A_401 = arith.constant 0 : i32
          %parallel_loop3A_402 = arith.constant 0 : i32
          %parallel_loop3A_403 = tpu.memref_slice %arg6[%parallel_loop3A_254, %parallel_loop3A_401, %parallel_loop3A_402] : memref<2x224x224xf32, #tpu.memory_space<vmem>> -> memref<1x224x224xf32, #tpu.memory_space<vmem>>
          %parallel_loop3A_404 = tpu.memref_squeeze %parallel_loop3A_403 : memref<1x224x224xf32, #tpu.memory_space<vmem>> -> memref<224x224xf32, #tpu.memory_space<vmem>>
          %parallel_loop3A_405 = tpu.vector_load_idx %parallel_loop3A_404[%parallel_loop3A_354, %parallel_loop3A_337] : memref<224x224xf32, #tpu.memory_space<vmem>>[vector<16xi32>, vector<16xi32>], vector<16xf32>,
          %parallel_loop3A_406 = arith.constant 0 : i32
          %parallel_loop3A_407 = arith.constant 0 : i32
          %parallel_loop3A_408 = tpu.memref_slice %arg6[%parallel_loop3A_254, %parallel_loop3A_406, %parallel_loop3A_407] : memref<2x224x224xf32, #tpu.memory_space<vmem>> -> memref<1x224x224xf32, #tpu.memory_space<vmem>>
          %parallel_loop3A_409 = tpu.memref_squeeze %parallel_loop3A_408 : memref<1x224x224xf32, #tpu.memory_space<vmem>> -> memref<224x224xf32, #tpu.memory_space<vmem>>
          %parallel_loop3A_410 = tpu.vector_load_idx %parallel_loop3A_409[%parallel_loop3A_354, %parallel_loop3A_353] : memref<224x224xf32, #tpu.memory_space<vmem>>[vector<16xi32>, vector<16xi32>], vector<16xf32>,
          %parallel_loop3A_411 = arith.mulf %parallel_loop3A_355, %parallel_loop3A_395 : vector<16xf32>
          %parallel_loop3A_412 = arith.mulf %parallel_loop3A_356, %parallel_loop3A_400 : vector<16xf32>
          %parallel_loop3A_413 = arith.addf %parallel_loop3A_411, %parallel_loop3A_412 : vector<16xf32>
          %parallel_loop3A_414 = arith.mulf %parallel_loop3A_357, %parallel_loop3A_405 : vector<16xf32>
          %parallel_loop3A_415 = arith.addf %parallel_loop3A_413, %parallel_loop3A_414 : vector<16xf32>
          %parallel_loop3A_416 = arith.mulf %parallel_loop3A_358, %parallel_loop3A_410 : vector<16xf32>
          %parallel_loop3A_417 = arith.addf %parallel_loop3A_415, %parallel_loop3A_416 : vector<16xf32>
          %parallel_loop3A_418 = arith.constant 0 : i32
          %parallel_loop3A_419 = arith.index_cast %parallel_loop3A_418 : i32 to index
          %parallel_loop3A_420 = arith.index_cast %parallel_loop3A_295 : i32 to index
          %parallel_loop3A_421 = arith.index_cast %parallel_loop3A_313 : i32 to index
          %parallel_loop3A_422 = tpu.vector_load %arg10[%parallel_loop3A_419, %parallel_loop3A_420, %parallel_loop3A_421] {strides = array<i32>} : memref<1x8x224xf32, #tpu.memory_space<vmem>>, vector<16xf32>,
          tpu.vector_store %arg10[%parallel_loop3A_419, %parallel_loop3A_420, %parallel_loop3A_421], %parallel_loop3A_417 {strides = array<i32>} : memref<1x8x224xf32, #tpu.memory_space<vmem>>, vector<16xf32>,
        } {sc.loop_unroll_factor = 2 : i64, sc.parallel_access}
        %add3A_255 = arith.constant 0 : i32
        %add3A_256 = arith.addi %add3A_107, %add3A_255 : i32
        %mul3A_257 = arith.constant 8 : i32
        %mul3A_258 = arith.muli %add3A_211, %mul3A_257 : i32
        %dma_start3A_259 = arith.constant 0 : i32
        %dma_start3A_260 = tpu.memref_slice %arg4[%add3A_256, %mul3A_258, %dma_start3A_259] : memref<384x224x224xf32, #tpu.memory_space<hbm>> -> memref<1x8x224xf32, #tpu.memory_space<hbm>>
        %dma_start3A_261 = arith.constant 0 : i32
        %dma_start3A_262 = tpu.memref_slice %arg4[%add3A_256, %mul3A_258, %dma_start3A_261] : memref<384x224x224xf32, #tpu.memory_space<hbm>> -> memref<1x8x224xf32, #tpu.memory_space<hbm>>
        tpu.enqueue_dma source(%arg9 : memref<1x8x224xf32, #tpu.memory_space<vmem>>) target(%dma_start3A_262 : memref<1x8x224xf32, #tpu.memory_space<hbm>>) target_semaphore(%arg14 : memref<!tpu.dma_semaphore, #tpu.memory_space<semaphore_mem>>)
        %add3A_263 = arith.constant 1 : i32
        %add3A_264 = arith.addi %add3A_107, %add3A_263 : i32
        %mul3A_265 = arith.constant 8 : i32
        %mul3A_266 = arith.muli %add3A_211, %mul3A_265 : i32
        %dma_start3A_267 = arith.constant 0 : i32
        %dma_start3A_268 = tpu.memref_slice %arg4[%add3A_264, %mul3A_266, %dma_start3A_267] : memref<384x224x224xf32, #tpu.memory_space<hbm>> -> memref<1x8x224xf32, #tpu.memory_space<hbm>>
        %dma_start3A_269 = arith.constant 0 : i32
        %dma_start3A_270 = tpu.memref_slice %arg4[%add3A_264, %mul3A_266, %dma_start3A_269] : memref<384x224x224xf32, #tpu.memory_space<hbm>> -> memref<1x8x224xf32, #tpu.memory_space<hbm>>
        tpu.enqueue_dma source(%arg10 : memref<1x8x224xf32, #tpu.memory_space<vmem>>) target(%dma_start3A_270 : memref<1x8x224xf32, #tpu.memory_space<hbm>>) target_semaphore(%arg14 : memref<!tpu.dma_semaphore, #tpu.memory_space<semaphore_mem>>)
      }
      %scan3A_128 = arith.constant 14 : i32
      %lt3A_129 = arith.constant 5 : i32
      %lt3A_130 = arith.cmpi slt, %scan3A_56, %lt3A_129 : i32
      %convert_element_type3A = arith.extui %lt3A_130 : i1 to i32
      %cond3A = arith.constant 0 : i32
      %cond3A_131 = arith.cmpi ne, %convert_element_type3A, %cond3A : i32
      scf.if %cond3A_131 {
        %add3A_158 = arith.constant 1 : i32
        %add3A_159 = arith.addi %scan3A_56, %add3A_158 : i32
        %mul3A_160 = arith.constant 6 : i32
        %mul3A_161 = arith.muli %arg1, %mul3A_160 : i32
        %add3A_162 = arith.addi %mul3A_161, %add3A_159 : i32
        %jit3A_163 = arith.constant 48 : i32
        %div3A_164 = arith.divsi %add3A_162, %jit3A_163 : i32
        %sign3A_165 = arith.constant 0 : i32
        %sign3A_166 = arith.cmpi sgt, %add3A_162, %sign3A_165 : i32
        %sign3A_167 = arith.extui %sign3A_166 : i1 to i32
        %sign3A_168 = arith.constant 0 : i32
        %sign3A_169 = arith.cmpi slt, %add3A_162, %sign3A_168 : i32
        %sign3A_170 = arith.extui %sign3A_169 : i1 to i32
        %sign3A_171 = arith.subi %sign3A_167, %sign3A_170 : i32
        %sign3A_172 = arith.constant 0 : i32
        %sign3A_173 = arith.cmpi sgt, %jit3A_163, %sign3A_172 : i32
        %sign3A_174 = arith.extui %sign3A_173 : i1 to i32
        %sign3A_175 = arith.constant 0 : i32
        %sign3A_176 = arith.cmpi slt, %jit3A_163, %sign3A_175 : i32
        %sign3A_177 = arith.extui %sign3A_176 : i1 to i32
        %sign3A_178 = arith.subi %sign3A_174, %sign3A_177 : i32
        %ne3A_179 = arith.cmpi ne, %sign3A_171, %sign3A_178 : i32
        %rem3A_180 = arith.remsi %add3A_162, %jit3A_163 : i32
        %ne3A_181 = arith.constant 0 : i32
        %ne3A_182 = arith.cmpi ne, %rem3A_180, %ne3A_181 : i32
        %and3A_183 = arith.andi %ne3A_179, %ne3A_182 : i1
        %sub3A_184 = arith.constant 1 : i32
        %sub3A_185 = arith.subi %div3A_164, %sub3A_184 : i32
        %select_n3A_186 = arith.select %and3A_183, %sub3A_185, %div3A_164 : i32
        %jit3A_187 = arith.constant 48 : i32
        %eq3A_188 = arith.constant 0 : i32
        %eq3A_189 = arith.cmpi eq, %jit3A_187, %eq3A_188 : i32
        %jit3A_190 = arith.constant 1 : i32
        %select_n3A_191 = arith.select %eq3A_189, %jit3A_190, %jit3A_187 : i32
        %rem3A_192 = arith.remsi %add3A_162, %select_n3A_191 : i32
        %ne3A_193 = arith.constant 0 : i32
        %ne3A_194 = arith.cmpi ne, %rem3A_192, %ne3A_193 : i32
        %lt3A_195 = arith.constant 0 : i32
        %lt3A_196 = arith.cmpi slt, %rem3A_192, %lt3A_195 : i32
        %lt3A_197 = arith.constant 0 : i32
        %lt3A_198 = arith.cmpi slt, %select_n3A_191, %lt3A_197 : i32
        %ne3A_199 = arith.xori %lt3A_196, %lt3A_198 : i1
        %and3A_200 = arith.andi %ne3A_199, %ne3A_194 : i1
        %add3A_201 = arith.addi %rem3A_192, %select_n3A_191 : i32
        %select_n3A_202 = arith.select %and3A_200, %add3A_201, %rem3A_192 : i32
        %mul3A_203 = arith.constant 2 : i32
        %mul3A_204 = arith.muli %arg0, %mul3A_203 : i32
        %add3A_205 = arith.addi %mul3A_204, %select_n3A_186 : i32
        %mul3A_206 = arith.constant 96 : i32
        %mul3A_207 = arith.muli %add3A_205, %mul3A_206 : i32
        %mul3A_208 = arith.constant 2 : i32
        %mul3A_209 = arith.muli %select_n3A_202, %mul3A_208 : i32
        %add3A_210 = arith.addi %mul3A_207, %mul3A_209 : i32
        %dma_start3A_211 = arith.constant 0 : i32
        %dma_start3A_212 = arith.constant 0 : i32
        %dma_start3A_213 = tpu.memref_slice %arg2[%add3A_210, %dma_start3A_211, %dma_start3A_212] : memref<384x224x224xf32, #tpu.memory_space<hbm>> -> memref<2x224x224xf32, #tpu.memory_space<hbm>>
        %dma_start3A_214 = arith.constant 0 : i32
        %dma_start3A_215 = arith.constant 0 : i32
        %dma_start3A_216 = tpu.memref_slice %arg2[%add3A_210, %dma_start3A_214, %dma_start3A_215] : memref<384x224x224xf32, #tpu.memory_space<hbm>> -> memref<2x224x224xf32, #tpu.memory_space<hbm>>
        tpu.enqueue_dma source(%dma_start3A_216 : memref<2x224x224xf32, #tpu.memory_space<hbm>>) target(%arg6 : memref<2x224x224xf32, #tpu.memory_space<vmem>>) target_semaphore(%arg11 : memref<!tpu.dma_semaphore, #tpu.memory_space<semaphore_mem>>)
      } else {
      }
      %mul3A_132 = arith.constant 28 : i32
      %mul3A_133 = arith.muli %add3A_102, %mul3A_132 : i32
      %add3A_134 = arith.constant 27 : i32
      %add3A_135 = arith.addi %mul3A_133, %add3A_134 : i32
      %mul3A_136 = arith.constant 3 : i32
      %mul3A_137 = arith.muli %add3A_135, %mul3A_136 : i32
      %mul3A_138 = arith.constant 1792 : i32
      %mul3A_139 = arith.muli %mul3A_137, %mul3A_138 : i32
      %dma_wait3A_140 = tpu.memref_slice %arg5[%mul3A_139] : memref<602112xf32, #tpu.memory_space<hbm>> -> memref<5376xf32, #tpu.memory_space<hbm>>
      %dma_wait3A_141 = tpu.memref_slice %arg5[%mul3A_139] : memref<602112xf32, #tpu.memory_space<hbm>> -> memref<5376xf32, #tpu.memory_space<hbm>>
      tpu.wait_dma2 semaphore(%arg12 : memref<!tpu.dma_semaphore, #tpu.memory_space<semaphore_mem>>) src(%dma_wait3A_141 : memref<5376xf32, #tpu.memory_space<hbm>>) dst(%arg7 : memref<5376xf32, #tpu.memory_space<vmem>>)
      %add3A_142 = arith.constant 0 : i32
      %add3A_143 = arith.addi %add3A_107, %add3A_142 : i32
      %dma_wait3A_144 = arith.constant 216 : i32
      %dma_wait3A_145 = arith.constant 0 : i32
      %dma_wait3A_146 = tpu.memref_slice %arg4[%add3A_143, %dma_wait3A_144, %dma_wait3A_145] : memref<384x224x224xf32, #tpu.memory_space<hbm>> -> memref<1x8x224xf32, #tpu.memory_space<hbm>>
      %dma_wait3A_147 = arith.constant 216 : i32
      %dma_wait3A_148 = arith.constant 0 : i32
      %dma_wait3A_149 = tpu.memref_slice %arg4[%add3A_143, %dma_wait3A_147, %dma_wait3A_148] : memref<384x224x224xf32, #tpu.memory_space<hbm>> -> memref<1x8x224xf32, #tpu.memory_space<hbm>>
      tpu.wait_dma2 semaphore(%arg14 : memref<!tpu.dma_semaphore, #tpu.memory_space<semaphore_mem>>) src(%arg9 : memref<1x8x224xf32, #tpu.memory_space<vmem>>) dst(%dma_wait3A_149 : memref<1x8x224xf32, #tpu.memory_space<hbm>>)
      %add3A_150 = arith.constant 1 : i32
      %add3A_151 = arith.addi %add3A_107, %add3A_150 : i32
      %dma_wait3A_152 = arith.constant 216 : i32
      %dma_wait3A_153 = arith.constant 0 : i32
      %dma_wait3A_154 = tpu.memref_slice %arg4[%add3A_151, %dma_wait3A_152, %dma_wait3A_153] : memref<384x224x224xf32, #tpu.memory_space<hbm>> -> memref<1x8x224xf32, #tpu.memory_space<hbm>>
      %dma_wait3A_155 = arith.constant 216 : i32
      %dma_wait3A_156 = arith.constant 0 : i32
      %dma_wait3A_157 = tpu.memref_slice %arg4[%add3A_151, %dma_wait3A_155, %dma_wait3A_156] : memref<384x224x224xf32, #tpu.memory_space<hbm>> -> memref<1x8x224xf32, #tpu.memory_space<hbm>>
      tpu.wait_dma2 semaphore(%arg14 : memref<!tpu.dma_semaphore, #tpu.memory_space<semaphore_mem>>) src(%arg10 : memref<1x8x224xf32, #tpu.memory_space<vmem>>) dst(%dma_wait3A_157 : memref<1x8x224xf32, #tpu.memory_space<hbm>>)
    }
    %scan3A_55 = arith.constant 6 : i32
    return
  }
}

</mosaic_0001>

<sc_bundles>
// kernel: _grid_sample_sc.3.cloned.1.call-start
scs
__scs_entry_jumppad:
0x0: {  	(pc) =	sbr.rel $0x88, $3  }
0x1: {  	(tag) =	ssettag $0x0;
	lr =	simm.s32 $0x1  }
0x2: {  	[smem:$0x3F9F] =	sst lr;
	_ =	strace $0xD0000000  }
0x3: {  	_ = 	snop  }
0x4: {  	_ = 	snop  }
0x5: {  	_ = 	snop  }
0x6: {  	_ = 	snop  }
0x7: {  	_ = 	snop  }
__scs_overlays_trampoline_lowered:
0x8: {  	[smem:$0x3FAE] =	sst s0  }
0x9: {  	[smem:$0x3FAF] =	sst s1  }
0xa: {  	[smem:$0x3FB0] =	sst s2  }
0xb: {  	[smem:$0x3FB1] =	sst s3  }
0xc: {  	[smem:$0x3FB2] =	sst s4  }
0xd: {  	[smem:$0x3FB3] =	sst s5  }
0xe: {  	[smem:$0x3FB4] =	sst s6  }
0xf: {  	[smem:$0x3FB5] =	sst s7  }
0x10: {  	[smem:$0x3FB6] =	sst s8  }
0x11: {  	[smem:$0x3FB7] =	sst s9;
	s0 =	simm.s32 @!p0 $0x0  }
0x12: {  	s1 =	sld [smem:$0x3F9D];
	s0 =	simm.s32 @p0 $0x1  }
0x13: {  	[smem:$0x3FB8] =	sst s0;
	s0 =	simm.s32 @!p1 $0x0  }
0x14: {  	s2 =	sld [smem:$0x3F9C];
	s0 =	simm.s32 @p1 $0x1  }
0x15: {  	[smem:$0x3FB9] =	sst s0;
	s0 =	simm.s32 @!p2 $0x0  }
0x16: {  	s3 =	sld [smem:$0x3FDB];
	s0 =	simm.s32 @p2 $0x1  }
0x17: {  	s4 =	simm.s32 $0x1BF5;
	[smem:$0x3FBB] =	sst s0  }
0x18: {  	s0 =	sld [smem:$0x3F9E];
	_ =	swait.ge [sflag:s4], $0x0  }
0x19: {  	s7 =	sld [smem:$0x3F9F]  }
0x1a: {  	s8 =	sadd.s32 $0xFFFFE003, lr  }
0x1b: {  	s9 =	sadd.s32 $0xFFFFFEF7, lr;
	s5 =	simm.s32 $0xFFFFFFFF;
	p2 =	slt.u32 s8, $0xFFFFF086  }
0x1c: {  	p1 =	slt.u32 s9, $0xF7A;
	s5 =	simm.s32 @!p2 $0x0  }
0x1d: {  	s5 =	simm.s32 @p1 $0x1;
	p0 =	seq.s32 s7, s2  }
0x1e: {  	s7 =	smul.u32 @!p0 $0xF7A, s2;
	p2 =	seq.s32 @!p0 s5, $0x0  }
0x1f: {  	s9 =	smul.u32 $0xF7A, s1;
	s8 =	simm.s32 @!p0 $0x1BF5;
	p2 =	por !p2, p0  }
0x20: {  	[sflag:s8] =	ssyncset.s32 @!p0 $0xFFFFF086;
	s6 =	sadd.s32 @!p0 s3, s7;
	s7 =	simm.s32 @!p0 $0x108  }
0x21: {  	s3 =	sadd.s32 s3, s9;
	s6 =	sadd.s32 @!p0 $0x88, s6;
	s7 =	simm.s32 @p2 $0x1082  }
0x22: {  	[simem:s7], [sflag:s8] =	dma.local @!p0 [hbm:s6], $0xF7A  }
0x23: {  	s9 =	sor.u32 $0xD0000000, s2;
	s6 =	simm.s32 $0x108;
	_ =	swait.ge @!p0 [sflag:s8], $0x0  }
0x24: {  	s3 =	sadd.s32 $0x88, s3;
	s6 =	simm.s32 @!p1 $0x1082;
	[sflag:s4] =	ssyncset.s32 $0xFFFFF086  }
0x25: {  	[simem:s6], [sflag:s4] =	dma.local [hbm:s3], $0xF7A  }
0x26: {  	[smem:$0x3F9F] =	sst s1;
	(tag) =	ssettag s2;
	_ =	strace s9  }
0x27: {  	s1 =	sld [smem:$0x3FAF]  }
0x28: {  	s2 =	sld [smem:$0x3FB0]  }
0x29: {  	s4 =	sld [smem:$0x3FB2]  }
0x2a: {  	p0 =	seq.s32 s5, $0x0;
	s5 =	sld [smem:$0x3FB3]  }
0x2b: {  	s6 =	sld [smem:$0x3FB4]  }
0x2c: {  	s7 =	sld [smem:$0x3FB5]  }
0x2d: {  	s3 =	simm.s32 $0x108;
	s8 =	sld [smem:$0x3FB6]  }
0x2e: {  	s3 =	simm.s32 @!p0 $0x1082;
	s9 =	sld [smem:$0x3FB7]  }
0x2f: {  	lr =	sadd.s32 s0, s3;
	s0 =	sld [smem:$0x3FAE]  }
0x30: {  	s3 =	sld [smem:$0x3FB1]  }
0x31: {  	[smem:$0x3FBA] =	sst s10  }
0x32: {  	s10 =	sld [smem:$0x3FB8];
	_ =	sdelay $0x3  }
0x33: {  	p0 =	seq.s32 s10, $0x1;
	s10 =	sld [smem:$0x3FBA];
	_ =	sdelay $0x3  }
0x34: {  	[smem:$0x3FBA] =	sst s10  }
0x35: {  	s10 =	sld [smem:$0x3FB9];
	_ =	sdelay $0x3  }
0x36: {  	p1 =	seq.s32 s10, $0x1;
	s10 =	sld [smem:$0x3FBA];
	_ =	sdelay $0x3  }
0x37: {  	[smem:$0x3FBA] =	sst s10  }
0x38: {  	s10 =	sld [smem:$0x3FBB]  }
0x39: {  	_ = 	snop;
	(pc) =	sbr.ind lr, $3  }
0x3a: {  	_ = 	snop  }
0x3b: {  	_ = 	snop  }
0x3c: {  	p2 =	seq.s32 s10, $0x1;
	s10 =	sld [smem:$0x3FBA]  }
0x3d: {  	_ =	shalt  }
0x3e: {  	_ =	shalt  }
0x3f: {  	_ =	shalt  }
0x40: {  	_ =	shalt  }
0x41: {  	_ =	shalt  }
0x42: {  	_ =	shalt  }
0x43: {  	_ =	shalt  }
0x44: {  	_ =	shalt  }
0x45: {  	_ =	shalt  }
0x46: {  	_ =	shalt  }
0x47: {  	_ =	shalt  }
0x48: {  	_ =	shalt  }
0x49: {  	_ =	shalt  }
0x4a: {  	_ =	shalt  }
0x4b: {  	_ =	shalt  }
0x4c: {  	_ =	shalt  }
0x4d: {  	_ =	shalt  }
0x4e: {  	_ =	shalt  }
0x4f: {  	_ =	shalt  }
0x50: {  	_ =	shalt  }
0x51: {  	_ =	shalt  }
0x52: {  	_ =	shalt  }
0x53: {  	_ =	shalt  }
0x54: {  	_ =	shalt  }
0x55: {  	_ =	shalt  }
0x56: {  	_ =	shalt  }
0x57: {  	_ =	shalt  }
0x58: {  	_ =	shalt  }
0x59: {  	_ =	shalt  }
0x5a: {  	_ =	shalt  }
0x5b: {  	_ =	shalt  }
0x5c: {  	_ =	shalt  }
0x5d: {  	_ =	shalt  }
0x5e: {  	_ =	shalt  }
0x5f: {  	_ =	shalt  }
0x60: {  	_ =	shalt  }
0x61: {  	_ =	shalt  }
0x62: {  	_ =	shalt  }
0x63: {  	_ =	shalt  }
0x64: {  	_ =	shalt  }
0x65: {  	_ =	shalt  }
0x66: {  	_ =	shalt  }
0x67: {  	_ =	shalt  }
0x68: {  	_ =	shalt  }
0x69: {  	_ =	shalt  }
0x6a: {  	_ =	shalt  }
0x6b: {  	_ =	shalt  }
0x6c: {  	_ =	shalt  }
0x6d: {  	_ =	shalt  }
0x6e: {  	_ =	shalt  }
0x6f: {  	_ =	shalt  }
0x70: {  	_ =	shalt  }
0x71: {  	_ =	shalt  }
0x72: {  	_ =	shalt  }
0x73: {  	_ =	shalt  }
0x74: {  	_ =	shalt  }
0x75: {  	_ =	shalt  }
0x76: {  	_ =	shalt  }
0x77: {  	_ =	shalt  }
0x78: {  	_ =	shalt  }
0x79: {  	_ =	shalt  }
0x7a: {  	_ =	shalt  }
0x7b: {  	_ =	shalt  }
0x7c: {  	_ =	shalt  }
0x7d: {  	_ =	shalt  }
0x7e: {  	_ =	shalt  }
0x7f: {  	_ =	shalt  }
0x80: {  	_ =	shalt  }
0x81: {  	_ =	shalt  }
0x82: {  	_ =	shalt  }
0x83: {  	_ =	shalt  }
0x84: {  	_ =	shalt  }
0x85: {  	_ =	shalt  }
0x86: {  	_ =	shalt  }
0x87: {  	_ =	shalt  }
.Lfunc_end0:
.L_simem_size_0:
called_computation_lowered:
.L_overlay_start_0:
0x88: {  	s2 =	sld [smem:$0x3FD9]  }
0x89: {  	s3 =	sld [smem:$0x3FFE];
	_ =	sdelay $0x1  }
0x8a: {  	s1 =	srdreg.scid  }
0x8b: {  	s0 =	sand.u32 $0x1, s1  }
0x8c: {  	s17 =	sshll.u32 s0, $0xA;
	s2 =	sadd.s32 s3, s2  }
0x8d: {  	s2 =	sadd.s32 s2, s17  }
0x8e: {  	[smem:$0x3FC6] =	sst s2  }
0x8f: {  	_ = 	snop  }
0x90: {  	s2 =	sld [smem:$0x3FC8]  }
0x91: {  	s18 =	sld [smem:$0x3FD0];
	(tm) =	ssettm $0x1  }
0x92: {  	s4 =	sld [smem:$0x3FFB];
	_ =	sdelay $0x3  }
0x93: {  	_ =	strace s4  }
0x94: {  	s4 =	sld [smem:$0x3FFC];
	_ =	sdelay $0x3  }
0x95: {  	_ =	strace s4  }
0x96: {  	s4 =	sld [smem:$0x3FFD];
	_ =	sdelay $0x3  }
0x97: {  	_ =	strace s4  }
0x98: {  	_ =	strace $0x8FFFFFFF  }
0x99: {  	s19 =	sld [smem:$0x3FDB];
	_ =	sdelay $0x1  }
0x9a: {  	s5 =	simm.s32 $_scs_section_size  }
0x9b: {  	s6 =	simm.s32 $_size__tile_overlayer_lowered;
	s7 =	simm.s32 $_tile_overlayer_lowered  }
0x9c: {  	s22 =	simm.s32 $0x1BFF;
	s21 =	sshll.u32 s7, $0x1;
	s4 =	sadd.s32 s5, s19  }
0x9d: {  	s8 =	simm.s32 $0x0;
	s20 =	sshll.u32 s6, $0x1;
	s6 =	sadd.s32 s21, s4  }
0x9e: {  	[timem:s8], [sflag:s22] =	dma.local [hbm:s6], s20  }
0x9f: {  	_ =	swait.ge [sflag:s22], s20  }
0xa0: {  	s5 =	ssub.s32 $0x0, s20;
	[sflag:s22] =	ssyncset.done $0x0  }
0xa1: {  	[sflag:s22] =	ssyncadd.s32 s5;
	_ =	sdelay $0x1  }
0xa2: {  	s23 =	simm.s32 $0x1B8B  }
0xa3: {  	_ =	swait.ge [sflag:s23], $0x1  }
0xa4: {  	[sflag:s23] =	ssyncset.done $0x0  }
0xa5: {  	s25 =	simm.s32 $0x1B8E;
	s24 =	sld [smem:$0x3FFE];
	[sflag:s23] =	ssyncadd.s32 $0xFFFFFFFF  }
0xa6: {  	s26 =	simm.s32 $execute0_lowered;
	[smem:$0x3FD2] =	sst s25  }
0xa7: {  	s6 =	sshll.u32 s26, $0x1;
	_ =	strace $0x80000046;
	[dreg:$0x1] =	wrdreg $0xFFFFFFFF  }
0xa8: {  	s28 =	simm.s32 $_size_execute0_lowered;
	s4 =	sadd.s32 s4, s6;
	[dreg:$0x0] =	wrdreg $0x0  }
0xa9: {  	s6 =	sshll.u32 s28, $0x1;
	[dreg:$0x2] =	wrdreg s4  }
0xaa: {  	[dreg:$0x3] =	wrdreg s6  }
0xab: {  	[dreg:$0x4] =	wrdreg $0xC0  }
0xac: {  	_ =	task [dreg:s8], $0x5FFFF  }
0xad: {  	[dreg:$0x1] =	wrdreg $0xFFFFFFFF  }
0xae: {  	[dreg:$0x0] =	wrdreg $0x60  }
0xaf: {  	[dreg:$0x2] =	wrdreg s24  }
0xb0: {  	[dreg:$0x3] =	wrdreg s2  }
0xb1: {  	[dreg:$0x4] =	wrdreg s18  }
0xb2: {  	[dreg:$0x5] =	wrdreg $0x9  }
0xb3: {  	_ =	task.clear_ibuf [dreg:s8], $0x6FFFF;
	_ =	strace $0x90000046  }
0xb4: {  	s29 =	simm.s32 $0x9;
	_ =	strace $0x80000048  }
0xb5: {  	_ =	swait.ge [sflag:s29], $0x1  }
0xb6: {  	[sflag:s29] =	ssyncadd.s32 $0xFFFFFFFF  }
0xb7: {  	_ =	strace $0x90000048  }
0xb8: {  	_ =	sfence  }
0xb9: {  	s30 =	sld [smem:$0x0];
	_ =	sdelay $0x2  }
0xba: {  	s31 =	sshll.u32 s1, $0xD;
	s1 =	sshrl.u32 s1, $0x2  }
0xbb: {  	s3 =	sand.u32 $0x4000, s31;
	s1 =	sadd.s32 s1, s30  }
0xbc: {  	s0 =	sor.u32 s3, s0;
	s1 =	sshll.u32 s1, $0x11  }
0xbd: {  	s0 =	sor.u32 s1, s0  }
0xbe: {  	s0 =	sadd.s32 $0x8F2B, s0  }
0xbf: {  	[sflag:s0] =	ssyncadd.remote.s32 $0x1  }
0xc0: {  	_ =	sfence.sel $0xFFFF  }
0xc1: {  	[dreg:$0x0] =	wrdreg $0xFFFFFFFF;
	(pc) =	sbr.abs _section_cstart, $3  }
0xc2: {  	[dreg:$0x1] =	wrdreg $0xFFFFFFFF  }
0xc3: {  	_ =	task.clear_ibuf [dreg:s8], $0x2FFFF;
	_ =	strace $0x9FFFFFFF  }
0xc4: {  	(tm) =	ssettm $0x7FFFFFFF  }
0xc5: {  	_ =	shalt  }
tec
execute0_lowered:
.L_overlay_start_1:
0x0: {  	(tag) =	ssettag $0x1  }
0x1: {  	v0 =	vimm.f32 $1.500000000e+01;
	vm0 =	vcmask $0x300  }
0x2: {  	vm14 =	vcmask $0x704;
	v0 =	vsel vm0, $0x0, v0  }
0x3: {  	s0 =	rddreg [dreg:$0x0];
	vm15 =	vcmask $0xB08;
	v0 =	vsel vm14, $0x3F800000, v0  }
0x4: {  	s1 =	srdreg.scid;
	vm4 =	vcmask $0xF0C;
	s24 =	rddreg [dreg:$0x1];
	v0 =	vsel vm15, $0x40000000, v0  }
0x5: {  	s4 =	stileid.u32;
	vm5 =	vcmask $0x1310;
	s30 =	rddreg [dreg:$0x2];
	s6 =	simm.s32 $0x0;
	v0 =	vsel vm4, $0x40400000, v0  }
0x6: {  	vm6 =	vcmask $0x1714;
	s28 =	simm.s32 $0x5;
	s17 =	simm.s32 $0x2;
	s18 =	simm.s32 $0xE000;
	v0 =	vsel vm5, $0x40800000, v0  }
0x7: {  	vm7 =	vcmask $0x1B18;
	s21 =	simm.s32 $0x3;
	s1 =	sand.u32 $0x1, s1;
	s7 =	smul.u32 $0x6, s4;
	v0 =	vsel vm6, $0x40A00000, v0  }
0x8: {  	vm8 =	vcmask $0x1F1C;
	s2 =	sshrl.u32 s4, $0x3;
	[smem:$0x7FF] =	sst s6;
	s9 =	sadd.s32 $0x800, s0;
	v0 =	vsel vm7, $0x40C00000, v0  }
0x9: {  	vm9 =	vcmask $0x2320;
	s8 =	sadd.s32 $0x2A0800, s0;
	s25 =	sshll.u32 s1, $0x1;
	s1 =	ssub.s32 $0x2, s1;
	v0 =	vsel vm8, $0x40E00000, v0  }
0xa: {  	vm10 =	vcmask $0x2724;
	_ =	strace $0x80000047;
	s2 =	sor.u32 s2, s25;
	s3 =	sadd.s32 $0xFFFFFFD0, s7;
	v0 =	vsel vm9, $0x41000000, v0  }
0xb: {  	vm11 =	vcmask $0x2B28;
	[dreg:$0x6] =	wrdreg s9;
	s2 =	smul.u32 $0xA8000, s2;
	s3 =	smin.u32 s7, s3;
	v0 =	vsel vm10, $0x41100000, v0  }
0xc: {  	vm12 =	vcmask $0x2F2C;
	s5 =	sshrl.u32 s1, $0x1;
	[dreg:$0x4] =	wrdreg s7;
	s3 =	smul.u32 $0x3800, s3;
	v0 =	vsel vm11, $0x41200000, v0  }
0xd: {  	vm13 =	vcmask $0x3330;
	s31 =	sor.u32 $0x1, s7;
	[dreg:$0x5] =	wrdreg s25;
	s26 =	ssub.s32 s1, s5;
	v0 =	vsel vm12, $0x41300000, v0  }
0xe: {  	vm14 =	vcmask $0x3734;
	[dreg:$0x8] =	wrdreg s31;
	s0 =	smax.u32 s26, $0x1;
	s29 =	sadd.s32 s3, s2;
	v0 =	vsel vm13, $0x41400000, v0  }
0xf: {  	s22 =	simm.s32 $0x4;
	vm15 =	vcmask $0x3B38;
	[dreg:$0x9] =	wrdreg s0;
	s1 =	sadd.s32 s9, s29;
	v0 =	vsel vm14, $0x41500000, v0  }
0x10: {  	v1 =	vimm.s32 $0x0;
	s26 =	simm.s32 $0x6;
	[dreg:$0x7] =	wrdreg s1;
	s1 =	simm.s32 $0x0;
	v0 =	vsel vm15, $0x41600000, v0  }
.LBB2_1:
.Ltmp0:
0x11: {  	(pc) =	sbr.rel .LBB2_2-.Ltmp0, $4  }
0x12: {  	_ = 	snop  }
0x13: {  	s0 =	rddreg [dreg:$0x7]  }
0x14: {  	[tilespmem:s6], [sflag:$0x1] =	stream.linear.gather [hbm4b:s0+s6], $0x1C000, $0x38;
	[tilespmem:$0x1FA00] =	vst v63  }
0x15: {  	[dreg:$0xa] =	wrdreg s1;
	s0 =	simm.s32 $0x0  }
.LBB2_8:
0x16: {  	s0 =	sadd.s32 $0x1, s0  }
0x17: {  	p0 =	sne.s32 s0, $0x4  }
.Ltmp1:
0x18: {  	_ = 	snop;
	(pc) =	sbr.rel @!p0 .LBB2_9-.Ltmp1, $1  }
0x19: {  	_ =	sdelay $0x3  }
.LBB2_2:
0x1a: {  	s1 =	sshll.u32 s0, $0x4  }
0x1b: {  	s1 =	sor.u32 s4, s1  }
0x1c: {  	p0 =	sgt.u32 s1, $0x37  }
.Ltmp2:
0x1d: {  	_ = 	snop;
	(pc) =	sbr.rel @p0 .LBB2_8-.Ltmp2, $1  }
0x1e: {  	_ =	sdelay $0x3  }
0x1f: {  	p0 =	sgt.u32 s1, $0x1B;
	s2 =	simm.s32 $0x1  }
0x20: {  	s2 =	simm.s32 @!p0 $0x0  }
0x21: {  	s2 =	sor.u32 s2, s25  }
0x22: {  	s3 =	sadd.s32 $0xFFFFFFE4, s1;
	s2 =	smul.u32 $0x1C, s2  }
0x23: {  	s3 =	smin.u32 s1, s3  }
0x24: {  	s1 =	sadd.s32 s3, s2  }
0x25: {  	s2 =	smul.u32 $0x1C0, s1;
	_ =	sdelay $0x1  }
0x26: {  	s7 =	simm.s32 $0x1D500;
	s5 =	sadd.s32 s24, s2;
	s2 =	simm.s32 $0x0  }
0x27: {  	[tilespmem:s7], [sflag:$0x6] =	stream.linear.gather [hbm4b:s5+s2], $0xE00, $0x38;
	[tilespmem:$0x1FA00] =	vst v63  }
0x28: {  	_ =	swait.ge [sflag:s26], $0xE00  }
0x29: {  	s9 =	simm.s32 $0x0;
	s3 =	sshll.u32 s3, $0x3;
	[sflag:s26] =	ssyncset.done $0x0  }
0x2a: {  	s5 =	simm.s32 $0x1D510;
	s7 =	simm.s32 $0x1C010;
	[sflag:s26] =	ssyncadd.s32 $0xFFFFF200  }
.LBB2_4:
0x2b: {  	s10 =	simm.s32 $0x0;
	s12 =	sadd.s32 $0x10, s2;
	v2 =	vld [tilespmem:s5+$0xFFFFFFF0]  }
0x2c: {  	s11 =	simm.s32 $0x10;
	v3 =	vld [tilespmem:s5+$0x0];
	s13 =	sadd.s32 $0xFFFFFFF0, s12;
	s14 =	scvt.s32.f32 s10  }
0x2d: {  	s15 =	scvt.s32.f32 s11;
	s11 =	sand.u32 $0xFE0, s13  }
0x2e: {  	s10 =	sand.u32 $0xFF0, s12;
	v4 =	vld [tilespmem:s11+$0x1DC00];
	v5 =	vadd.f32 s14, v0  }
0x2f: {  	s31 =	sadd.s32 s3, s9;
	v7 =	vld [tilespmem:s10+$0x1DC00];
	v6 =	vadd.f32 s15, v0  }
0x30: {  	s12 =	scvt.s32.f32 s31;
	v5 =	vadd.f32 v2, v5  }
0x31: {  	v3 =	vadd.f32 v3, v6  }
0x32: {  	v2 =	vmov s12;
	v5 =	vmul.f32 $1.004484300e+00, v5  }
0x33: {  	v3 =	vmul.f32 $1.004484300e+00, v3;
	v4 =	vadd.f32 v4, v2  }
0x34: {  	v6 =	vadd.f32 v7, v2;
	v5 =	vadd.f32 $-5.000000000e-01, v5  }
0x35: {  	v3 =	vadd.f32 $-5.000000000e-01, v3;
	v4 =	vmul.f32 $1.004484300e+00, v4  }
0x36: {  	v6 =	vmul.f32 $1.004484300e+00, v6;
	v5 =	vmax.f32 v5, $-2.000000000e+00  }
0x37: {  	v3 =	vmax.f32 v3, $-2.000000000e+00;
	v4 =	vadd.f32 $-5.000000000e-01, v4;
	v8 =	vmin.f32 v5, $2.260000000e+02  }
0x38: {  	v6 =	vadd.f32 $-5.000000000e-01, v6;
	v10 =	vmin.f32 v3, $2.260000000e+02;
	v5 =	vtrunc.f32 v8  }
0x39: {  	v3 =	vmax.f32 v4, $-2.000000000e+00;
	v4 =	vcvt.f32.s32 v5;
	vm0 =	vlt.f32 v8, v5  }
0x3a: {  	v6 =	vmax.f32 v6, $-2.000000000e+00;
	v5 =	vmin.f32 v3, $2.260000000e+02;
	v3 =	vsel vm0, $0xFFFFFFFF, v1  }
0x3b: {  	v6 =	vmin.f32 v6, $2.260000000e+02;
	v3 =	vadd.s32 v4, v3;
	v4 =	vtrunc.f32 v5  }
0x3c: {  	v7 =	vcvt.f32.s32 v4;
	vm0 =	vlt.f32 v5, v4;
	v11 =	vadd.s32 $0x1, v3  }
0x3d: {  	v4 =	vsel vm0, $0xFFFFFFFF, v1;
	vm0 =	vgt.s32 v3, $0x0;
	vm1 =	vgt.s32 v11, $0x0  }
0x3e: {  	v4 =	vadd.s32 v7, v4;
	v7 =	vnsel vm0, $0x0, v3;
	v9 =	vnsel vm1, $0x0, v11  }
0x3f: {  	vm0 =	vlt.u32 v4, $0xE0;
	v7 =	vmin.u32 v7, $0xDF;
	v9 =	vmin.u32 v9, $0xDF  }
0x40: {  	v12 =	vcvt.s32.f32 v4;
	v13 =	vadd.s32 $0x1, v4;
	vm1 =	vgt.s32 v4, $0x0  }
0x41: {  	v4 =	vnsel vm1, $0x0, v4;
	vm1 =	vgt.s32 v13, $0x0;
	v9 =	vsub.s32 v9, v7  }
0x42: {  	v5 =	vsub.f32 v5, v12;
	v4 =	vmin.u32 v4, $0xDF;
	v12 =	vnsel vm1, $0x0, v13  }
0x43: {  	v9 =	vshll.u32 v9, $0x10;
	vm1 =	vlt.u32 v13, $0xE0;
	v13 =	vcvt.s32.f32 v3  }
0x44: {  	v12 =	vmin.u32 v12, $0xDF;
	v14 =	vshll.u32 v4, $0x8;
	v15 =	vsub.f32 $1.000000000e+00, v5  }
0x45: {  	v4 =	vsub.s32 v12, v4;
	v9 =	vor.u32 v9, v14;
	v5 =	vnsel vm1, $0x0, v5  }
0x46: {  	v12 =	vtrunc.f32 v10;
	v4 =	vshll.u32 v4, $0x11;
	v7 =	vor.u32 v7, v9  }
0x47: {  	v9 =	vnsel vm0, $0x0, v15;
	v14 =	vadd.s32 v4, v7;
	v4 =	vtrunc.f32 v6  }
0x48: {  	v7 =	vcvt.f32.s32 v12;
	vm0 =	vlt.f32 v10, v12;
	v12 =	vcvt.f32.s32 v4  }
0x49: {  	vm1 =	vlt.f32 v6, v4;
	v15 =	vpack.i.f32.bf16 v5, v9;
	v4 =	vsel vm0, $0xFFFFFFFF, v1  }
0x4a: {  	vm0 =	vlt.u32 v11, $0xE0;
	v5 =	vsel vm1, $0xFFFFFFFF, v1;
	v4 =	vadd.s32 v7, v4  }
0x4b: {  	v9 =	vadd.s32 v12, v5;
	v7 =	vadd.s32 $0x1, v4;
	v12 =	vcvt.s32.f32 v4  }
0x4c: {  	vm1 =	vgt.s32 v4, $0x0;
	v5 =	vcvt.s32.f32 v9;
	vm2 =	vgt.s32 v7, $0x0  }
0x4d: {  	v11 =	vadd.s32 $0x1, v9;
	v16 =	vnsel vm2, $0x0, v7;
	vm2 =	vgt.s32 v9, $0x0  }
0x4e: {  	v5 =	vsub.f32 v6, v5;
	v6 =	vsub.f32 v8, v13;
	v13 =	vnsel vm1, $0x0, v4  }
0x4f: {  	v16 =	vmin.u32 v16, $0xDF;
	v17 =	vnsel vm2, $0x0, v9;
	v8 =	vsub.f32 v10, v12  }
0x50: {  	vm1 =	vgt.s32 v11, $0x0;
	v10 =	vmin.u32 v13, $0xDF;
	v13 =	vmin.u32 v17, $0xDF  }
0x51: {  	s13 =	simm.s32 $0x0;
	[tilespmem:s7+$0xFFFFFFF0] =	vst v14;
	v14 =	vnsel vm1, $0x0, v11;
	v12 =	vsub.f32 $1.000000000e+00, v5;
	v17 =	vsub.s32 v16, v10  }
0x52: {  	s14 =	simm.s32 $0x30;
	s15 =	sadd.s32 $0x20, s5;
	s12 =	smov.u32 s7;
	[tilespmem:s11+$0x1CE00] =	vst v15;
	v16 =	vmin.u32 v14, $0xDF;
	v14 =	vshll.u32 v13, $0x8;
	v15 =	vshll.u32 v17, $0x10  }
.LBB2_5:
0x53: {  	s16 =	sadd.s32 $0xFFFFFFF0, s14;
	s19 =	sadd.s32 s14, s2;
	v17 =	vld [tilespmem:s15+$0xFFFFFFF0];
	s20 =	scvt.s32.f32 s14;
	v18 =	vsub.f32 $1.000000000e+00, v6;
	v19 =	vsub.f32 $1.000000000e+00, v8;
	v13 =	vsub.s32 v16, v13  }
0x54: {  	s13 =	sadd.s32 $0x2, s13;
	vm1 =	vlt.u32 v9, $0xE0;
	vm2 =	vlt.u32 v11, $0xE0;
	v9 =	vor.u32 v15, v14;
	s23 =	sadd.s32 $0xFFFFFFF0, s19;
	s16 =	scvt.s32.f32 s16;
	v16 =	vld [tilespmem:s15+$0x0]  }
0x55: {  	vm3 =	vlt.u32 v3, $0xE0;
	vm4 =	vlt.u32 v7, $0xE0;
	s19 =	sand.u32 $0xFF0, s19;
	p0 =	slt.u32 s13, $0xC;
	s23 =	sand.u32 $0xFE0, s23;
	v11 =	vadd.f32 s20, v0  }
0x56: {  	vm5 =	vlt.u32 v4, $0xE0;
	v4 =	vnsel vm1, $0x0, v12;
	v3 =	vld [tilespmem:s23+$0x1DC00];
	v7 =	vadd.f32 s16, v0  }
0x57: {  	v13 =	vshll.u32 v13, $0x11;
	v9 =	vor.u32 v10, v9;
	v14 =	vnsel vm3, $0x0, v18;
	v12 =	vld [tilespmem:s19+$0x1DC00]  }
0x58: {  	v5 =	vnsel vm2, $0x0, v5;
	v10 =	vnsel vm5, $0x0, v19;
	v7 =	vadd.f32 v17, v7  }
0x59: {  	v6 =	vnsel vm0, $0x0, v6;
	v8 =	vnsel vm4, $0x0, v8;
	v11 =	vadd.f32 v16, v11  }
0x5a: {  	v9 =	vadd.s32 v13, v9;
	v4 =	vpack.i.f32.bf16 v5, v4;
	v7 =	vmul.f32 $1.004484300e+00, v7  }
0x5b: {  	v6 =	vpack.i.f32.bf16 v6, v14;
	v3 =	vadd.f32 v3, v2;
	v5 =	vmul.f32 $1.004484300e+00, v11;
	[tilespmem:s12+$0x0] =	vst v9  }
0x5c: {  	v7 =	vadd.f32 $-5.000000000e-01, v7;
	v9 =	vadd.f32 v12, v2;
	[tilespmem:s11+$0x1C700] =	vst v6;
	v6 =	vpack.i.f32.bf16 v8, v10;
	s11 =	smov.u32 s23  }
0x5d: {  	v3 =	vmul.f32 $1.004484300e+00, v3;
	v5 =	vadd.f32 $-5.000000000e-01, v5;
	[tilespmem:s10+$0x1CE00] =	vst v4  }
0x5e: {  	v4 =	vmax.f32 v7, $-2.000000000e+00;
	v7 =	vmul.f32 $1.004484300e+00, v9;
	[tilespmem:s10+$0x1C700] =	vst v6;
	s10 =	smov.u32 s19  }
0x5f: {  	v3 =	vadd.f32 $-5.000000000e-01, v3;
	v6 =	vmin.f32 v4, $2.260000000e+02;
	v4 =	vmax.f32 v5, $-2.000000000e+00  }
0x60: {  	v5 =	vtrunc.f32 v6;
	v7 =	vadd.f32 $-5.000000000e-01, v7;
	v8 =	vmin.f32 v4, $2.260000000e+02  }
0x61: {  	v3 =	vmax.f32 v3, $-2.000000000e+00;
	v4 =	vcvt.f32.s32 v5;
	vm0 =	vlt.f32 v6, v5  }
0x62: {  	v5 =	vmin.f32 v3, $2.260000000e+02;
	v3 =	vsel vm0, $0xFFFFFFFF, v1;
	v7 =	vmax.f32 v7, $-2.000000000e+00  }
0x63: {  	v3 =	vadd.s32 v4, v3;
	v4 =	vtrunc.f32 v5;
	v10 =	vmin.f32 v7, $2.260000000e+02  }
0x64: {  	v7 =	vcvt.f32.s32 v4;
	vm0 =	vlt.f32 v5, v4;
	v4 =	vadd.s32 $0x1, v3  }
0x65: {  	v9 =	vsel vm0, $0xFFFFFFFF, v1;
	vm0 =	vgt.s32 v3, $0x0;
	vm1 =	vgt.s32 v4, $0x0  }
0x66: {  	v7 =	vadd.s32 v7, v9;
	v9 =	vnsel vm0, $0x0, v3;
	v11 =	vnsel vm1, $0x0, v4  }
0x67: {  	vm0 =	vlt.u32 v7, $0xE0;
	v9 =	vmin.u32 v9, $0xDF;
	v11 =	vmin.u32 v11, $0xDF  }
0x68: {  	v12 =	vcvt.s32.f32 v7;
	v13 =	vadd.s32 $0x1, v7;
	vm1 =	vgt.s32 v7, $0x0  }
0x69: {  	v7 =	vnsel vm1, $0x0, v7;
	vm1 =	vgt.s32 v13, $0x0;
	v11 =	vsub.s32 v11, v9  }
0x6a: {  	v5 =	vsub.f32 v5, v12;
	v7 =	vmin.u32 v7, $0xDF;
	v12 =	vnsel vm1, $0x0, v13  }
0x6b: {  	v11 =	vshll.u32 v11, $0x10;
	v12 =	vmin.u32 v12, $0xDF;
	v14 =	vshll.u32 v7, $0x8  }
0x6c: {  	v15 =	vsub.f32 $1.000000000e+00, v5;
	v7 =	vsub.s32 v12, v7;
	v11 =	vor.u32 v11, v14  }
0x6d: {  	vm1 =	vlt.u32 v13, $0xE0;
	v7 =	vshll.u32 v7, $0x11;
	v9 =	vor.u32 v9, v11  }
0x6e: {  	s12 =	sadd.s32 $0x20, s12;
	v5 =	vnsel vm1, $0x0, v5;
	v11 =	vnsel vm0, $0x0, v15;
	v7 =	vadd.s32 v7, v9  }
0x6f: {  	v9 =	vtrunc.f32 v10;
	v5 =	vpack.i.f32.bf16 v5, v11;
	[tilespmem:s12+$0xFFFFFFF0] =	vst v7;
	v7 =	vtrunc.f32 v8  }
0x70: {  	[tilespmem:s11+$0x1CE00] =	vst v5;
	v5 =	vcvt.f32.s32 v7;
	vm0 =	vlt.f32 v8, v7;
	v7 =	vcvt.f32.s32 v9  }
0x71: {  	v12 =	vcvt.s32.f32 v3;
	vm1 =	vlt.f32 v10, v9;
	v11 =	vsel vm0, $0xFFFFFFFF, v1  }
0x72: {  	vm0 =	vlt.u32 v4, $0xE0;
	v4 =	vadd.s32 v5, v11;
	v5 =	vsel vm1, $0xFFFFFFFF, v1  }
0x73: {  	v9 =	vadd.s32 v7, v5;
	v13 =	vcvt.s32.f32 v4;
	v7 =	vadd.s32 $0x1, v4  }
0x74: {  	vm1 =	vgt.s32 v4, $0x0;
	v5 =	vcvt.s32.f32 v9;
	vm2 =	vgt.s32 v7, $0x0  }
0x75: {  	v11 =	vadd.s32 $0x1, v9;
	v14 =	vnsel vm2, $0x0, v7;
	vm2 =	vgt.s32 v9, $0x0  }
.Ltmp3:
0x76: {  	v5 =	vsub.f32 v10, v5;
	v10 =	vnsel vm1, $0x0, v4;
	v14 =	vmin.u32 v14, $0xDF;
	(pc) =	sbr.rel @p0 .LBB2_5-.Ltmp3, $4  }
0x77: {  	v6 =	vsub.f32 v6, v12;
	v12 =	vnsel vm2, $0x0, v9;
	vm1 =	vgt.s32 v11, $0x0  }
0x78: {  	v8 =	vsub.f32 v8, v13;
	v10 =	vmin.u32 v10, $0xDF;
	v13 =	vmin.u32 v12, $0xDF  }
0x79: {  	v15 =	vnsel vm1, $0x0, v11;
	v12 =	vsub.f32 $1.000000000e+00, v5;
	v17 =	vsub.s32 v14, v10  }
0x7a: {  	s14 =	sadd.s32 $0x20, s14;
	s15 =	sadd.s32 $0x20, s15;
	v16 =	vmin.u32 v15, $0xDF;
	v14 =	vshll.u32 v13, $0x8;
	v15 =	vshll.u32 v17, $0x10  }
0x7b: {  	v2 =	vsub.f32 $1.000000000e+00, v6;
	v17 =	vsub.f32 $1.000000000e+00, v8  }
0x7c: {  	v13 =	vsub.s32 v16, v13;
	vm1 =	vlt.u32 v9, $0xE0;
	vm2 =	vlt.u32 v11, $0xE0  }
0x7d: {  	v59 =	vor.u32 v15, v14;
	vm3 =	vlt.u32 v3, $0xE0;
	vm4 =	vlt.u32 v7, $0xE0;
	s9 =	sadd.s32 $0x1, s9  }
0x7e: {  	vm5 =	vlt.u32 v4, $0xE0;
	v3 =	vshll.u32 v13, $0x11;
	v60 =	vor.u32 v10, v59;
	p0 =	sne.s32 s9, $0x8  }
.Ltmp4:
0x7f: {  	v61 =	vnsel vm0, $0x0, v6;
	v2 =	vnsel vm3, $0x0, v2;
	v3 =	vadd.s32 v3, v60;
	(pc) =	sbr.rel @p0 .LBB2_4-.Ltmp4, $4  }
0x80: {  	v62 =	vnsel vm1, $0x0, v12;
	v5 =	vnsel vm2, $0x0, v5;
	v2 =	vpack.i.f32.bf16 v61, v2;
	[tilespmem:s12+$0x0] =	vst v3  }
0x81: {  	v63 =	vnsel vm4, $0x0, v8;
	v4 =	vpack.i.f32.bf16 v5, v62;
	v3 =	vnsel vm5, $0x0, v17;
	[tilespmem:s11+$0x1C700] =	vst v2  }
0x82: {  	v2 =	vpack.i.f32.bf16 v63, v3;
	[tilespmem:s10+$0x1CE00] =	vst v4  }
0x83: {  	s2 =	sadd.s32 $0xE0, s2;
	s5 =	sadd.s32 $0xE0, s5;
	s7 =	sadd.s32 $0xE0, s7;
	[tilespmem:s10+$0x1C700] =	vst v2  }
0x84: {  	s1 =	smul.u32 $0x2A0, s1;
	_ =	sdelay $0x1  }
.Ltmp5:
0x85: {  	s2 =	simm.s32 $0x1C000;
	s1 =	sadd.s32 s30, s1;
	(pc) =	sbr.rel .LBB2_8-.Ltmp5, $4  }
0x86: {  	[hbm4b:s1+s6] =	stream.linear.scatter [tilespmem:s2], [sflag:$0x5], $0x1500, $0x38;
	[tilespmem:$0x1FA00] =	vst v63  }
0x87: {  	_ =	swait.ge [sflag:s28], $0x1500  }
0x88: {  	[sflag:s28] =	ssyncset.done $0x0  }
0x89: {  	[sflag:s28] =	ssyncadd.s32 $0xFFFFEB00  }
.LBB2_9:
0x8a: {  	[bflag:$0x0] =	sbarrier.arrive $0xFFFF;
	s3 =	simm.s32 $0x0  }
.LBB2_10:
0x8b: {  	s0 =	rddreg [dreg:$0x4]  }
0x8c: {  	s0 =	sadd.s32 s0, s3  }
0x8d: {  	s1 =	smulhi.u32 $0xAAAAAAAB, s0;
	_ =	sdelay $0x1  }
0x8e: {  	[dreg:$0xb] =	wrdreg s3;
	s1 =	sshrl.u32 s1, $0x5  }
0x8f: {  	s4 =	simm.s32 $0x1;
	s2 =	smul.u32 $0x30, s1;
	s1 =	sadd.s32 s25, s1  }
0x90: {  	_ =	swait.ge [sflag:s4], $0x1C000;
	s23 =	smul.u32 $0x4980, s1  }
0x91: {  	s5 =	simm.s32 $0x0;
	[sflag:s4] =	ssyncset.done $0x0;
	s24 =	smul.u32 $0x540000, s1  }
0x92: {  	[sflag:s4] =	ssyncadd.s32 $0xFFFE4000;
	s1 =	smul.u32 $0x1C, s1;
	s0 =	ssub.s32 s0, s2  }
0x93: {  	s25 =	simm.s32 $0x1C000;
	s0 =	smul.u32 $0x1C000, s0;
	s3 =	sadd.s32 s30, s23  }
0x94: {  	[tilespmem:s25], [sflag:$0x2] =	stream.linear.gather [hbm4b:s3+s5], $0x1500, $0x38;
	[tilespmem:$0x1FA00] =	vst v63  }
0x95: {  	[dreg:$0xc] =	wrdreg s1;
	s26 =	sor.u32 $0x2, s1;
	s28 =	sadd.s32 s0, s24  }
0x96: {  	s31 =	simm.s32 $0x0;
	[dreg:$0xd] =	wrdreg s26;
	s29 =	sadd.s32 $0xE000, s28  }
.LBB2_11:
0x97: {  	s3 =	sshllo.u32 s31, $0x1;
	s0 =	rddreg [dreg:$0xc]  }
0x98: {  	s0 =	sadd.s32 s0, s3  }
0x99: {  	s0 =	smul.u32 $0x2A0, s0;
	_ =	sdelay $0x1  }
0x9a: {  	s1 =	simm.s32 $0x1D500;
	s0 =	sadd.s32 s30, s0  }
0x9b: {  	[tilespmem:s1], [sflag:$0x3] =	stream.linear.gather [hbm4b:s0+s6], $0x1500, $0x38;
	[tilespmem:$0x1FA00] =	vst v63  }
0x9c: {  	_ =	swait.ge [sflag:s17], $0x1500  }
0x9d: {  	p0 =	seq.s32 s31, $0x0;
	[sflag:s17] =	ssyncset.done $0x0  }
0x9e: {  	s0 =	simm.s32 @!p0 $0x4;
	[sflag:s17] =	ssyncadd.s32 $0xFFFFEB00  }
0x9f: {  	_ =	swait.ge @!p0 [sflag:s0], $0x800  }
0xa0: {  	[sflag:s0] =	ssyncset.done @!p0 $0x0  }
0xa1: {  	[sflag:s0] =	ssyncadd.s32 @!p0 $0xFFFFF800  }
0xa2: {  	_ =	swait.ge @!p0 [sflag:s0], $0x800  }
0xa3: {  	[sflag:s0] =	ssyncset.done @!p0 $0x0  }
0xa4: {  	s10 =	simm.s32 $0x1C010;
	[sflag:s0] =	ssyncadd.s32 @!p0 $0xFFFFF800  }
0xa5: {  	v2 =	vld [tilespmem:s10+$0x0];
	_ =	sdelay $0x4  }
0xa6: {  	v3 =	vshrl.u32 v2, $0x11  }
0xa7: {  	v4 =	vand.u32 $0x7F, v2;
	v5 =	vand.u32 $0xF800, v2;
	v6 =	vshrl.u32 v2, $0x1  }
0xa8: {  	v7 =	vshrl.u32 v2, $0x10;
	v8 =	vand.u32 $0xFF, v2;
	v9 =	vshrl.u32 v2, $0x8  }
0xa9: {  	v2 =	vshll.u32 v2, $0x3;
	v7 =	vand.u32 $0x1, v7;
	v9 =	vand.u32 $0xFF, v9  }
0xaa: {  	v6 =	vand.u32 $0x380, v6;
	v2 =	vand.u32 $0x400, v2;
	v7 =	vadd.s32 v8, v7  }
0xab: {  	v3 =	vadd.s32 v3, v9;
	v2 =	vor.u32 v4, v2;
	v8 =	vshll.u32 v7, $0x3  }
0xac: {  	s11 =	simm.s32 $0x10;
	v7 =	vand.u32 $0x7F, v7;
	v4 =	vand.u32 $0xC00, v8;
	v8 =	vor.u32 v6, v2  }
0xad: {  	s12 =	sand.u32 $0x7F0, s11;
	v9 =	vadd.s32 v5, v4;
	v5 =	vor.u32 v5, v8;
	v8 =	vshll.u32 v3, $0x8  }
0xae: {  	v10 =	vld [tilespmem:s12+$0x1C700];
	v3 =	vshll.u32 v3, $0x7;
	v6 =	vor.u32 v6, v9;
	v8 =	vand.u32 $0xFFF800, v8  }
0xaf: {  	v9 =	vld [tilespmem:s10+$0xFFFFFFF0];
	v3 =	vand.u32 $0x380, v3;
	v6 =	vor.u32 v7, v6;
	v2 =	vor.u32 v8, v2  }
0xb0: {  	v2 =	vor.u32 v3, v2  }
0xb1: {  	v4 =	vadd.s32 v4, v8;
	v8 =	vld [tilespmem:s12+$0x1CE00]  }
0xb2: {  	v3 =	vor.u32 v3, v4  }
0xb3: {  	s13 =	simm.s32 $0x1;
	v3 =	vor.u32 v7, v3;
	v4 =	vld.idx.msk [tilespmem:v5+s6+$0x0], $0xffff  }
0xb4: {  	s0 =	sand.u32 $0xFE, s13;
	v14 =	vunpack.i.u.bf16.f32 v10;
	v10 =	vunpack.i.l.bf16.f32 v10;
	v7 =	vshrl.u32 v9, $0x10;
	v11 =	vld.idx.msk [tilespmem:v6+s6+$0x0], $0xffff  }
0xb5: {  	s0 =	sshrl.u32 s0, $0x1;
	v12 =	vand.u32 $0xFF, v9;
	v16 =	vshrl.u32 v9, $0x8;
	v7 =	vand.u32 $0x1, v7;
	v13 =	vld.idx.msk [tilespmem:v2+s6+$0x0], $0xffff  }
0xb6: {  	s0 =	smul.u32 $0x93, s0;
	v15 =	vunpack.i.l.bf16.f32 v8;
	v8 =	vunpack.i.u.bf16.f32 v8;
	v16 =	vand.u32 $0xFF, v16  }
0xb7: {  	v17 =	vmul.f32 v15, v10;
	v15 =	vmul.f32 v15, v14;
	v7 =	vadd.s32 v12, v7  }
0xb8: {  	s14 =	simm.s32 $0x0;
	s0 =	sshrl.u32 s0, $0xA;
	v19 =	vmul.f32 v8, v10;
	v10 =	vshll.u32 v9, $0x3;
	v14 =	vmul.f32 v8, v14;
	v12 =	vld.idx.msk [tilespmem:v3+s6+$0x0], $0xffff  }
0xb9: {  	s1 =	sand.u32 $0xFE, s14;
	s0 =	smul.u32 $0xE, s0;
	v18 =	vshll.u32 v7, $0x3;
	v4 =	vmul.f32 v4, v17;
	v11 =	vmul.f32 v11, v15  }
0xba: {  	s1 =	sshrl.u32 s1, $0x1;
	v10 =	vand.u32 $0x400, v10;
	v18 =	vand.u32 $0xC00, v18;
	v8 =	vmul.f32 v13, v19  }
0xbb: {  	s15 =	simm.s32 $0x0;
	s0 =	ssub.s32 $0x1, s0;
	s12 =	smul.u32 $0x93, s1;
	v13 =	vand.u32 $0x7F, v9;
	v4 =	vadd.f32 v11, v4;
	v11 =	vshrl.u32 v9, $0x11  }
0xbc: {  	s2 =	sshll.u32 s0, $0x4;
	s0 =	sshll.u32 s0, $0x7;
	s1 =	sand.u32 $0x7E0, s15;
	v10 =	vor.u32 v13, v10;
	v11 =	vadd.s32 v11, v16;
	v16 =	vand.u32 $0xF800, v9  }
0xbd: {  	s0 =	sor.u32 s0, s2;
	s5 =	sshrl.u32 s12, $0x2;
	v13 =	vld [tilespmem:s1+$0x1CE00];
	v9 =	vshrl.u32 v9, $0x1;
	v4 =	vadd.f32 v8, v4;
	v8 =	vmul.f32 v12, v14  }
0xbe: {  	s0 =	sand.u32 $0x470, s0;
	s16 =	sshrl.u32 s12, $0x3;
	s11 =	sand.u32 $0x800, s5;
	v21 =	vand.u32 $0x7F, v7;
	v12 =	vld [tilespmem:s1+$0x1C700];
	v20 =	vadd.s32 v16, v18;
	v9 =	vand.u32 $0x380, v9  }
0xbf: {  	s2 =	sand.u32 $0x380, s16;
	s0 =	sor.u32 s11, s0;
	v7 =	vshll.u32 v11, $0x8;
	v4 =	vadd.f32 v8, v4;
	v8 =	vor.u32 v9, v10  }
0xc0: {  	s19 =	simm.s32 $0x1C030;
	s9 =	sor.u32 s2, s0;
	v9 =	vor.u32 v9, v20;
	v8 =	vor.u32 v16, v8;
	v16 =	vand.u32 $0xFFF800, v7  }
0xc1: {  	v22 =	vld [tilespmem:s19+$0x0];
	v7 =	vor.u32 v21, v9;
	[tilespmem:s9+$0x1EA00] =	vst v4;
	v4 =	vshll.u32 v11, $0x7;
	v9 =	vor.u32 v16, v10  }
0xc2: {  	v10 =	vadd.s32 v18, v16;
	v18 =	vunpack.i.l.bf16.f32 v13;
	v13 =	vunpack.i.u.bf16.f32 v13;
	v5 =	vld.idx.msk [tilespmem:v5+s18+$0x0], $0xffff  }
0xc3: {  	v11 =	vunpack.i.u.bf16.f32 v12;
	v4 =	vand.u32 $0x380, v4;
	v6 =	vld.idx.msk [tilespmem:v6+s18+$0x0], $0xffff;
	v12 =	vunpack.i.l.bf16.f32 v12  }
0xc4: {  	v2 =	vld.idx.msk [tilespmem:v2+s18+$0x0], $0xffff;
	v9 =	vor.u32 v4, v9;
	v16 =	vmul.f32 v18, v12;
	v26 =	vmul.f32 v18, v11  }
0xc5: {  	v3 =	vld.idx.msk [tilespmem:v3+s18+$0x0], $0xffff;
	v4 =	vor.u32 v4, v10;
	v18 =	vmul.f32 v13, v12;
	v20 =	vmul.f32 v13, v11  }
0xc6: {  	v11 =	vand.u32 $0x7F, v22;
	v12 =	vand.u32 $0xF800, v22;
	v13 =	vshrl.u32 v22, $0x1  }
0xc7: {  	v10 =	vor.u32 v21, v4;
	v4 =	vshrl.u32 v22, $0x11;
	v21 =	vshrl.u32 v22, $0x10  }
0xc8: {  	v13 =	vand.u32 $0x380, v13;
	v5 =	vmul.f32 v5, v17;
	v6 =	vmul.f32 v6, v15  }
0xc9: {  	v15 =	vand.u32 $0xFF, v22;
	v17 =	vshrl.u32 v22, $0x8;
	v2 =	vmul.f32 v2, v19  }
0xca: {  	v19 =	vand.u32 $0x1, v21;
	v3 =	vmul.f32 v3, v14;
	v5 =	vadd.f32 v6, v5  }
0xcb: {  	v17 =	vand.u32 $0xFF, v17;
	v15 =	vadd.s32 v15, v19;
	v6 =	vshll.u32 v22, $0x3  }
0xcc: {  	v2 =	vadd.f32 v2, v5;
	v5 =	vand.u32 $0x400, v6;
	v6 =	vshll.u32 v15, $0x3  }
0xcd: {  	v14 =	vld [tilespmem:s19+$0xFFFFFFF0];
	v4 =	vadd.s32 v4, v17;
	v5 =	vor.u32 v11, v5;
	v11 =	vand.u32 $0xC00, v6  }
0xce: {  	v15 =	vand.u32 $0x7F, v15;
	v6 =	vor.u32 v13, v5;
	v17 =	vadd.s32 v12, v11  }
0xcf: {  	s20 =	simm.s32 $0x30;
	v12 =	vor.u32 v12, v6;
	v6 =	vor.u32 v13, v17;
	v13 =	vshll.u32 v4, $0x8  }
0xd0: {  	s0 =	sand.u32 $0x7F0, s20;
	v4 =	vshll.u32 v4, $0x7;
	v17 =	vor.u32 v15, v6;
	v13 =	vand.u32 $0xFFF800, v13  }
0xd1: {  	v6 =	vadd.f32 v3, v2;
	v2 =	vand.u32 $0x380, v4;
	v4 =	vld [tilespmem:s0+$0x1C700];
	v3 =	vor.u32 v13, v5  }
0xd2: {  	v19 =	vand.u32 $0xFF, v14;
	v11 =	vadd.s32 v11, v13;
	v13 =	vld [tilespmem:s0+$0x1CE00];
	v3 =	vor.u32 v2, v3  }
0xd3: {  	v21 =	vshll.u32 v14, $0x3;
	v5 =	vshrl.u32 v14, $0x10;
	v2 =	vor.u32 v2, v11  }
0xd4: {  	s23 =	simm.s32 $0x3;
	v23 =	vshrl.u32 v14, $0x11;
	v5 =	vand.u32 $0x1, v5;
	v2 =	vor.u32 v15, v2;
	v22 =	vld.idx.msk [tilespmem:v12+s6+$0x0], $0xffff  }
0xd5: {  	v24 =	vand.u32 $0x7F, v14;
	s0 =	sand.u32 $0xFE, s23;
	v11 =	vshrl.u32 v14, $0x8;
	v5 =	vadd.s32 v19, v5;
	v19 =	vld.idx.msk [tilespmem:v17+s6+$0x0], $0xffff  }
0xd6: {  	v29 =	vshrl.u32 v14, $0x1;
	s0 =	sshrl.u32 s0, $0x1;
	v14 =	vand.u32 $0xF800, v14;
	v11 =	vand.u32 $0xFF, v11  }
0xd7: {  	s0 =	smul.u32 $0x93, s0;
	v27 =	vunpack.i.u.bf16.f32 v4;
	v4 =	vunpack.i.l.bf16.f32 v4;
	v28 =	vunpack.i.l.bf16.f32 v13;
	v25 =	vld.idx.msk [tilespmem:v3+s6+$0x0], $0xffff  }
0xd8: {  	v13 =	vunpack.i.u.bf16.f32 v13;
	v33 =	vmul.f32 v28, v4;
	v28 =	vmul.f32 v28, v27  }
0xd9: {  	s24 =	simm.s32 $0x2;
	s25 =	simm.s32 $0x20;
	v15 =	vand.u32 $0x400, v21;
	v11 =	vadd.s32 v23, v11;
	s0 =	sshrl.u32 s0, $0xA;
	v4 =	vmul.f32 v13, v4;
	v23 =	vld.idx.msk [tilespmem:v2+s6+$0x0], $0xffff  }
0xda: {  	s5 =	sand.u32 $0x7E0, s25;
	s1 =	sand.u32 $0xFE, s24;
	v21 =	vshll.u32 v5, $0x3;
	s0 =	smul.u32 $0xE, s0;
	v22 =	vmul.f32 v22, v33;
	v19 =	vmul.f32 v19, v28  }
0xdb: {  	v32 =	vld [tilespmem:s5+$0x1CE00];
	s1 =	sshrl.u32 s1, $0x1;
	v15 =	vor.u32 v24, v15;
	v24 =	vand.u32 $0x380, v29;
	v21 =	vand.u32 $0xC00, v21  }
0xdc: {  	s7 =	smul.u32 $0x93, s1;
	v30 =	vld.idx.msk [tilespmem:v7+s6+$0x0], $0xffff;
	v13 =	vmul.f32 v13, v27;
	s0 =	ssub.s32 $0x3, s0;
	v19 =	vadd.f32 v19, v22;
	v22 =	vmul.f32 v25, v4  }
0xdd: {  	v5 =	vand.u32 $0x7F, v5;
	v31 =	vor.u32 v24, v15;
	v27 =	vadd.s32 v14, v21;
	s26 =	sshll.u32 s0, $0x4;
	s0 =	sshll.u32 s0, $0x7;
	v25 =	vld [tilespmem:s5+$0x1C700]  }
0xde: {  	s4 =	sshrl.u32 s7, $0x2;
	v29 =	vld.idx.msk [tilespmem:v8+s6+$0x0], $0xffff;
	v24 =	vor.u32 v24, v27;
	s0 =	sor.u32 s0, s26;
	v23 =	vmul.f32 v23, v13;
	v27 =	vadd.f32 v22, v19  }
0xdf: {  	s10 =	sshrl.u32 s7, $0x3;
	s1 =	sand.u32 $0x800, s4;
	s0 =	sand.u32 $0x470, s0;
	v22 =	vor.u32 v14, v31;
	v19 =	vor.u32 v5, v24;
	v14 =	vshll.u32 v11, $0x8  }
0xe0: {  	s14 =	sand.u32 $0x380, s10;
	s0 =	sor.u32 s1, s0;
	v24 =	vld.idx.msk [tilespmem:v9+s6+$0x0], $0xffff;
	v11 =	vshll.u32 v11, $0x7;
	v14 =	vand.u32 $0xFFF800, v14;
	v23 =	vadd.f32 v23, v27  }
0xe1: {  	s13 =	simm.s32 $0x1C050;
	v34 =	vld.idx.msk [tilespmem:v10+s6+$0x0], $0xffff;
	s23 =	sor.u32 s14, s0;
	v11 =	vand.u32 $0x380, v11;
	v15 =	vor.u32 v14, v15;
	v14 =	vadd.s32 v21, v14  }
0xe2: {  	v21 =	vunpack.i.u.bf16.f32 v25;
	v31 =	vunpack.i.l.bf16.f32 v25;
	v25 =	vor.u32 v11, v15;
	v15 =	vld [tilespmem:s13+$0x0];
	[tilespmem:s23+$0x1EA00] =	vst v23  }
0xe3: {  	v35 =	vmul.f32 v30, v26;
	v27 =	vmul.f32 v29, v16;
	v23 =	vunpack.i.l.bf16.f32 v32;
	v12 =	vld.idx.msk [tilespmem:v12+s18+$0x0], $0xffff  }
0xe4: {  	v11 =	vor.u32 v11, v14;
	v14 =	vunpack.i.u.bf16.f32 v32;
	v29 =	vmul.f32 v23, v31;
	v17 =	vld.idx.msk [tilespmem:v17+s18+$0x0], $0xffff  }
0xe5: {  	v30 =	vmul.f32 v23, v21;
	v23 =	vmul.f32 v24, v18;
	v24 =	vadd.f32 v35, v27;
	v3 =	vld.idx.msk [tilespmem:v3+s18+$0x0], $0xffff  }
0xe6: {  	v32 =	vmul.f32 v14, v21;
	v27 =	vor.u32 v5, v11;
	v31 =	vmul.f32 v14, v31;
	v2 =	vld.idx.msk [tilespmem:v2+s18+$0x0], $0xffff  }
0xe7: {  	s26 =	simm.s32 $0x1C070;
	v5 =	vmul.f32 v34, v20;
	v61 =	vld.idx.msk [tilespmem:v19+s6+$0x0], $0xffff;
	v11 =	vadd.f32 v23, v24;
	v14 =	vshrl.u32 v15, $0x11  }
0xe8: {  	v52 =	vld [tilespmem:s26+$0x0];
	v21 =	vand.u32 $0x7F, v15;
	v23 =	vand.u32 $0xF800, v15;
	v24 =	vshrl.u32 v15, $0x1  }
0xe9: {  	v55 =	vshrl.u32 v15, $0x8;
	v56 =	vshll.u32 v15, $0x3;
	v11 =	vadd.f32 v5, v11  }
0xea: {  	v12 =	vmul.f32 v12, v33;
	v17 =	vmul.f32 v17, v28;
	v28 =	vand.u32 $0xFF, v15  }
0xeb: {  	v48 =	vld.idx.msk [tilespmem:v25+s6+$0x0], $0xffff;
	v15 =	vshrl.u32 v15, $0x10;
	v3 =	vmul.f32 v3, v4;
	v2 =	vmul.f32 v2, v13  }
0xec: {  	v54 =	vmul.f32 v61, v30;
	v4 =	vand.u32 $0x1, v15;
	v15 =	vand.u32 $0xFF, v55  }
0xed: {  	v55 =	vand.u32 $0x7F, v52;
	v12 =	vadd.f32 v17, v12;
	v4 =	vadd.s32 v28, v4  }
0xee: {  	v17 =	vand.u32 $0x380, v24;
	v28 =	vld [tilespmem:s13+$0xFFFFFFF0];
	v14 =	vadd.s32 v14, v15;
	v24 =	vshll.u32 v4, $0x3  }
0xef: {  	v4 =	vand.u32 $0x7F, v4;
	v3 =	vadd.f32 v3, v12;
	v12 =	vand.u32 $0x400, v56  }
0xf0: {  	v35 =	vmul.f32 v48, v31;
	v15 =	vand.u32 $0xC00, v24;
	v12 =	vor.u32 v21, v12  }
0xf1: {  	v56 =	vand.u32 $0xF800, v52;
	v24 =	vadd.s32 v23, v15;
	v21 =	vor.u32 v17, v12  }
0xf2: {  	s15 =	simm.s32 $0x50;
	v17 =	vor.u32 v17, v24;
	v57 =	vor.u32 v23, v21;
	v21 =	vshll.u32 v14, $0x8  }
0xf3: {  	s0 =	sand.u32 $0x7F0, s15;
	v24 =	vor.u32 v4, v17;
	v14 =	vshll.u32 v14, $0x7;
	v59 =	vshrl.u32 v28, $0x11  }
0xf4: {  	v23 =	vld [tilespmem:s0+$0x1CE00];
	v40 =	vand.u32 $0x7F, v28;
	v42 =	vshrl.u32 v28, $0x1;
	v17 =	vand.u32 $0xFFF800, v21  }
0xf5: {  	v13 =	vand.u32 $0x380, v14;
	v14 =	vld [tilespmem:s0+$0x1C700];
	v21 =	vshrl.u32 v28, $0x10;
	v12 =	vor.u32 v17, v12  }
0xf6: {  	v60 =	vand.u32 $0x380, v42;
	v17 =	vadd.s32 v15, v17;
	v12 =	vor.u32 v13, v12  }
0xf7: {  	v15 =	vadd.f32 v2, v3;
	v2 =	vand.u32 $0x1, v21;
	v3 =	vor.u32 v13, v17  }
0xf8: {  	s16 =	simm.s32 $0x5;
	v13 =	vand.u32 $0xFF, v28;
	v17 =	vshrl.u32 v28, $0x8;
	v58 =	vor.u32 v4, v3;
	v21 =	vld.idx.msk [tilespmem:v57+s6+$0x0], $0xffff  }
0xf9: {  	s0 =	sand.u32 $0xFE, s16;
	v2 =	vadd.s32 v13, v2;
	v3 =	vshll.u32 v28, $0x3;
	v4 =	vand.u32 $0xFF, v17;
	v13 =	vld.idx.msk [tilespmem:v24+s6+$0x0], $0xffff  }
0xfa: {  	s10 =	simm.s32 $0x40;
	s0 =	sshrl.u32 s0, $0x1;
	v38 =	vunpack.i.l.bf16.f32 v23;
	v37 =	vunpack.i.u.bf16.f32 v14;
	v14 =	vunpack.i.l.bf16.f32 v14  }
0xfb: {  	s13 =	sand.u32 $0x7E0, s10;
	s0 =	smul.u32 $0x93, s0;
	v23 =	vunpack.i.u.bf16.f32 v23;
	v39 =	vmul.f32 v38, v14;
	v38 =	vmul.f32 v38, v37;
	v36 =	vld.idx.msk [tilespmem:v12+s6+$0x0], $0xffff  }
0xfc: {  	v17 =	vshll.u32 v2, $0x3;
	v14 =	vmul.f32 v23, v14;
	v37 =	vmul.f32 v23, v37;
	v23 =	vld [tilespmem:s13+$0x1C700]  }
0xfd: {  	s19 =	simm.s32 $0x4;
	v28 =	vand.u32 $0xF800, v28;
	v3 =	vand.u32 $0x400, v3;
	s0 =	sshrl.u32 s0, $0xA;
	v41 =	vand.u32 $0xC00, v17;
	v17 =	vld.idx.msk [tilespmem:v58+s6+$0x0], $0xffff  }
0xfe: {  	s5 =	sand.u32 $0xFE, s19;
	v4 =	vadd.s32 v59, v4;
	s0 =	smul.u32 $0xE, s0;
	v21 =	vmul.f32 v21, v39;
	v13 =	vmul.f32 v13, v38  }
0xff: {  	s5 =	sshrl.u32 s5, $0x1;
	v2 =	vand.u32 $0x7F, v2;
	v59 =	vshrl.u32 v52, $0x8;
	v3 =	vor.u32 v40, v3  }
0x100: {  	s10 =	smul.u32 $0x93, s5;
	v61 =	vand.u32 $0xFF, v59;
	s0 =	ssub.s32 $0x5, s0;
	v13 =	vadd.f32 v13, v21;
	v21 =	vmul.f32 v36, v14  }
0x101: {  	v45 =	vld.idx.msk [tilespmem:v22+s6+$0x0], $0xffff;
	v62 =	vadd.s32 v28, v41;
	v63 =	vor.u32 v60, v3;
	s20 =	sshll.u32 s0, $0x4;
	s0 =	sshll.u32 s0, $0x7;
	v50 =	vunpack.i.u.bf16.f32 v23  }
0x102: {  	v43 =	vld [tilespmem:s13+$0x1CE00];
	s24 =	sshrl.u32 s10, $0x2;
	s0 =	sor.u32 s0, s20;
	v51 =	vunpack.i.l.bf16.f32 v23;
	v44 =	vmul.f32 v17, v37;
	v13 =	vadd.f32 v21, v13  }
0x103: {  	s25 =	sshrl.u32 s10, $0x3;
	s16 =	sand.u32 $0x800, s24;
	s0 =	sand.u32 $0x470, s0;
	v17 =	vor.u32 v60, v62;
	v21 =	vor.u32 v28, v63;
	v28 =	vshll.u32 v4, $0x8  }
0x104: {  	s24 =	sand.u32 $0x380, s25;
	s0 =	sor.u32 s16, s0;
	v4 =	vshll.u32 v4, $0x7;
	v28 =	vand.u32 $0xFFF800, v28;
	v13 =	vadd.f32 v44, v13  }
0x105: {  	v49 =	vld.idx.msk [tilespmem:v27+s6+$0x0], $0xffff;
	s0 =	sor.u32 s24, s0;
	v60 =	vshrl.u32 v52, $0x10;
	v4 =	vand.u32 $0x380, v4;
	v3 =	vor.u32 v28, v3  }
0x106: {  	v17 =	vor.u32 v2, v17;
	v63 =	vld [tilespmem:s26+$0xFFFFFFF0];
	v28 =	vadd.s32 v41, v28;
	v23 =	vor.u32 v4, v3;
	[tilespmem:s0+$0x1EA00] =	vst v13  }
0x107: {  	v3 =	vor.u32 v4, v28;
	v4 =	vunpack.i.l.bf16.f32 v43;
	v28 =	vmul.f32 v45, v29;
	v46 =	vld.idx.msk [tilespmem:v57+s18+$0x0], $0xffff  }
0x108: {  	v13 =	vunpack.i.u.bf16.f32 v43;
	v53 =	vld.idx.msk [tilespmem:v24+s18+$0x0], $0xffff;
	v24 =	vor.u32 v2, v3;
	v2 =	vmul.f32 v4, v51  }
0x109: {  	v62 =	vand.u32 $0x1, v60;
	v3 =	vmul.f32 v4, v50;
	v4 =	vmul.f32 v13, v51;
	v12 =	vld.idx.msk [tilespmem:v12+s18+$0x0], $0xffff  }
0x10a: {  	v33 =	vadd.f32 v54, v28;
	v5 =	vmul.f32 v13, v50;
	v28 =	vmul.f32 v49, v32;
	v34 =	vld.idx.msk [tilespmem:v58+s18+$0x0], $0xffff  }
0x10b: {  	s4 =	simm.s32 $0x70;
	v13 =	vshrl.u32 v52, $0x11;
	v57 =	vshrl.u32 v52, $0x1;
	v58 =	vand.u32 $0xFF, v52  }
0x10c: {  	s5 =	sand.u32 $0x7F0, s4;
	v40 =	vand.u32 $0x380, v57;
	v41 =	vadd.s32 v58, v62;
	v13 =	vadd.s32 v13, v61  }
0x10d: {  	v57 =	vld [tilespmem:s5+$0x1CE00];
	v61 =	vshrl.u32 v63, $0x11;
	v62 =	vand.u32 $0x7F, v63;
	v33 =	vadd.f32 v35, v33  }
0x10e: {  	v49 =	vand.u32 $0x7F, v41;
	v39 =	vmul.f32 v46, v39;
	v38 =	vmul.f32 v53, v38  }
0x10f: {  	v12 =	vmul.f32 v12, v14;
	v14 =	vshll.u32 v52, $0x3;
	v34 =	vmul.f32 v34, v37  }
0x110: {  	v46 =	vshll.u32 v41, $0x3;
	v52 =	vshll.u32 v13, $0x8;
	v13 =	vshll.u32 v13, $0x7  }
0x111: {  	v53 =	vshrl.u32 v63, $0x10;
	v14 =	vand.u32 $0x400, v14;
	v47 =	vand.u32 $0xC00, v46  }
0x112: {  	v13 =	vand.u32 $0x380, v13;
	v43 =	vunpack.i.u.bf16.f32 v57;
	v38 =	vadd.f32 v38, v39  }
0x113: {  	v14 =	vor.u32 v55, v14;
	v50 =	vadd.s32 v56, v47;
	v55 =	vand.u32 $0xFF, v63  }
0x114: {  	v54 =	vld [tilespmem:s5+$0x1C700];
	v48 =	vor.u32 v40, v14;
	v51 =	vor.u32 v40, v50;
	v40 =	vand.u32 $0xFFF800, v52  }
0x115: {  	s12 =	sshrl.u32 s12, $0xA;
	v50 =	vunpack.i.l.bf16.f32 v57;
	v12 =	vadd.f32 v12, v38;
	v37 =	vor.u32 v56, v48  }
0x116: {  	s13 =	smul.u32 $0xE, s12;
	v41 =	vor.u32 v49, v51;
	v14 =	vor.u32 v40, v14;
	v56 =	vshrl.u32 v63, $0x8  }
0x117: {  	v38 =	vshrl.u32 v63, $0x1;
	v42 =	vor.u32 v13, v14;
	v14 =	vadd.s32 v47, v40  }
0x118: {  	s5 =	ssub.s32 $0x0, s13;
	v51 =	vld.idx.msk [tilespmem:v21+s6+$0x0], $0xffff;
	v38 =	vand.u32 $0x380, v38;
	v36 =	vadd.f32 v34, v12;
	v12 =	vand.u32 $0x1, v53  }
0x119: {  	s19 =	sshll.u32 s5, $0x4;
	s5 =	sshll.u32 s5, $0x7;
	v47 =	vld.idx.msk [tilespmem:v17+s6+$0x0], $0xffff;
	v13 =	vor.u32 v13, v14;
	v14 =	vshll.u32 v63, $0x3;
	v34 =	vunpack.i.l.bf16.f32 v54  }
0x11a: {  	s5 =	sor.u32 s5, s19;
	v12 =	vadd.s32 v55, v12;
	v52 =	vmul.f32 v50, v34;
	v46 =	vmul.f32 v43, v34;
	v34 =	vld.idx.msk [tilespmem:v23+s6+$0x0], $0xffff  }
0x11b: {  	s15 =	simm.s32 $0x7;
	s20 =	simm.s32 $0x60;
	s5 =	sand.u32 $0x460, s5;
	v39 =	vor.u32 v49, v13;
	v13 =	vand.u32 $0xFF, v56;
	v14 =	vand.u32 $0x400, v14;
	v58 =	vld.idx.msk [tilespmem:v37+s6+$0x0], $0xffff  }
0x11c: {  	s12 =	sand.u32 $0xFE, s15;
	s13 =	sand.u32 $0x7E0, s20;
	s5 =	sor.u32 s11, s5;
	v49 =	vunpack.i.u.bf16.f32 v54;
	v59 =	vshll.u32 v12, $0x3;
	v45 =	vadd.s32 v61, v13;
	v60 =	vld.idx.msk [tilespmem:v41+s6+$0x0], $0xffff  }
0x11d: {  	s12 =	sshrl.u32 s12, $0x1;
	s11 =	sor.u32 s2, s5;
	v54 =	vld [tilespmem:s13+$0x1C700];
	v13 =	vand.u32 $0xF800, v63;
	v50 =	vmul.f32 v50, v49;
	v14 =	vor.u32 v62, v14  }
0x11e: {  	s12 =	smul.u32 $0x93, s12;
	[tilespmem:s11+$0x1EA00] =	vst v11;
	v57 =	vand.u32 $0x7F, v12;
	v43 =	vmul.f32 v43, v49;
	v40 =	vand.u32 $0xC00, v59;
	v48 =	vld.idx.msk [tilespmem:v42+s6+$0x0], $0xffff  }
0x11f: {  	v49 =	vld.idx.msk [tilespmem:v7+s18+$0x0], $0xffff;
	v56 =	vor.u32 v38, v14;
	v7 =	vshll.u32 v45, $0x7;
	v55 =	vadd.s32 v13, v40  }
0x120: {  	s15 =	simm.s32 $0x6;
	s12 =	sshrl.u32 s12, $0xA;
	v12 =	vor.u32 v13, v56;
	v13 =	vshll.u32 v45, $0x8;
	v7 =	vand.u32 $0x380, v7;
	v53 =	vld.idx.msk [tilespmem:v39+s6+$0x0], $0xffff  }
0x121: {  	s15 =	sand.u32 $0xFE, s15;
	s12 =	smul.u32 $0xE, s12;
	v11 =	vor.u32 v38, v55;
	v38 =	vld.idx.msk [tilespmem:v8+s18+$0x0], $0xffff;
	v35 =	vmul.f32 v58, v52;
	v44 =	vmul.f32 v60, v50  }
0x122: {  	s15 =	sshrl.u32 s15, $0x1;
	v47 =	vmul.f32 v47, v3;
	v8 =	vand.u32 $0xFFF800, v13;
	v13 =	vor.u32 v57, v11;
	v58 =	vld [tilespmem:s13+$0x1CE00]  }
0x123: {  	s25 =	ssub.s32 $0x7, s12;
	s2 =	smul.u32 $0x93, s15;
	v11 =	vor.u32 v8, v14;
	v63 =	vmul.f32 v48, v46;
	v35 =	vadd.f32 v44, v35  }
0x124: {  	s12 =	sshll.u32 s25, $0x4;
	s5 =	sshll.u32 s25, $0x7;
	v59 =	vld.idx.msk [tilespmem:v10+s18+$0x0], $0xffff;
	v8 =	vadd.s32 v40, v8;
	v40 =	vunpack.i.u.bf16.f32 v54;
	v10 =	vunpack.i.l.bf16.f32 v54  }
0x125: {  	s15 =	simm.s32 $0x1C090;
	s5 =	sor.u32 s5, s12;
	s26 =	sshrl.u32 s2, $0x2;
	v14 =	vor.u32 v7, v11;
	v48 =	vld.idx.msk [tilespmem:v24+s6+$0x0], $0xffff;
	v56 =	vmul.f32 v53, v43;
	v35 =	vadd.f32 v63, v35  }
0x126: {  	s4 =	sshrl.u32 s2, $0x3;
	s5 =	sand.u32 $0x470, s5;
	v45 =	vld.idx.msk [tilespmem:v9+s18+$0x0], $0xffff;
	v8 =	vor.u32 v7, v8;
	s13 =	sand.u32 $0x800, s26;
	v63 =	vmul.f32 v51, v2;
	v51 =	vmul.f32 v34, v4  }
0x127: {  	s25 =	sand.u32 $0x380, s4;
	s5 =	sor.u32 s13, s5;
	v53 =	vld [tilespmem:s15+$0x0];
	v60 =	vunpack.i.l.bf16.f32 v58;
	v61 =	vunpack.i.u.bf16.f32 v58;
	v9 =	vadd.f32 v56, v35  }
0x128: {  	v11 =	vor.u32 v57, v8;
	s5 =	sor.u32 s25, s5;
	v7 =	vmul.f32 v60, v10;
	v10 =	vmul.f32 v61, v10  }
0x129: {  	v8 =	vmul.f32 v61, v40;
	v54 =	vadd.f32 v47, v63;
	[tilespmem:s5+$0x1EA00] =	vst v9;
	v9 =	vmul.f32 v60, v40;
	v40 =	vld [tilespmem:s15+$0xFFFFFFF0]  }
0x12a: {  	v47 =	vadd.f32 v28, v33;
	v34 =	vmul.f32 v48, v5;
	v28 =	vmul.f32 v38, v16;
	v62 =	vld.idx.msk [tilespmem:v37+s18+$0x0], $0xffff  }
0x12b: {  	v33 =	vmul.f32 v45, v18;
	v16 =	vmul.f32 v59, v20;
	v35 =	vadd.f32 v51, v54;
	v41 =	vld.idx.msk [tilespmem:v41+s18+$0x0], $0xffff  }
0x12c: {  	v18 =	vshrl.u32 v53, $0x11;
	v20 =	vand.u32 $0x7F, v53;
	v56 =	vand.u32 $0xF800, v53;
	v42 =	vld.idx.msk [tilespmem:v42+s18+$0x0], $0xffff  }
0x12d: {  	v59 =	vshrl.u32 v53, $0x1;
	v61 =	vshrl.u32 v53, $0x8;
	v37 =	vmul.f32 v49, v26;
	v26 =	vld.idx.msk [tilespmem:v39+s18+$0x0], $0xffff  }
0x12e: {  	v60 =	vand.u32 $0xFF, v53;
	v49 =	vshll.u32 v53, $0x3;
	v45 =	vand.u32 $0xFF, v61  }
0x12f: {  	v18 =	vadd.s32 v18, v45;
	v37 =	vadd.f32 v37, v28;
	v55 =	vshrl.u32 v40, $0x10  }
0x130: {  	v61 =	vand.u32 $0x7F, v40;
	v57 =	vmul.f32 v62, v52;
	v58 =	vmul.f32 v41, v50  }
0x131: {  	v62 =	vshrl.u32 v53, $0x10;
	v63 =	vmul.f32 v42, v46;
	v41 =	vand.u32 $0x380, v59  }
0x132: {  	v26 =	vmul.f32 v26, v43;
	v42 =	vand.u32 $0x400, v49;
	v53 =	vshll.u32 v18, $0x8  }
0x133: {  	s7 =	sshrl.u32 s7, $0xA;
	v18 =	vshll.u32 v18, $0x7;
	v50 =	vand.u32 $0x1, v62;
	v20 =	vor.u32 v20, v42  }
0x134: {  	s7 =	smul.u32 $0xE, s7;
	s19 =	simm.s32 $0x90;
	v54 =	vand.u32 $0xFFF800, v53;
	v18 =	vand.u32 $0x380, v18;
	v44 =	vadd.s32 v60, v50  }
0x135: {  	s12 =	sand.u32 $0x7F0, s19;
	v39 =	vadd.f32 v58, v57;
	v42 =	vor.u32 v41, v20;
	v51 =	vshll.u32 v44, $0x3  }
0x136: {  	s7 =	ssub.s32 $0x2, s7;
	v59 =	vld [tilespmem:s12+$0x1CE00];
	v20 =	vor.u32 v54, v20;
	v57 =	vand.u32 $0xFF, v40;
	v43 =	vand.u32 $0xC00, v51  }
0x137: {  	s26 =	sshll.u32 s7, $0x4;
	s7 =	sshll.u32 s7, $0x7;
	v58 =	vshrl.u32 v40, $0x8;
	v44 =	vand.u32 $0x7F, v44;
	v52 =	vadd.s32 v56, v43  }
0x138: {  	s7 =	sor.u32 s7, s26;
	v38 =	vor.u32 v56, v42;
	v39 =	vadd.f32 v63, v39;
	v41 =	vor.u32 v41, v52  }
0x139: {  	s7 =	sand.u32 $0x460, s7;
	v60 =	vshrl.u32 v40, $0x11;
	v46 =	vor.u32 v18, v20;
	v41 =	vor.u32 v44, v41  }
0x13a: {  	s1 =	sor.u32 s1, s7;
	v20 =	vadd.s32 v43, v54;
	v42 =	vadd.f32 v26, v39;
	v26 =	vand.u32 $0x1, v55  }
0x13b: {  	s1 =	sor.u32 s14, s1;
	v56 =	vld [tilespmem:s12+$0x1C700];
	v48 =	vunpack.i.u.bf16.f32 v59;
	v18 =	vor.u32 v18, v20;
	v20 =	vadd.s32 v57, v26  }
0x13c: {  	[tilespmem:s1+$0x1EA00] =	vst v47;
	v47 =	vld.idx.msk [tilespmem:v14+s6+$0x0], $0xffff;
	v26 =	vshll.u32 v40, $0x3;
	v49 =	vor.u32 v44, v18;
	v18 =	vand.u32 $0xFF, v58  }
0x13d: {  	s20 =	simm.s32 $0x9;
	s4 =	simm.s32 $0x80;
	v43 =	vld.idx.msk [tilespmem:v38+s6+$0x0], $0xffff;
	v26 =	vand.u32 $0x400, v26;
	v62 =	vshll.u32 v20, $0x3;
	v50 =	vadd.s32 v60, v18  }
0x13e: {  	s15 =	sand.u32 $0x7E0, s4;
	s12 =	sand.u32 $0xFE, s20;
	v18 =	vand.u32 $0xF800, v40;
	v40 =	vshrl.u32 v40, $0x1;
	v44 =	vand.u32 $0xC00, v62;
	v63 =	vld.idx.msk [tilespmem:v41+s6+$0x0], $0xffff  }
0x13f: {  	s12 =	sshrl.u32 s12, $0x1;
	v57 =	vld [tilespmem:s15+$0x1C700];
	v62 =	vunpack.i.l.bf16.f32 v59;
	v26 =	vor.u32 v61, v26;
	v40 =	vand.u32 $0x380, v40  }
0x140: {  	s12 =	smul.u32 $0x93, s12;
	v52 =	vld.idx.msk [tilespmem:v46+s6+$0x0], $0xffff;
	v53 =	vunpack.i.u.bf16.f32 v56;
	v39 =	vunpack.i.l.bf16.f32 v56;
	v58 =	vadd.s32 v18, v44  }
0x141: {  	v61 =	vld.idx.msk [tilespmem:v12+s6+$0x0], $0xffff;
	v59 =	vor.u32 v40, v26;
	v55 =	vmul.f32 v62, v39;
	v54 =	vmul.f32 v62, v53  }
0x142: {  	s19 =	simm.s32 $0x8;
	s12 =	sshrl.u32 s12, $0xA;
	v39 =	vmul.f32 v48, v39;
	v18 =	vor.u32 v18, v59;
	v59 =	vshll.u32 v50, $0x8;
	v51 =	vld.idx.msk [tilespmem:v49+s6+$0x0], $0xffff  }
0x143: {  	s19 =	sand.u32 $0xFE, s19;
	v56 =	vld.idx.msk [tilespmem:v13+s6+$0x0], $0xffff;
	s12 =	smul.u32 $0xE, s12;
	v50 =	vshll.u32 v50, $0x7;
	v43 =	vmul.f32 v43, v55;
	v45 =	vmul.f32 v63, v54  }
0x144: {  	s19 =	sshrl.u32 s19, $0x1;
	v60 =	vand.u32 $0x7F, v20;
	v20 =	vor.u32 v40, v58;
	v62 =	vand.u32 $0x380, v50;
	v50 =	vld.idx.msk [tilespmem:v25+s18+$0x0], $0xffff  }
0x145: {  	s7 =	smul.u32 $0x93, s19;
	v48 =	vmul.f32 v48, v53;
	s12 =	ssub.s32 $0x9, s12;
	v58 =	vmul.f32 v52, v39;
	v63 =	vadd.f32 v45, v43;
	v45 =	vld [tilespmem:s15+$0x1CE00]  }
0x146: {  	v47 =	vmul.f32 v47, v10;
	v53 =	vunpack.i.l.bf16.f32 v57;
	s20 =	sshll.u32 s12, $0x4;
	s12 =	sshll.u32 s12, $0x7;
	v52 =	vand.u32 $0xFFF800, v59;
	v43 =	vld.idx.msk [tilespmem:v22+s18+$0x0], $0xffff  }
0x147: {  	s26 =	sshrl.u32 s7, $0x2;
	s12 =	sor.u32 s12, s20;
	v26 =	vor.u32 v52, v26;
	v22 =	vmul.f32 v51, v48;
	v51 =	vld.idx.msk [tilespmem:v19+s18+$0x0], $0xffff;
	v40 =	vadd.f32 v58, v63  }
0x148: {  	s4 =	sshrl.u32 s7, $0x3;
	s20 =	sand.u32 $0x800, s26;
	s12 =	sand.u32 $0x470, s12;
	v25 =	vor.u32 v62, v26;
	v19 =	vadd.s32 v44, v52;
	v52 =	vunpack.i.u.bf16.f32 v57;
	v57 =	vld.idx.msk [tilespmem:v27+s18+$0x0], $0xffff  }
0x149: {  	s14 =	simm.s32 $0x1C0B0;
	s19 =	sand.u32 $0x380, s4;
	s12 =	sor.u32 s20, s12;
	v44 =	vadd.f32 v34, v35;
	v19 =	vor.u32 v62, v19;
	v40 =	vadd.f32 v22, v40  }
0x14a: {  	s15 =	sor.u32 s19, s12;
	v62 =	vmul.f32 v56, v9;
	v63 =	vunpack.i.u.bf16.f32 v45;
	v26 =	vunpack.i.l.bf16.f32 v45;
	v45 =	vld [tilespmem:s14+$0x0]  }
0x14b: {  	v22 =	vor.u32 v60, v19;
	v19 =	vmul.f32 v61, v7;
	v34 =	vmul.f32 v43, v29;
	[tilespmem:s15+$0x1EA00] =	vst v40  }
0x14c: {  	v33 =	vadd.f32 v33, v37;
	v35 =	vmul.f32 v51, v30;
	v30 =	vmul.f32 v50, v31;
	v38 =	vld.idx.msk [tilespmem:v38+s18+$0x0], $0xffff  }
0x14d: {  	v29 =	vmul.f32 v57, v32;
	v27 =	vmul.f32 v26, v53;
	v40 =	vadd.f32 v62, v19;
	v41 =	vld.idx.msk [tilespmem:v41+s18+$0x0], $0xffff  }
0x14e: {  	v20 =	vor.u32 v60, v20;
	v28 =	vmul.f32 v63, v53;
	v19 =	vmul.f32 v63, v52;
	v63 =	vld.idx.msk [tilespmem:v46+s18+$0x0], $0xffff  }
0x14f: {  	v37 =	vadd.f32 v47, v40;
	v31 =	vshrl.u32 v45, $0x11;
	v40 =	vand.u32 $0x7F, v45  }
0x150: {  	v56 =	vld.idx.msk [tilespmem:v49+s18+$0x0], $0xffff;
	v46 =	vand.u32 $0xF800, v45;
	v57 =	vshrl.u32 v45, $0x1;
	v58 =	vand.u32 $0xFF, v45  }
0x151: {  	v47 =	vld [tilespmem:s14+$0xFFFFFFF0];
	v59 =	vshrl.u32 v45, $0x8;
	v60 =	vshll.u32 v45, $0x3;
	v45 =	vshrl.u32 v45, $0x10  }
0x152: {  	v26 =	vmul.f32 v26, v52;
	v61 =	vand.u32 $0x1, v45;
	v38 =	vmul.f32 v38, v55  }
0x153: {  	v62 =	vand.u32 $0xFF, v59;
	v41 =	vmul.f32 v41, v54;
	v39 =	vmul.f32 v63, v39  }
0x154: {  	v63 =	vand.u32 $0x380, v57;
	v31 =	vadd.s32 v31, v62;
	v55 =	vand.u32 $0x400, v60  }
0x155: {  	s10 =	sshrl.u32 s10, $0xA;
	v32 =	vmul.f32 v56, v48;
	v40 =	vor.u32 v40, v55;
	v59 =	vshll.u32 v31, $0x8  }
0x156: {  	s10 =	smul.u32 $0xE, s10;
	v31 =	vshll.u32 v31, $0x7;
	v60 =	vshrl.u32 v47, $0x10;
	v62 =	vand.u32 $0xFF, v47  }
0x157: {  	s2 =	sshrl.u32 s2, $0xA;
	s12 =	simm.s32 $0xB0;
	v55 =	vand.u32 $0x7F, v47;
	v38 =	vadd.f32 v41, v38;
	v41 =	vadd.s32 v58, v61  }
0x158: {  	s10 =	ssub.s32 $0x4, s10;
	s2 =	smul.u32 $0xE, s2;
	s26 =	sand.u32 $0x7F0, s12;
	v58 =	vor.u32 v63, v40;
	v31 =	vand.u32 $0x380, v31;
	v54 =	vshll.u32 v41, $0x3  }
0x159: {  	s4 =	sshll.u32 s10, $0x4;
	s10 =	sshll.u32 s10, $0x7;
	v49 =	vld [tilespmem:s26+$0x1C700];
	v61 =	vand.u32 $0x1, v60;
	v38 =	vadd.f32 v39, v38;
	v56 =	vand.u32 $0xC00, v54  }
0x15a: {  	s2 =	ssub.s32 $0x6, s2;
	s4 =	sor.u32 s10, s4;
	v60 =	vshll.u32 v47, $0x3;
	v41 =	vand.u32 $0x7F, v41;
	v57 =	vadd.s32 v46, v56  }
0x15b: {  	s4 =	sand.u32 $0x460, s4;
	s14 =	sshll.u32 s2, $0x4;
	s2 =	sshll.u32 s2, $0x7;
	v39 =	vor.u32 v46, v58;
	v52 =	vadd.f32 v32, v38;
	v32 =	vor.u32 v63, v57  }
0x15c: {  	s4 =	sor.u32 s16, s4;
	s2 =	sor.u32 s2, s14;
	v45 =	vadd.s32 v62, v61;
	v38 =	vand.u32 $0xFFF800, v59;
	v32 =	vor.u32 v41, v32  }
0x15d: {  	s14 =	sand.u32 $0x460, s2;
	s2 =	sor.u32 s24, s4;
	v62 =	vshrl.u32 v47, $0x11;
	v61 =	vshll.u32 v45, $0x3;
	v63 =	vld [tilespmem:s26+$0x1CE00];
	v40 =	vor.u32 v38, v40  }
0x15e: {  	[tilespmem:s2+$0x1EA00] =	vst v44;
	v58 =	vunpack.i.u.bf16.f32 v49;
	v38 =	vadd.s32 v56, v38;
	v43 =	vor.u32 v31, v40  }
0x15f: {  	[tilespmem:s9+$0x1F200] =	vst v6;
	s7 =	sshrl.u32 s7, $0xA;
	v6 =	vld.idx.msk [tilespmem:v21+s18+$0x0], $0xffff;
	v59 =	vshrl.u32 v47, $0x8;
	v56 =	vand.u32 $0xC00, v61;
	v31 =	vor.u32 v31, v38  }
0x160: {  	s7 =	smul.u32 $0xE, s7;
	s26 =	simm.s32 $0xB;
	v61 =	vand.u32 $0xF800, v47;
	v47 =	vshrl.u32 v47, $0x1;
	v40 =	vld.idx.msk [tilespmem:v39+s6+$0x0], $0xffff;
	v46 =	vor.u32 v41, v31  }
0x161: {  	v49 =	vunpack.i.l.bf16.f32 v49;
	s26 =	sand.u32 $0xFE, s26;
	v47 =	vand.u32 $0x380, v47;
	v31 =	vand.u32 $0xFF, v59;
	v53 =	vld.idx.msk [tilespmem:v32+s6+$0x0], $0xffff  }
0x162: {  	s7 =	ssub.s32 $0x8, s7;
	v54 =	vld.idx.msk [tilespmem:v11+s6+$0x0], $0xffff;
	s10 =	sshrl.u32 s26, $0x1;
	v41 =	vand.u32 $0x400, v60;
	v57 =	vadd.s32 v62, v31;
	v38 =	vunpack.i.l.bf16.f32 v63  }
0x163: {  	s16 =	sshll.u32 s7, $0x4;
	s26 =	sshll.u32 s7, $0x7;
	s7 =	smul.u32 $0x93, s10;
	v55 =	vor.u32 v55, v41;
	v60 =	vunpack.i.u.bf16.f32 v63;
	v51 =	vmul.f32 v38, v49;
	v59 =	vld.idx.msk [tilespmem:v43+s6+$0x0], $0xffff  }
0x164: {  	[tilespmem:s23+$0x1F200] =	vst v15;
	s4 =	sor.u32 s13, s14;
	s14 =	simm.s32 $0xA;
	v15 =	vld.idx.msk [tilespmem:v17+s18+$0x0], $0xffff;
	v21 =	vshll.u32 v57, $0x8;
	v50 =	vmul.f32 v38, v58;
	v48 =	vmul.f32 v60, v49  }
0x165: {  	s10 =	sor.u32 s26, s16;
	s26 =	simm.s32 $0xA0;
	s7 =	sshrl.u32 s7, $0xA;
	v49 =	vmul.f32 v60, v58;
	v58 =	vadd.s32 v61, v56;
	v21 =	vand.u32 $0xFFF800, v21;
	v62 =	vld.idx.msk [tilespmem:v46+s6+$0x0], $0xffff  }
0x166: {  	v17 =	vld.idx.msk [tilespmem:v23+s18+$0x0], $0xffff;
	s16 =	sand.u32 $0xFE, s14;
	s24 =	sand.u32 $0x7E0, s26;
	s26 =	smul.u32 $0xE, s7;
	v58 =	vor.u32 v47, v58;
	v63 =	vmul.f32 v40, v51;
	v53 =	vmul.f32 v53, v50  }
0x167: {  	s10 =	sand.u32 $0x460, s10;
	s13 =	sshrl.u32 s16, $0x1;
	s7 =	sor.u32 s25, s4;
	v60 =	vld [tilespmem:s24+$0x1C700];
	v47 =	vor.u32 v47, v55;
	v55 =	vor.u32 v21, v55;
	v56 =	vadd.s32 v56, v21  }
0x168: {  	s4 =	sor.u32 s20, s10;
	s25 =	smul.u32 $0x93, s13;
	v21 =	vld.idx.msk [tilespmem:v24+s18+$0x0], $0xffff;
	v40 =	vmul.f32 v54, v8;
	s26 =	ssub.s32 $0xB, s26;
	v59 =	vmul.f32 v59, v48;
	v54 =	vadd.f32 v53, v63  }
0x169: {  	v23 =	vshll.u32 v57, $0x7;
	s9 =	sor.u32 s19, s4;
	v24 =	vld [tilespmem:s24+$0x1CE00];
	s13 =	sshll.u32 s26, $0x4;
	s16 =	sshll.u32 s26, $0x7  }
0x16a: {  	v31 =	vld.idx.msk [tilespmem:v20+s6+$0x0], $0xffff;
	v57 =	vand.u32 $0x380, v23;
	s19 =	sshrl.u32 s25, $0x2;
	s23 =	sshrl.u32 s25, $0x3;
	s4 =	sor.u32 s16, s13;
	v63 =	vmul.f32 v62, v49;
	v54 =	vadd.f32 v59, v54  }
0x16b: {  	[tilespmem:s0+$0x1F200] =	vst v36;
	v38 =	vld.idx.msk [tilespmem:v18+s6+$0x0], $0xffff;
	v47 =	vor.u32 v61, v47;
	s25 =	sshrl.u32 s25, $0xA;
	v23 =	vor.u32 v57, v55;
	s13 =	sand.u32 $0x800, s19;
	s4 =	sand.u32 $0x470, s4  }
0x16c: {  	[tilespmem:s15+$0x1F200] =	vst v52;
	v41 =	vld.idx.msk [tilespmem:v25+s6+$0x0], $0xffff;
	v52 =	vor.u32 v57, v56;
	s15 =	smul.u32 $0xE, s25;
	s16 =	sand.u32 $0x380, s23;
	s26 =	sor.u32 s13, s4;
	v53 =	vand.u32 $0x7F, v45;
	v54 =	vadd.f32 v63, v54  }
0x16d: {  	s0 =	simm.s32 $0x1C0D0;
	[tilespmem:s5+$0x1F200] =	vst v42;
	v44 =	vld.idx.msk [tilespmem:v22+s6+$0x0], $0xffff;
	s10 =	sshll.u32 s31, $0x1;
	v36 =	vunpack.i.u.bf16.f32 v60;
	v42 =	vunpack.i.l.bf16.f32 v60;
	s5 =	sor.u32 s16, s26;
	v45 =	vor.u32 v53, v58  }
.LBB2_12:
0x16e: {  	v55 =	vld [tilespmem:s0+$0x0];
	s4 =	ssub.s32 s14, s15;
	v56 =	vunpack.i.u.bf16.f32 v24;
	v24 =	vunpack.i.l.bf16.f32 v24;
	v52 =	vor.u32 v53, v52;
	[tilespmem:s5+$0x1EA00] =	vst v54  }
0x16f: {  	v37 =	vadd.f32 v40, v37;
	s15 =	sshll.u32 s4, $0x4;
	v53 =	vmul.f32 v24, v42;
	v54 =	vmul.f32 v24, v36;
	s4 =	sshll.u32 s4, $0x7;
	v39 =	vld.idx.msk [tilespmem:v39+s18+$0x0], $0xffff  }
0x170: {  	v38 =	vmul.f32 v38, v27;
	v31 =	vmul.f32 v31, v26;
	v57 =	vadd.f32 v35, v34;
	s4 =	sor.u32 s4, s15;
	v32 =	vld.idx.msk [tilespmem:v32+s18+$0x0], $0xffff  }
0x171: {  	v41 =	vmul.f32 v41, v28;
	v16 =	vadd.f32 v16, v33;
	v42 =	vmul.f32 v56, v42;
	v24 =	vld [tilespmem:s0+$0xFFFFFFF0];
	s4 =	sand.u32 $0x460, s4;
	[tilespmem:s7+$0x1EA00] =	vst v37  }
0x172: {  	v40 =	vmul.f32 v44, v19;
	v36 =	vmul.f32 v56, v36;
	v37 =	vadd.f32 v31, v38;
	s4 =	sor.u32 s13, s4;
	v43 =	vld.idx.msk [tilespmem:v43+s18+$0x0], $0xffff  }
0x173: {  	v34 =	vmul.f32 v6, v2;
	v35 =	vmul.f32 v15, v3;
	v33 =	vadd.f32 v30, v57;
	v31 =	vld.idx.msk [tilespmem:v45+s6+$0x0], $0xffff;
	s4 =	sor.u32 s16, s4  }
0x174: {  	v56 =	vmul.f32 v21, v5;
	v30 =	vmul.f32 v17, v4;
	v37 =	vadd.f32 v41, v37;
	v46 =	vld.idx.msk [tilespmem:v46+s18+$0x0], $0xffff  }
0x175: {  	v2 =	vmovc v7;
	v7 =	vmovc v27;
	v5 =	vshrl.u32 v55, $0x11;
	v57 =	vand.u32 $0x7F, v55;
	v58 =	vand.u32 $0xF800, v55;
	v38 =	vld.idx.msk [tilespmem:v47+s6+$0x0], $0xffff;
	[tilespmem:s11+$0x1F200] =	vst v16;
	s11 =	smov.u32 s1;
	s1 =	smov.u32 s2;
	s2 =	smov.u32 s7  }
0x176: {  	v27 =	vmovc v53;
	v4 =	vshrl.u32 v55, $0x1;
	v6 =	vmul.f32 v39, v51;
	v15 =	vmul.f32 v32, v50;
	s7 =	smov.u32 s9;
	s9 =	smov.u32 s4;
	v41 =	vld.idx.msk [tilespmem:v23+s6+$0x0], $0xffff  }
0x177: {  	v3 =	vmovc v9;
	v9 =	vmovc v26;
	v17 =	vshrl.u32 v55, $0x8;
	v21 =	vshll.u32 v55, $0x3;
	v16 =	vand.u32 $0xFF, v55;
	v44 =	vld.idx.msk [tilespmem:v52+s6+$0x0], $0xffff  }
0x178: {  	v26 =	vmovc v54;
	v32 =	vshrl.u32 v55, $0x10;
	v39 =	vadd.f32 v15, v6;
	v43 =	vmul.f32 v43, v48;
	v6 =	vld.idx.msk [tilespmem:v12+s18+$0x0], $0xffff  }
0x179: {  	v12 =	vand.u32 $0xFF, v17;
	v17 =	vand.u32 $0x1, v32;
	v32 =	vand.u32 $0x380, v4;
	v4 =	vmovc v10;
	v10 =	vmovc v28;
	v15 =	vld.idx.msk [tilespmem:v13+s18+$0x0], $0xffff  }
0x17a: {  	v13 =	vadd.s32 v16, v17;
	v16 =	vadd.f32 v43, v39;
	v39 =	vmul.f32 v46, v49;
	v17 =	vld.idx.msk [tilespmem:v14+s18+$0x0], $0xffff  }
0x17b: {  	v12 =	vadd.s32 v5, v12;
	v46 =	vand.u32 $0x400, v21;
	v14 =	vshll.u32 v13, $0x3;
	v21 =	vld.idx.msk [tilespmem:v11+s18+$0x0], $0xffff;
	v11 =	vmovc v22;
	v22 =	vmovc v52  }
0x17c: {  	v28 =	vmovc v42;
	v5 =	vmovc v8;
	v43 =	vor.u32 v57, v46;
	v14 =	vand.u32 $0xC00, v14;
	v46 =	vadd.f32 v39, v16  }
0x17d: {  	v8 =	vmovc v19;
	v19 =	vmovc v36;
	v42 =	vand.u32 $0x7F, v13;
	v39 =	vor.u32 v32, v43;
	v13 =	vadd.s32 v58, v14  }
0x17e: {  	v36 =	vshll.u32 v12, $0x8;
	v39 =	vor.u32 v58, v39;
	v50 =	vor.u32 v32, v13;
	v16 =	vmovc v29;
	[tilespmem:s5+$0x1F200] =	vst v46  }
0x17f: {  	s12 =	sadd.s32 $0x20, s12;
	v49 =	vshll.u32 v12, $0x7;
	v36 =	vand.u32 $0xFFF800, v36;
	v12 =	vmovc v18;
	v29 =	vmovc v56;
	v32 =	vor.u32 v42, v50  }
0x180: {  	s4 =	sadd.s32 $0xFFFFFFF0, s12;
	v48 =	vand.u32 $0x380, v49;
	v43 =	vor.u32 v36, v43;
	v18 =	vmovc v47;
	v46 =	vshrl.u32 v24, $0x10;
	s5 =	sand.u32 $0x7F0, s12;
	v13 =	vmovc v20  }
0x181: {  	s4 =	sand.u32 $0x7E0, s4;
	v36 =	vadd.s32 v14, v36;
	v43 =	vor.u32 v48, v43;
	v14 =	vmovc v25;
	v46 =	vand.u32 $0x1, v46;
	v20 =	vmovc v45;
	v47 =	vld [tilespmem:s5+$0x1C700]  }
0x182: {  	v49 =	vshrl.u32 v24, $0x8;
	v36 =	vor.u32 v48, v36;
	v25 =	vmovc v23;
	v45 =	vand.u32 $0xFF, v24;
	v50 =	vld [tilespmem:s5+$0x1CE00]  }
0x183: {  	v23 =	vadd.s32 v45, v46;
	v45 =	vshll.u32 v24, $0x3;
	v46 =	vor.u32 v42, v36;
	v52 =	vld.idx.msk [tilespmem:v39+s6+$0x0], $0xffff  }
0x184: {  	v36 =	vand.u32 $0xFF, v49;
	v42 =	vand.u32 $0x400, v45;
	v45 =	vshll.u32 v23, $0x3;
	s5 =	sadd.s32 $0x3, s14;
	v49 =	vld.idx.msk [tilespmem:v32+s6+$0x0], $0xffff  }
0x185: {  	v53 =	vand.u32 $0x7F, v24;
	v48 =	vshrl.u32 v24, $0x11;
	v54 =	vand.u32 $0xC00, v45;
	s13 =	sand.u32 $0xFE, s5;
	v55 =	vld [tilespmem:s4+$0x1C700]  }
0x186: {  	v56 =	vshrl.u32 v24, $0x1;
	v36 =	vadd.s32 v48, v36;
	v45 =	vand.u32 $0xF800, v24;
	s13 =	sshrl.u32 s13, $0x1;
	v57 =	vld.idx.msk [tilespmem:v43+s6+$0x0], $0xffff  }
0x187: {  	v58 =	vunpack.i.u.bf16.f32 v47;
	v47 =	vunpack.i.l.bf16.f32 v47;
	v24 =	vld [tilespmem:s4+$0x1CE00];
	s4 =	smul.u32 $0x93, s13;
	v48 =	vunpack.i.l.bf16.f32 v50  }
0x188: {  	v59 =	vunpack.i.u.bf16.f32 v50;
	v51 =	vmul.f32 v48, v47;
	v50 =	vmul.f32 v48, v58;
	v60 =	vld.idx.msk [tilespmem:v46+s6+$0x0], $0xffff  }
0x189: {  	s14 =	sadd.s32 $0x2, s14;
	v42 =	vor.u32 v53, v42;
	v61 =	vadd.s32 v45, v54;
	v48 =	vmul.f32 v59, v47;
	s4 =	sshrl.u32 s4, $0xA  }
0x18a: {  	p0 =	slt.u32 s14, $0x6E;
	s13 =	sand.u32 $0xFE, s14;
	v47 =	vand.u32 $0x380, v56;
	s4 =	smul.u32 $0xE, s4;
	v52 =	vmul.f32 v52, v51;
	v56 =	vmul.f32 v49, v50  }
0x18b: {  	v53 =	vand.u32 $0x7F, v23;
	s13 =	sshrl.u32 s13, $0x1;
	v62 =	vor.u32 v47, v42;
	v23 =	vor.u32 v47, v61  }
0x18c: {  	s15 =	smul.u32 $0x93, s13;
	v49 =	vmul.f32 v59, v58;
	s4 =	ssub.s32 s5, s4;
	v52 =	vadd.f32 v56, v52;
	v56 =	vmul.f32 v57, v48  }
.Ltmp6:
0x18d: {  	v47 =	vor.u32 v45, v62;
	v45 =	vor.u32 v53, v23;
	v23 =	vshll.u32 v36, $0x8;
	s5 =	sshll.u32 s4, $0x4;
	s4 =	sshll.u32 s4, $0x7;
	(pc) =	sbr.rel @p0 .LBB2_12-.Ltmp6, $4  }
0x18e: {  	s16 =	sshrl.u32 s15, $0xA;
	v23 =	vand.u32 $0xFFF800, v23;
	s13 =	sshrl.u32 s15, $0x2;
	v52 =	vadd.f32 v56, v52;
	v56 =	vmul.f32 v60, v49;
	s4 =	sor.u32 s4, s5  }
0x18f: {  	v57 =	vshll.u32 v36, $0x7;
	v58 =	vor.u32 v23, v42;
	v59 =	vadd.s32 v54, v23;
	s13 =	sand.u32 $0x800, s13;
	s5 =	sshrl.u32 s15, $0x3;
	s4 =	sand.u32 $0x470, s4  }
0x190: {  	v36 =	vunpack.i.u.bf16.f32 v55;
	v57 =	vand.u32 $0x380, v57;
	s15 =	smul.u32 $0xE, s16;
	s16 =	sand.u32 $0x380, s5;
	v54 =	vadd.f32 v56, v52;
	s4 =	sor.u32 s13, s4  }
0x191: {  	s0 =	sadd.s32 $0x20, s0;
	v42 =	vunpack.i.l.bf16.f32 v55;
	v23 =	vor.u32 v57, v58;
	v52 =	vor.u32 v57, v59;
	s5 =	sor.u32 s16, s4  }
0x192: {  	_ =	sdelay $0x3  }
0x193: {  	v52 =	vor.u32 v53, v52;
	v63 =	vld.idx.msk [tilespmem:v45+s6+$0x0], $0xffff  }
0x194: {  	v55 =	vld.idx.msk [tilespmem:v47+s6+$0x0], $0xffff  }
0x195: {  	[tilespmem:s5+$0x1EA00] =	vst v54;
	v57 =	vld.idx.msk [tilespmem:v23+s6+$0x0], $0xffff  }
0x196: {  	v56 =	vunpack.i.l.bf16.f32 v24;
	v38 =	vmul.f32 v38, v27;
	v31 =	vmul.f32 v31, v26;
	v39 =	vld.idx.msk [tilespmem:v39+s18+$0x0], $0xffff  }
0x197: {  	v24 =	vunpack.i.u.bf16.f32 v24;
	v54 =	vmul.f32 v56, v42;
	v56 =	vmul.f32 v56, v36;
	v32 =	vld.idx.msk [tilespmem:v32+s18+$0x0], $0xffff  }
0x198: {  	v37 =	vadd.f32 v40, v37;
	v41 =	vmul.f32 v41, v28;
	v40 =	vmul.f32 v24, v42;
	v58 =	vld.idx.msk [tilespmem:v52+s6+$0x0], $0xffff  }
0x199: {  	v60 =	vld.idx.msk [tilespmem:v43+s18+$0x0], $0xffff;
	v31 =	vadd.f32 v31, v38;
	v59 =	vmul.f32 v55, v54;
	v53 =	vmul.f32 v63, v56  }
0x19a: {  	v61 =	vmul.f32 v44, v19;
	v24 =	vmul.f32 v24, v36;
	v62 =	vld.idx.msk [tilespmem:v46+s18+$0x0], $0xffff  }
0x19b: {  	s0 =	ssub.s32 s14, s15;
	[tilespmem:s7+$0x1EA00] =	vst v37;
	v31 =	vadd.f32 v41, v31;
	v63 =	vmul.f32 v57, v40;
	v38 =	vadd.f32 v53, v59  }
0x19c: {  	s4 =	sshll.u32 s0, $0x4;
	s0 =	sshll.u32 s0, $0x7;
	v12 =	vld.idx.msk [tilespmem:v12+s18+$0x0], $0xffff  }
0x19d: {  	s0 =	sor.u32 s0, s4;
	v13 =	vld.idx.msk [tilespmem:v13+s18+$0x0], $0xffff;
	v31 =	vadd.f32 v61, v31;
	v38 =	vadd.f32 v63, v38;
	v42 =	vmul.f32 v58, v24  }
0x19e: {  	v2 =	vmul.f32 v6, v2;
	v3 =	vmul.f32 v15, v3;
	s0 =	sand.u32 $0x460, s0;
	v14 =	vld.idx.msk [tilespmem:v14+s18+$0x0], $0xffff  }
0x19f: {  	v11 =	vld.idx.msk [tilespmem:v11+s18+$0x0], $0xffff;
	s0 =	sor.u32 s13, s0;
	[tilespmem:s9+$0x1EA00] =	vst v31;
	v31 =	vadd.f32 v42, v38  }
0x1a0: {  	v4 =	vmul.f32 v17, v4;
	v2 =	vadd.f32 v3, v2;
	s0 =	sor.u32 s16, s0;
	v18 =	vld.idx.msk [tilespmem:v18+s18+$0x0], $0xffff  }
0x1a1: {  	v39 =	vmul.f32 v39, v51;
	v32 =	vmul.f32 v32, v50;
	v20 =	vld.idx.msk [tilespmem:v20+s18+$0x0], $0xffff;
	[tilespmem:s0+$0x1EA00] =	vst v31  }
0x1a2: {  	v5 =	vmul.f32 v21, v5;
	v6 =	vld.idx.msk [tilespmem:v47+s18+$0x0], $0xffff  }
0x1a3: {  	v2 =	vadd.f32 v4, v2;
	v36 =	vmul.f32 v60, v48;
	v32 =	vadd.f32 v32, v39;
	v44 =	vld.idx.msk [tilespmem:v45+s18+$0x0], $0xffff  }
0x1a4: {  	v16 =	vadd.f32 v16, v33;
	v3 =	vmul.f32 v12, v7;
	v9 =	vmul.f32 v13, v9;
	v17 =	vld.idx.msk [tilespmem:v25+s18+$0x0], $0xffff  }
0x1a5: {  	v43 =	vmul.f32 v62, v49;
	v2 =	vadd.f32 v5, v2;
	v15 =	vadd.f32 v36, v32;
	v7 =	vld.idx.msk [tilespmem:v23+s18+$0x0], $0xffff  }
0x1a6: {  	v10 =	vmul.f32 v14, v10;
	v8 =	vmul.f32 v11, v8;
	v13 =	vld.idx.msk [tilespmem:v22+s18+$0x0], $0xffff;
	v3 =	vadd.f32 v9, v3  }
0x1a7: {  	v15 =	vadd.f32 v43, v15;
	v4 =	vmul.f32 v18, v27;
	v14 =	vmul.f32 v20, v26;
	v18 =	vld.idx.msk [tilespmem:v52+s18+$0x0], $0xffff  }
0x1a8: {  	v31 =	vadd.f32 v35, v34;
	v6 =	vmul.f32 v6, v54;
	v9 =	vmul.f32 v44, v56  }
0x1a9: {  	v3 =	vadd.f32 v10, v3;
	v11 =	vmul.f32 v17, v28;
	v4 =	vadd.f32 v14, v4  }
0x1aa: {  	[tilespmem:s11+$0x1F200] =	vst v16;
	v30 =	vadd.f32 v30, v31;
	v7 =	vmul.f32 v7, v40;
	v6 =	vadd.f32 v9, v6  }
0x1ab: {  	[tilespmem:s2+$0x1F200] =	vst v2;
	v5 =	vmul.f32 v13, v19;
	v3 =	vadd.f32 v8, v3;
	v4 =	vadd.f32 v11, v4  }
0x1ac: {  	[tilespmem:s5+$0x1F200] =	vst v15;
	v12 =	vadd.f32 v29, v30;
	v8 =	vmul.f32 v18, v24;
	v6 =	vadd.f32 v7, v6  }
0x1ad: {  	s15 =	sshll.u32 s31, $0xC;
	[tilespmem:s7+$0x1F200] =	vst v3;
	v2 =	vadd.f32 v5, v4  }
0x1ae: {  	s16 =	sadd.s32 s28, s15;
	[tilespmem:s1+$0x1F200] =	vst v12;
	v3 =	vadd.f32 v8, v6  }
0x1af: {  	s2 =	sshrl.u32 s16, $0x3;
	[tilespmem:s9+$0x1F200] =	vst v2  }
0x1b0: {  	s20 =	simm.s32 $0x1EA00;
	s19 =	sadd.s32 s8, s2;
	[tilespmem:s0+$0x1F200] =	vst v3  }
0x1b1: {  	[hbm4b:s19+s6] =	stream.linear.scatter [tilespmem:s20], [sflag:$0x4], $0x800, $0x38;
	[tilespmem:$0x1FA00] =	vst v63  }
0x1b2: {  	s24 =	smin.u32 s10, $0x19;
	s23 =	sadd.s32 s29, s15;
	s25 =	rddreg [dreg:$0xd]  }
0x1b3: {  	s0 =	sshrl.u32 s23, $0x3;
	s1 =	sadd.s32 s24, s25  }
0x1b4: {  	s26 =	simm.s32 $0x1F200;
	s0 =	sadd.s32 s8, s0;
	s1 =	smul.u32 $0x1500, s1  }
0x1b5: {  	[hbm4b:s0+s6] =	stream.linear.scatter [tilespmem:s26], [sflag:$0x4], $0x800, $0x38;
	[tilespmem:$0x1FA00] =	vst v63  }
0x1b6: {  	s1 =	sshrl.u32 s1, $0x3  }
0x1b7: {  	s2 =	simm.s32 $0x1C000;
	s0 =	sadd.s32 s30, s1  }
0x1b8: {  	[tilespmem:s2], [sflag:$0x2] =	stream.linear.gather [hbm4b:s0+s6], $0x1500, $0x38;
	[tilespmem:$0x1FA00] =	vst v63  }
0x1b9: {  	_ =	swait.ge [sflag:s21], $0x1500  }
0x1ba: {  	[sflag:s21] =	ssyncset.done $0x0  }
0x1bb: {  	[sflag:s21] =	ssyncadd.s32 $0xFFFFEB00  }
0x1bc: {  	_ =	swait.ge [sflag:s22], $0x800  }
0x1bd: {  	[sflag:s22] =	ssyncset.done $0x0  }
0x1be: {  	[sflag:s22] =	ssyncadd.s32 $0xFFFFF800  }
0x1bf: {  	_ =	swait.ge [sflag:s22], $0x800  }
0x1c0: {  	[sflag:s22] =	ssyncset.done $0x0  }
0x1c1: {  	s4 =	simm.s32 $0x1D510;
	[sflag:s22] =	ssyncadd.s32 $0xFFFFF800  }
0x1c2: {  	v2 =	vld [tilespmem:s4+$0x0];
	_ =	sdelay $0x4  }
0x1c3: {  	v3 =	vshrl.u32 v2, $0x11  }
0x1c4: {  	v4 =	vand.u32 $0x7F, v2;
	v5 =	vand.u32 $0xF800, v2;
	v6 =	vshrl.u32 v2, $0x1  }
0x1c5: {  	v7 =	vshrl.u32 v2, $0x10;
	v8 =	vand.u32 $0xFF, v2;
	v9 =	vshrl.u32 v2, $0x8  }
0x1c6: {  	v2 =	vshll.u32 v2, $0x3;
	v7 =	vand.u32 $0x1, v7;
	v9 =	vand.u32 $0xFF, v9  }
0x1c7: {  	v6 =	vand.u32 $0x380, v6;
	v2 =	vand.u32 $0x400, v2;
	v7 =	vadd.s32 v8, v7  }
0x1c8: {  	v3 =	vadd.s32 v3, v9;
	v2 =	vor.u32 v4, v2;
	v8 =	vshll.u32 v7, $0x3  }
0x1c9: {  	v7 =	vand.u32 $0x7F, v7;
	v4 =	vand.u32 $0xC00, v8;
	v8 =	vor.u32 v6, v2  }
0x1ca: {  	s5 =	simm.s32 $0x10;
	v9 =	vadd.s32 v5, v4;
	v5 =	vor.u32 v5, v8;
	v8 =	vshll.u32 v3, $0x8  }
0x1cb: {  	s7 =	sand.u32 $0x7F0, s5;
	v3 =	vshll.u32 v3, $0x7;
	v6 =	vor.u32 v6, v9;
	v8 =	vand.u32 $0xFFF800, v8  }
0x1cc: {  	v10 =	vld [tilespmem:s7+$0x1DC00];
	v3 =	vand.u32 $0x380, v3;
	v6 =	vor.u32 v7, v6;
	v2 =	vor.u32 v8, v2  }
0x1cd: {  	v9 =	vld [tilespmem:s4+$0xFFFFFFF0];
	v2 =	vor.u32 v3, v2  }
0x1ce: {  	v4 =	vadd.s32 v4, v8;
	v8 =	vld [tilespmem:s7+$0x1E300]  }
0x1cf: {  	v3 =	vor.u32 v3, v4  }
0x1d0: {  	s9 =	simm.s32 $0x1;
	v3 =	vor.u32 v7, v3;
	v4 =	vld.idx.msk [tilespmem:v5+s6+$0x0], $0xffff  }
0x1d1: {  	s0 =	sand.u32 $0xFE, s9;
	v14 =	vunpack.i.u.bf16.f32 v10;
	v10 =	vunpack.i.l.bf16.f32 v10;
	v11 =	vld.idx.msk [tilespmem:v6+s6+$0x0], $0xffff  }
0x1d2: {  	s0 =	sshrl.u32 s0, $0x1;
	v7 =	vshrl.u32 v9, $0x10;
	v12 =	vand.u32 $0xFF, v9;
	v16 =	vshrl.u32 v9, $0x8;
	v13 =	vld.idx.msk [tilespmem:v2+s6+$0x0], $0xffff  }
0x1d3: {  	s0 =	smul.u32 $0x93, s0;
	v7 =	vand.u32 $0x1, v7;
	v15 =	vunpack.i.l.bf16.f32 v8;
	v8 =	vunpack.i.u.bf16.f32 v8  }
0x1d4: {  	v16 =	vand.u32 $0xFF, v16;
	v17 =	vmul.f32 v15, v10;
	v15 =	vmul.f32 v15, v14  }
0x1d5: {  	s10 =	simm.s32 $0x0;
	s0 =	sshrl.u32 s0, $0xA;
	v7 =	vadd.s32 v12, v7;
	v19 =	vmul.f32 v8, v10;
	v14 =	vmul.f32 v8, v14;
	v12 =	vld.idx.msk [tilespmem:v3+s6+$0x0], $0xffff  }
0x1d6: {  	s1 =	sand.u32 $0xFE, s10;
	s0 =	smul.u32 $0xE, s0;
	v10 =	vshll.u32 v9, $0x3;
	v4 =	vmul.f32 v4, v17;
	v11 =	vmul.f32 v11, v15  }
0x1d7: {  	s1 =	sshrl.u32 s1, $0x1;
	v10 =	vand.u32 $0x400, v10;
	v18 =	vshll.u32 v7, $0x3;
	v8 =	vmul.f32 v13, v19  }
0x1d8: {  	s11 =	simm.s32 $0x0;
	s12 =	smul.u32 $0x93, s1;
	s0 =	ssub.s32 $0x1, s0;
	v13 =	vand.u32 $0x7F, v9;
	v4 =	vadd.f32 v11, v4;
	v11 =	vshrl.u32 v9, $0x11  }
0x1d9: {  	s1 =	sand.u32 $0x7E0, s11;
	s13 =	sshll.u32 s0, $0x4;
	s0 =	sshll.u32 s0, $0x7;
	v10 =	vor.u32 v13, v10;
	v11 =	vadd.s32 v11, v16;
	v16 =	vand.u32 $0xF800, v9  }
0x1da: {  	s14 =	sshrl.u32 s12, $0x2;
	s0 =	sor.u32 s0, s13;
	v13 =	vld [tilespmem:s1+$0x1E300];
	v9 =	vshrl.u32 v9, $0x1;
	v4 =	vadd.f32 v8, v4;
	v8 =	vmul.f32 v12, v14  }
0x1db: {  	s15 =	sshrl.u32 s12, $0x3;
	s2 =	sand.u32 $0x800, s14;
	s0 =	sand.u32 $0x470, s0;
	v21 =	vand.u32 $0x7F, v7;
	v18 =	vand.u32 $0xC00, v18;
	v12 =	vld [tilespmem:s1+$0x1DC00];
	v9 =	vand.u32 $0x380, v9  }
0x1dc: {  	s11 =	sand.u32 $0x380, s15;
	s0 =	sor.u32 s2, s0;
	v20 =	vadd.s32 v16, v18;
	v4 =	vadd.f32 v8, v4;
	v8 =	vor.u32 v9, v10  }
0x1dd: {  	s16 =	simm.s32 $0x1D530;
	s9 =	sor.u32 s11, s0;
	v7 =	vshll.u32 v11, $0x8;
	v9 =	vor.u32 v9, v20;
	v8 =	vor.u32 v16, v8  }
0x1de: {  	v22 =	vld [tilespmem:s16+$0x0];
	v16 =	vand.u32 $0xFFF800, v7;
	v7 =	vor.u32 v21, v9;
	[tilespmem:s9+$0x1EA00] =	vst v4;
	v4 =	vshll.u32 v11, $0x7  }
0x1df: {  	v9 =	vor.u32 v16, v10;
	v10 =	vadd.s32 v18, v16;
	v18 =	vunpack.i.l.bf16.f32 v13;
	v5 =	vld.idx.msk [tilespmem:v5+s18+$0x0], $0xffff  }
0x1e0: {  	v11 =	vunpack.i.u.bf16.f32 v12;
	v4 =	vand.u32 $0x380, v4;
	v6 =	vld.idx.msk [tilespmem:v6+s18+$0x0], $0xffff;
	v12 =	vunpack.i.l.bf16.f32 v12  }
0x1e1: {  	v13 =	vunpack.i.u.bf16.f32 v13;
	v2 =	vld.idx.msk [tilespmem:v2+s18+$0x0], $0xffff;
	v9 =	vor.u32 v4, v9;
	v16 =	vmul.f32 v18, v12  }
0x1e2: {  	v3 =	vld.idx.msk [tilespmem:v3+s18+$0x0], $0xffff;
	v4 =	vor.u32 v4, v10;
	v26 =	vmul.f32 v18, v11;
	v18 =	vmul.f32 v13, v12  }
0x1e3: {  	v20 =	vmul.f32 v13, v11;
	v11 =	vand.u32 $0x7F, v22;
	v12 =	vand.u32 $0xF800, v22  }
0x1e4: {  	v13 =	vshrl.u32 v22, $0x1;
	v10 =	vor.u32 v21, v4;
	v4 =	vshrl.u32 v22, $0x11;
	v30 =	vld.idx.msk [tilespmem:v7+s6+$0x0], $0xffff  }
0x1e5: {  	v21 =	vshrl.u32 v22, $0x10;
	v13 =	vand.u32 $0x380, v13;
	v5 =	vmul.f32 v5, v17  }
0x1e6: {  	v6 =	vmul.f32 v6, v15;
	v15 =	vand.u32 $0xFF, v22;
	v17 =	vshrl.u32 v22, $0x8  }
0x1e7: {  	v2 =	vmul.f32 v2, v19;
	v19 =	vand.u32 $0x1, v21;
	v3 =	vmul.f32 v3, v14;
	v14 =	vld [tilespmem:s16+$0xFFFFFFF0]  }
0x1e8: {  	v17 =	vand.u32 $0xFF, v17;
	v15 =	vadd.s32 v15, v19;
	v5 =	vadd.f32 v6, v5  }
0x1e9: {  	v6 =	vshll.u32 v22, $0x3;
	v4 =	vadd.s32 v4, v17;
	v48 =	vmul.f32 v30, v26  }
0x1ea: {  	v2 =	vadd.f32 v2, v5;
	v5 =	vand.u32 $0x400, v6;
	v6 =	vshll.u32 v15, $0x3  }
0x1eb: {  	v15 =	vand.u32 $0x7F, v15;
	v5 =	vor.u32 v11, v5;
	v11 =	vand.u32 $0xC00, v6  }
0x1ec: {  	v19 =	vand.u32 $0xFF, v14;
	v6 =	vor.u32 v13, v5;
	v17 =	vadd.s32 v12, v11  }
0x1ed: {  	s19 =	simm.s32 $0x30;
	v12 =	vor.u32 v12, v6;
	v6 =	vor.u32 v13, v17;
	v13 =	vshll.u32 v4, $0x8  }
0x1ee: {  	s0 =	sand.u32 $0x7F0, s19;
	v4 =	vshll.u32 v4, $0x7;
	v17 =	vor.u32 v15, v6;
	v13 =	vand.u32 $0xFFF800, v13  }
0x1ef: {  	v6 =	vadd.f32 v3, v2;
	v2 =	vand.u32 $0x380, v4;
	v4 =	vld [tilespmem:s0+$0x1DC00];
	v3 =	vor.u32 v13, v5  }
0x1f0: {  	v21 =	vshll.u32 v14, $0x3;
	v11 =	vadd.s32 v11, v13;
	v13 =	vld [tilespmem:s0+$0x1E300];
	v3 =	vor.u32 v2, v3  }
0x1f1: {  	v23 =	vshrl.u32 v14, $0x11;
	v5 =	vshrl.u32 v14, $0x10;
	v2 =	vor.u32 v2, v11  }
0x1f2: {  	s20 =	simm.s32 $0x3;
	v24 =	vand.u32 $0x7F, v14;
	v5 =	vand.u32 $0x1, v5;
	v2 =	vor.u32 v15, v2;
	v22 =	vld.idx.msk [tilespmem:v12+s6+$0x0], $0xffff  }
0x1f3: {  	v29 =	vshrl.u32 v14, $0x1;
	s0 =	sand.u32 $0xFE, s20;
	v11 =	vshrl.u32 v14, $0x8;
	v5 =	vadd.s32 v19, v5;
	v19 =	vld.idx.msk [tilespmem:v17+s6+$0x0], $0xffff  }
0x1f4: {  	s0 =	sshrl.u32 s0, $0x1;
	v14 =	vand.u32 $0xF800, v14;
	v11 =	vand.u32 $0xFF, v11;
	v15 =	vand.u32 $0x400, v21  }
0x1f5: {  	s0 =	smul.u32 $0x93, s0;
	v27 =	vunpack.i.u.bf16.f32 v4;
	v4 =	vunpack.i.l.bf16.f32 v4;
	v28 =	vunpack.i.l.bf16.f32 v13;
	v25 =	vld.idx.msk [tilespmem:v3+s6+$0x0], $0xffff  }
0x1f6: {  	v13 =	vunpack.i.u.bf16.f32 v13;
	v45 =	vmul.f32 v28, v4;
	v28 =	vmul.f32 v28, v27  }
0x1f7: {  	s23 =	simm.s32 $0x2;
	v21 =	vshll.u32 v5, $0x3;
	v11 =	vadd.s32 v23, v11;
	s0 =	sshrl.u32 s0, $0xA;
	v4 =	vmul.f32 v13, v4;
	v23 =	vld.idx.msk [tilespmem:v2+s6+$0x0], $0xffff  }
0x1f8: {  	s1 =	sand.u32 $0xFE, s23;
	v15 =	vor.u32 v24, v15;
	s0 =	smul.u32 $0xE, s0;
	v22 =	vmul.f32 v22, v45;
	v19 =	vmul.f32 v19, v28  }
0x1f9: {  	s24 =	simm.s32 $0x20;
	s1 =	sshrl.u32 s1, $0x1;
	v24 =	vand.u32 $0x380, v29;
	v21 =	vand.u32 $0xC00, v21;
	v13 =	vmul.f32 v13, v27  }
0x1fa: {  	s4 =	sand.u32 $0x7E0, s24;
	s7 =	smul.u32 $0x93, s1;
	v29 =	vld.idx.msk [tilespmem:v8+s6+$0x0], $0xffff;
	v27 =	vadd.s32 v14, v21;
	s0 =	ssub.s32 $0x3, s0;
	v19 =	vadd.f32 v19, v22;
	v22 =	vmul.f32 v25, v4  }
0x1fb: {  	v5 =	vand.u32 $0x7F, v5;
	v31 =	vor.u32 v24, v15;
	v24 =	vor.u32 v24, v27;
	s25 =	sshll.u32 s0, $0x4;
	s0 =	sshll.u32 s0, $0x7;
	v25 =	vld [tilespmem:s4+$0x1DC00]  }
0x1fc: {  	s26 =	smov.u32 s30;
	v46 =	vld [tilespmem:s4+$0x1E300];
	s30 =	sshrl.u32 s7, $0x2;
	s0 =	sor.u32 s0, s25;
	v23 =	vmul.f32 v23, v13;
	v27 =	vadd.f32 v22, v19;
	v22 =	vor.u32 v14, v31  }
0x1fd: {  	s5 =	sshrl.u32 s7, $0x3;
	s1 =	sand.u32 $0x800, s30;
	s0 =	sand.u32 $0x470, s0;
	v19 =	vor.u32 v5, v24;
	v14 =	vshll.u32 v11, $0x8;
	v11 =	vshll.u32 v11, $0x7  }
0x1fe: {  	s14 =	sand.u32 $0x380, s5;
	s0 =	sor.u32 s1, s0;
	v24 =	vld.idx.msk [tilespmem:v9+s6+$0x0], $0xffff;
	v14 =	vand.u32 $0xFFF800, v14;
	v11 =	vand.u32 $0x380, v11;
	v23 =	vadd.f32 v23, v27  }
0x1ff: {  	s10 =	simm.s32 $0x1D550;
	v47 =	vld.idx.msk [tilespmem:v10+s6+$0x0], $0xffff;
	s23 =	sor.u32 s14, s0;
	v15 =	vor.u32 v14, v15;
	v14 =	vadd.s32 v21, v14;
	v27 =	vmul.f32 v29, v16  }
0x200: {  	v21 =	vunpack.i.u.bf16.f32 v25;
	v31 =	vunpack.i.l.bf16.f32 v25;
	v25 =	vor.u32 v11, v15;
	v15 =	vld [tilespmem:s10+$0x0];
	[tilespmem:s23+$0x1EA00] =	vst v23  }
0x201: {  	v11 =	vor.u32 v11, v14;
	v14 =	vunpack.i.u.bf16.f32 v46;
	v23 =	vunpack.i.l.bf16.f32 v46;
	v12 =	vld.idx.msk [tilespmem:v12+s18+$0x0], $0xffff  }
0x202: {  	v32 =	vmul.f32 v14, v21;
	v29 =	vmul.f32 v23, v31;
	v17 =	vld.idx.msk [tilespmem:v17+s18+$0x0], $0xffff  }
0x203: {  	v30 =	vmul.f32 v23, v21;
	v23 =	vmul.f32 v24, v18;
	v24 =	vadd.f32 v48, v27  }
0x204: {  	v27 =	vor.u32 v5, v11;
	v31 =	vmul.f32 v14, v31;
	v3 =	vld.idx.msk [tilespmem:v3+s18+$0x0], $0xffff;
	v5 =	vmul.f32 v47, v20  }
0x205: {  	v11 =	vadd.f32 v23, v24;
	v14 =	vshrl.u32 v15, $0x11;
	v21 =	vand.u32 $0x7F, v15  }
0x206: {  	v23 =	vand.u32 $0xF800, v15;
	v24 =	vshrl.u32 v15, $0x1;
	v49 =	vshrl.u32 v15, $0x8  }
0x207: {  	v50 =	vshll.u32 v15, $0x3;
	v12 =	vmul.f32 v12, v45;
	v17 =	vmul.f32 v17, v28  }
0x208: {  	v2 =	vld.idx.msk [tilespmem:v2+s18+$0x0], $0xffff;
	v11 =	vadd.f32 v5, v11;
	v28 =	vand.u32 $0xFF, v15;
	v15 =	vshrl.u32 v15, $0x10  }
0x209: {  	v3 =	vmul.f32 v3, v4;
	v4 =	vand.u32 $0x1, v15;
	v12 =	vadd.f32 v17, v12  }
0x20a: {  	v15 =	vand.u32 $0xFF, v49;
	v17 =	vand.u32 $0x380, v24;
	v4 =	vadd.s32 v28, v4  }
0x20b: {  	v49 =	vld.idx.msk [tilespmem:v25+s6+$0x0], $0xffff;
	v24 =	vshll.u32 v4, $0x3;
	v3 =	vadd.f32 v3, v12;
	v12 =	vand.u32 $0x400, v50  }
0x20c: {  	s13 =	simm.s32 $0x50;
	v28 =	vld [tilespmem:s10+$0xFFFFFFF0];
	v14 =	vadd.s32 v14, v15;
	v15 =	vand.u32 $0xC00, v24;
	v12 =	vor.u32 v21, v12  }
0x20d: {  	s0 =	sand.u32 $0x7F0, s13;
	v2 =	vmul.f32 v2, v13;
	v24 =	vadd.s32 v23, v15;
	v21 =	vor.u32 v17, v12  }
0x20e: {  	v33 =	vor.u32 v23, v21;
	v21 =	vshll.u32 v14, $0x8;
	v14 =	vshll.u32 v14, $0x7;
	v23 =	vld [tilespmem:s0+$0x1E300]  }
0x20f: {  	v4 =	vand.u32 $0x7F, v4;
	v17 =	vor.u32 v17, v24;
	v13 =	vand.u32 $0x380, v14;
	v14 =	vld [tilespmem:s0+$0x1DC00]  }
0x210: {  	v35 =	vmul.f32 v49, v31;
	v24 =	vor.u32 v4, v17;
	v17 =	vand.u32 $0xFFF800, v21  }
0x211: {  	v21 =	vshrl.u32 v28, $0x10;
	v12 =	vor.u32 v17, v12;
	v17 =	vadd.s32 v15, v17  }
0x212: {  	v15 =	vadd.f32 v2, v3;
	v2 =	vand.u32 $0x1, v21;
	v3 =	vor.u32 v13, v17  }
0x213: {  	v12 =	vor.u32 v13, v12;
	v13 =	vand.u32 $0xFF, v28;
	v34 =	vor.u32 v4, v3  }
0x214: {  	s19 =	simm.s32 $0x40;
	v21 =	vld.idx.msk [tilespmem:v33+s6+$0x0], $0xffff;
	v54 =	vunpack.i.l.bf16.f32 v23;
	v53 =	vunpack.i.u.bf16.f32 v14;
	v14 =	vunpack.i.l.bf16.f32 v14  }
0x215: {  	s5 =	sand.u32 $0x7E0, s19;
	v2 =	vadd.s32 v13, v2;
	v13 =	vld.idx.msk [tilespmem:v24+s6+$0x0], $0xffff;
	v23 =	vunpack.i.u.bf16.f32 v23;
	v39 =	vmul.f32 v54, v14  }
0x216: {  	s30 =	simm.s32 $0x1D570;
	v51 =	vshrl.u32 v28, $0x11;
	v14 =	vmul.f32 v23, v14;
	v37 =	vmul.f32 v23, v53;
	v23 =	vld [tilespmem:s5+$0x1DC00]  }
0x217: {  	s15 =	simm.s32 $0x5;
	v55 =	vand.u32 $0x7F, v28;
	v17 =	vshrl.u32 v28, $0x8;
	v38 =	vmul.f32 v54, v53;
	v53 =	vld [tilespmem:s30+$0x0]  }
0x218: {  	v57 =	vshrl.u32 v28, $0x1;
	s0 =	sand.u32 $0xFE, s15;
	v4 =	vand.u32 $0xFF, v17;
	v17 =	vshll.u32 v2, $0x3;
	v52 =	vld.idx.msk [tilespmem:v12+s6+$0x0], $0xffff  }
0x219: {  	v58 =	vand.u32 $0x380, v57;
	s0 =	sshrl.u32 s0, $0x1;
	v3 =	vshll.u32 v28, $0x3;
	v56 =	vand.u32 $0xC00, v17;
	v17 =	vld.idx.msk [tilespmem:v34+s6+$0x0], $0xffff  }
0x21a: {  	s0 =	smul.u32 $0x93, s0;
	v28 =	vand.u32 $0xF800, v28;
	v3 =	vand.u32 $0x400, v3;
	v4 =	vadd.s32 v51, v4  }
0x21b: {  	v3 =	vor.u32 v55, v3;
	v21 =	vmul.f32 v21, v39;
	v13 =	vmul.f32 v13, v38  }
0x21c: {  	s16 =	simm.s32 $0x4;
	s0 =	sshrl.u32 s0, $0xA;
	v2 =	vand.u32 $0x7F, v2;
	v60 =	vadd.s32 v28, v56;
	v61 =	vor.u32 v58, v3  }
0x21d: {  	s4 =	sand.u32 $0xFE, s16;
	s0 =	smul.u32 $0xE, s0;
	v13 =	vadd.f32 v13, v21;
	v51 =	vunpack.i.u.bf16.f32 v23;
	v57 =	vand.u32 $0x7F, v53  }
0x21e: {  	s4 =	sshrl.u32 s4, $0x1;
	v59 =	vld.idx.msk [tilespmem:v19+s6+$0x0], $0xffff;
	v21 =	vmul.f32 v52, v14;
	v52 =	vunpack.i.l.bf16.f32 v23;
	v63 =	vmul.f32 v17, v37  }
0x21f: {  	v62 =	vld [tilespmem:s5+$0x1E300];
	s10 =	smul.u32 $0x93, s4;
	s0 =	ssub.s32 $0x5, s0;
	v17 =	vor.u32 v58, v60;
	v58 =	vand.u32 $0xF800, v53;
	v60 =	vand.u32 $0xFF, v53  }
0x220: {  	v48 =	vld.idx.msk [tilespmem:v22+s6+$0x0], $0xffff;
	s20 =	sshll.u32 s0, $0x4;
	s0 =	sshll.u32 s0, $0x7;
	v13 =	vadd.f32 v21, v13;
	v21 =	vor.u32 v28, v61;
	v28 =	vshll.u32 v4, $0x8  }
0x221: {  	s24 =	sshrl.u32 s10, $0x2;
	s0 =	sor.u32 s0, s20;
	v17 =	vor.u32 v2, v17;
	v4 =	vshll.u32 v4, $0x7;
	v61 =	vshrl.u32 v53, $0x8  }
0x222: {  	s25 =	sshrl.u32 s10, $0x3;
	s24 =	sand.u32 $0x800, s24;
	s0 =	sand.u32 $0x470, s0;
	v28 =	vand.u32 $0xFFF800, v28;
	v4 =	vand.u32 $0x380, v4;
	v13 =	vadd.f32 v63, v13  }
0x223: {  	s16 =	sand.u32 $0x380, s25;
	s0 =	sor.u32 s24, s0;
	v3 =	vor.u32 v28, v3;
	v28 =	vadd.s32 v56, v28;
	v56 =	vmul.f32 v59, v30  }
0x224: {  	v50 =	vld.idx.msk [tilespmem:v27+s6+$0x0], $0xffff;
	s0 =	sor.u32 s16, s0;
	v59 =	vshrl.u32 v53, $0x1;
	v63 =	vand.u32 $0xFF, v61;
	v23 =	vor.u32 v4, v3  }
0x225: {  	v3 =	vor.u32 v4, v28;
	v4 =	vunpack.i.l.bf16.f32 v62;
	v28 =	vmul.f32 v48, v29;
	[tilespmem:s0+$0x1EA00] =	vst v13  }
0x226: {  	v40 =	vand.u32 $0x380, v59;
	v13 =	vunpack.i.u.bf16.f32 v62;
	v62 =	vshrl.u32 v53, $0x10;
	v54 =	vld.idx.msk [tilespmem:v33+s18+$0x0], $0xffff  }
0x227: {  	v55 =	vld.idx.msk [tilespmem:v24+s18+$0x0], $0xffff;
	v24 =	vor.u32 v2, v3;
	v2 =	vmul.f32 v4, v52;
	v3 =	vmul.f32 v4, v51  }
0x228: {  	v4 =	vmul.f32 v13, v52;
	v12 =	vld.idx.msk [tilespmem:v12+s18+$0x0], $0xffff;
	v33 =	vadd.f32 v56, v28;
	v5 =	vmul.f32 v13, v51  }
0x229: {  	v28 =	vmul.f32 v50, v32;
	v13 =	vshrl.u32 v53, $0x11;
	v45 =	vand.u32 $0x1, v62  }
0x22a: {  	v41 =	vadd.s32 v60, v45;
	v13 =	vadd.s32 v13, v63;
	v33 =	vadd.f32 v35, v33  }
0x22b: {  	v46 =	vshll.u32 v41, $0x3;
	v49 =	vand.u32 $0x7F, v41;
	v52 =	vshll.u32 v13, $0x8  }
0x22c: {  	s5 =	simm.s32 $0x70;
	v34 =	vld.idx.msk [tilespmem:v34+s18+$0x0], $0xffff;
	v13 =	vshll.u32 v13, $0x7;
	v39 =	vmul.f32 v54, v39;
	v38 =	vmul.f32 v55, v38  }
0x22d: {  	s4 =	sand.u32 $0x7F0, s5;
	v47 =	vand.u32 $0xC00, v46;
	v12 =	vmul.f32 v12, v14;
	v14 =	vshll.u32 v53, $0x3  }
0x22e: {  	v50 =	vadd.s32 v58, v47;
	v54 =	vld [tilespmem:s4+$0x1DC00];
	v14 =	vand.u32 $0x400, v14;
	v38 =	vadd.f32 v38, v39  }
0x22f: {  	v13 =	vand.u32 $0x380, v13;
	v51 =	vor.u32 v40, v50;
	v14 =	vor.u32 v57, v14;
	v57 =	vld [tilespmem:s4+$0x1E300]  }
0x230: {  	s12 =	sshrl.u32 s12, $0xA;
	v48 =	vor.u32 v40, v14;
	v40 =	vand.u32 $0xFFF800, v52;
	v12 =	vadd.f32 v12, v38;
	v38 =	vld [tilespmem:s30+$0xFFFFFFF0]  }
0x231: {  	s13 =	smul.u32 $0xE, s12;
	v34 =	vmul.f32 v34, v37;
	v41 =	vor.u32 v49, v51;
	v14 =	vor.u32 v40, v14  }
0x232: {  	v37 =	vor.u32 v58, v48;
	v42 =	vor.u32 v13, v14;
	v14 =	vadd.s32 v47, v40  }
0x233: {  	s4 =	ssub.s32 $0x0, s13;
	v47 =	vld.idx.msk [tilespmem:v17+s6+$0x0], $0xffff;
	v63 =	vunpack.i.u.bf16.f32 v54;
	v36 =	vadd.f32 v34, v12;
	v13 =	vor.u32 v13, v14  }
0x234: {  	s19 =	sshll.u32 s4, $0x4;
	s4 =	sshll.u32 s4, $0x7;
	v34 =	vunpack.i.l.bf16.f32 v54;
	v39 =	vor.u32 v49, v13;
	v43 =	vunpack.i.u.bf16.f32 v57  }
0x235: {  	s4 =	sor.u32 s4, s19;
	v46 =	vmul.f32 v43, v34;
	v43 =	vmul.f32 v43, v63;
	v53 =	vshrl.u32 v38, $0x10  }
0x236: {  	v51 =	vld.idx.msk [tilespmem:v21+s6+$0x0], $0xffff;
	s4 =	sand.u32 $0x460, s4;
	v55 =	vand.u32 $0xFF, v38;
	v56 =	vshrl.u32 v38, $0x8;
	v14 =	vshll.u32 v38, $0x3  }
0x237: {  	v60 =	vld.idx.msk [tilespmem:v41+s6+$0x0], $0xffff;
	s2 =	sor.u32 s2, s4;
	v61 =	vshrl.u32 v38, $0x11;
	v62 =	vand.u32 $0x7F, v38;
	v12 =	vand.u32 $0x1, v53  }
0x238: {  	s15 =	simm.s32 $0x7;
	s11 =	sor.u32 s11, s2;
	v13 =	vand.u32 $0xFF, v56;
	v14 =	vand.u32 $0x400, v14;
	v48 =	vld.idx.msk [tilespmem:v42+s6+$0x0], $0xffff;
	v47 =	vmul.f32 v47, v3  }
0x239: {  	s5 =	sand.u32 $0xFE, s15;
	[tilespmem:s11+$0x1EA00] =	vst v11;
	v58 =	vld.idx.msk [tilespmem:v37+s6+$0x0], $0xffff;
	v12 =	vadd.s32 v55, v12;
	v45 =	vadd.s32 v61, v13;
	v13 =	vand.u32 $0xF800, v38  }
0x23a: {  	s5 =	sshrl.u32 s5, $0x1;
	v49 =	vld.idx.msk [tilespmem:v7+s18+$0x0], $0xffff;
	v38 =	vshrl.u32 v38, $0x1;
	v14 =	vor.u32 v62, v14;
	v59 =	vshll.u32 v12, $0x3  }
0x23b: {  	s5 =	smul.u32 $0x93, s5;
	v53 =	vld.idx.msk [tilespmem:v39+s6+$0x0], $0xffff;
	v38 =	vand.u32 $0x380, v38;
	v40 =	vand.u32 $0xC00, v59;
	v59 =	vunpack.i.l.bf16.f32 v57  }
0x23c: {  	v7 =	vshll.u32 v45, $0x7;
	v52 =	vmul.f32 v59, v34;
	v50 =	vmul.f32 v59, v63;
	v34 =	vld.idx.msk [tilespmem:v23+s6+$0x0], $0xffff  }
0x23d: {  	s25 =	simm.s32 $0x6;
	s20 =	simm.s32 $0x60;
	s5 =	sshrl.u32 s5, $0xA;
	v62 =	vor.u32 v38, v14;
	v61 =	vadd.s32 v13, v40;
	v63 =	vmul.f32 v48, v46;
	v48 =	vld.idx.msk [tilespmem:v24+s6+$0x0], $0xffff  }
0x23e: {  	s12 =	sand.u32 $0x7E0, s20;
	s5 =	smul.u32 $0xE, s5;
	s13 =	sand.u32 $0xFE, s25;
	v11 =	vor.u32 v38, v61;
	v38 =	vld.idx.msk [tilespmem:v8+s18+$0x0], $0xffff;
	v35 =	vmul.f32 v58, v52;
	v44 =	vmul.f32 v60, v50  }
0x23f: {  	s30 =	sshrl.u32 s13, $0x1;
	v57 =	vand.u32 $0x7F, v12;
	v12 =	vor.u32 v13, v62;
	v13 =	vshll.u32 v45, $0x8;
	v60 =	vld [tilespmem:s12+$0x1DC00]  }
0x240: {  	s13 =	ssub.s32 $0x7, s5;
	s2 =	smul.u32 $0x93, s30;
	v7 =	vand.u32 $0x380, v7;
	v8 =	vand.u32 $0xFFF800, v13;
	v58 =	vld [tilespmem:s12+$0x1E300];
	v35 =	vadd.f32 v44, v35  }
0x241: {  	s5 =	sshll.u32 s13, $0x4;
	s4 =	sshll.u32 s13, $0x7;
	v13 =	vor.u32 v57, v11;
	v11 =	vor.u32 v8, v14;
	v8 =	vadd.s32 v40, v8  }
0x242: {  	s20 =	simm.s32 $0x1D590;
	s4 =	sor.u32 s4, s5;
	s15 =	sshrl.u32 s2, $0x2;
	v45 =	vld.idx.msk [tilespmem:v9+s18+$0x0], $0xffff;
	v56 =	vmul.f32 v53, v43;
	v14 =	vor.u32 v7, v11;
	v35 =	vadd.f32 v63, v35  }
0x243: {  	s4 =	sand.u32 $0x470, s4;
	s19 =	sshrl.u32 s2, $0x3;
	v59 =	vld.idx.msk [tilespmem:v10+s18+$0x0], $0xffff;
	s12 =	sand.u32 $0x800, s15;
	v8 =	vor.u32 v7, v8;
	v63 =	vmul.f32 v51, v2;
	v51 =	vmul.f32 v34, v4  }
0x244: {  	s25 =	sand.u32 $0x380, s19;
	s4 =	sor.u32 s12, s4;
	v53 =	vld [tilespmem:s20+$0x0];
	v34 =	vmul.f32 v48, v5;
	v40 =	vunpack.i.u.bf16.f32 v60;
	v9 =	vadd.f32 v56, v35  }
0x245: {  	s5 =	sor.u32 s25, s4;
	v10 =	vunpack.i.l.bf16.f32 v60;
	v60 =	vunpack.i.l.bf16.f32 v58;
	v61 =	vunpack.i.u.bf16.f32 v58  }
0x246: {  	v11 =	vor.u32 v57, v8;
	v8 =	vmul.f32 v61, v40;
	[tilespmem:s5+$0x1EA00] =	vst v9;
	v9 =	vmul.f32 v60, v40;
	v40 =	vld [tilespmem:s20+$0xFFFFFFF0]  }
0x247: {  	v7 =	vmul.f32 v60, v10;
	v10 =	vmul.f32 v61, v10;
	v62 =	vld.idx.msk [tilespmem:v37+s18+$0x0], $0xffff  }
0x248: {  	v54 =	vadd.f32 v47, v63;
	v47 =	vadd.f32 v28, v33;
	v28 =	vmul.f32 v38, v16;
	v41 =	vld.idx.msk [tilespmem:v41+s18+$0x0], $0xffff  }
0x249: {  	v33 =	vmul.f32 v45, v18;
	v16 =	vmul.f32 v59, v20;
	v18 =	vshrl.u32 v53, $0x11;
	v42 =	vld.idx.msk [tilespmem:v42+s18+$0x0], $0xffff  }
0x24a: {  	v20 =	vand.u32 $0x7F, v53;
	v61 =	vshrl.u32 v53, $0x8;
	v37 =	vmul.f32 v49, v26;
	v26 =	vld.idx.msk [tilespmem:v39+s18+$0x0], $0xffff  }
0x24b: {  	v56 =	vand.u32 $0xF800, v53;
	v59 =	vshrl.u32 v53, $0x1;
	v45 =	vand.u32 $0xFF, v61  }
0x24c: {  	v35 =	vadd.f32 v51, v54;
	v60 =	vand.u32 $0xFF, v53;
	v18 =	vadd.s32 v18, v45  }
0x24d: {  	v49 =	vshll.u32 v53, $0x3;
	v55 =	vshrl.u32 v40, $0x10;
	v61 =	vand.u32 $0x7F, v40  }
0x24e: {  	v57 =	vmul.f32 v62, v52;
	v58 =	vmul.f32 v41, v50;
	v62 =	vshrl.u32 v53, $0x10  }
0x24f: {  	v63 =	vmul.f32 v42, v46;
	v41 =	vand.u32 $0x380, v59;
	v26 =	vmul.f32 v26, v43  }
0x250: {  	v42 =	vand.u32 $0x400, v49;
	v53 =	vshll.u32 v18, $0x8;
	v18 =	vshll.u32 v18, $0x7  }
0x251: {  	s30 =	simm.s32 $0x90;
	v50 =	vand.u32 $0x1, v62;
	v20 =	vor.u32 v20, v42;
	v54 =	vand.u32 $0xFFF800, v53  }
0x252: {  	s4 =	sand.u32 $0x7F0, s30;
	v18 =	vand.u32 $0x380, v18;
	v39 =	vadd.f32 v58, v57;
	v44 =	vadd.s32 v60, v50  }
0x253: {  	v59 =	vld [tilespmem:s4+$0x1E300];
	v42 =	vor.u32 v41, v20;
	v20 =	vor.u32 v54, v20;
	v51 =	vshll.u32 v44, $0x3  }
0x254: {  	v57 =	vand.u32 $0xFF, v40;
	v58 =	vshrl.u32 v40, $0x8;
	v43 =	vand.u32 $0xC00, v51  }
0x255: {  	v60 =	vshrl.u32 v40, $0x11;
	v44 =	vand.u32 $0x7F, v44;
	v52 =	vadd.s32 v56, v43  }
0x256: {  	v38 =	vor.u32 v56, v42;
	v39 =	vadd.f32 v63, v39;
	v41 =	vor.u32 v41, v52  }
0x257: {  	v46 =	vor.u32 v18, v20;
	v20 =	vadd.s32 v43, v54;
	v41 =	vor.u32 v44, v41  }
0x258: {  	s13 =	sshrl.u32 s7, $0xA;
	s20 =	simm.s32 $0x80;
	v48 =	vunpack.i.u.bf16.f32 v59;
	v42 =	vadd.f32 v26, v39;
	v26 =	vand.u32 $0x1, v55  }
0x259: {  	v56 =	vld [tilespmem:s4+$0x1DC00];
	s4 =	smul.u32 $0xE, s13;
	s13 =	sand.u32 $0x7E0, s20;
	v18 =	vor.u32 v18, v20;
	v20 =	vadd.s32 v57, v26;
	v26 =	vshll.u32 v40, $0x3  }
0x25a: {  	v49 =	vor.u32 v44, v18;
	v18 =	vand.u32 $0xFF, v58;
	v57 =	vld [tilespmem:s13+$0x1DC00];
	v26 =	vand.u32 $0x400, v26  }
0x25b: {  	s15 =	simm.s32 $0x9;
	s4 =	ssub.s32 $0x2, s4;
	v43 =	vld.idx.msk [tilespmem:v38+s6+$0x0], $0xffff;
	v62 =	vshll.u32 v20, $0x3;
	v50 =	vadd.s32 v60, v18;
	v18 =	vand.u32 $0xF800, v40  }
0x25c: {  	s7 =	sand.u32 $0xFE, s15;
	s19 =	sshll.u32 s4, $0x4;
	s4 =	sshll.u32 s4, $0x7;
	v40 =	vshrl.u32 v40, $0x1;
	v60 =	vand.u32 $0x7F, v20;
	v44 =	vand.u32 $0xC00, v62;
	v63 =	vld.idx.msk [tilespmem:v41+s6+$0x0], $0xffff  }
0x25d: {  	s7 =	sshrl.u32 s7, $0x1;
	v52 =	vld.idx.msk [tilespmem:v46+s6+$0x0], $0xffff;
	v62 =	vunpack.i.l.bf16.f32 v59;
	s4 =	sor.u32 s4, s19;
	v26 =	vor.u32 v61, v26;
	v40 =	vand.u32 $0x380, v40  }
0x25e: {  	s7 =	smul.u32 $0x93, s7;
	v61 =	vld.idx.msk [tilespmem:v12+s6+$0x0], $0xffff;
	v53 =	vunpack.i.u.bf16.f32 v56;
	v39 =	vunpack.i.l.bf16.f32 v56;
	s4 =	sand.u32 $0x460, s4;
	v58 =	vadd.s32 v18, v44  }
0x25f: {  	v56 =	vld.idx.msk [tilespmem:v13+s6+$0x0], $0xffff;
	v59 =	vor.u32 v40, v26;
	v55 =	vmul.f32 v62, v39;
	v54 =	vmul.f32 v62, v53;
	s1 =	sor.u32 s1, s4  }
0x260: {  	s30 =	simm.s32 $0x8;
	s7 =	sshrl.u32 s7, $0xA;
	v39 =	vmul.f32 v48, v39;
	v18 =	vor.u32 v18, v59;
	v59 =	vshll.u32 v50, $0x8;
	v51 =	vld.idx.msk [tilespmem:v49+s6+$0x0], $0xffff;
	s1 =	sor.u32 s14, s1  }
0x261: {  	s15 =	sand.u32 $0xFE, s30;
	s19 =	smul.u32 $0xE, s7;
	v50 =	vshll.u32 v50, $0x7;
	v43 =	vmul.f32 v43, v55;
	[tilespmem:s1+$0x1EA00] =	vst v47;
	v47 =	vld.idx.msk [tilespmem:v14+s6+$0x0], $0xffff;
	v45 =	vmul.f32 v63, v54  }
0x262: {  	s15 =	sshrl.u32 s15, $0x1;
	v20 =	vor.u32 v40, v58;
	v48 =	vmul.f32 v48, v53;
	v62 =	vand.u32 $0x380, v50;
	v50 =	vld.idx.msk [tilespmem:v25+s18+$0x0], $0xffff  }
0x263: {  	s7 =	smul.u32 $0x93, s15;
	s19 =	ssub.s32 $0x9, s19;
	v58 =	vmul.f32 v52, v39;
	v52 =	vand.u32 $0xFFF800, v59;
	v63 =	vadd.f32 v45, v43;
	v45 =	vld [tilespmem:s13+$0x1E300]  }
0x264: {  	v37 =	vadd.f32 v37, v28;
	s20 =	sshll.u32 s19, $0x4;
	s4 =	sshll.u32 s19, $0x7;
	v53 =	vunpack.i.l.bf16.f32 v57;
	v26 =	vor.u32 v52, v26;
	v43 =	vld.idx.msk [tilespmem:v22+s18+$0x0], $0xffff  }
0x265: {  	s30 =	sshrl.u32 s7, $0x2;
	s4 =	sor.u32 s4, s20;
	v25 =	vor.u32 v62, v26;
	v22 =	vmul.f32 v51, v48;
	v51 =	vld.idx.msk [tilespmem:v19+s18+$0x0], $0xffff;
	v40 =	vadd.f32 v58, v63  }
0x266: {  	s15 =	sand.u32 $0x800, s30;
	s14 =	sshrl.u32 s7, $0x3;
	s4 =	sand.u32 $0x470, s4;
	v47 =	vmul.f32 v47, v10;
	v19 =	vadd.s32 v44, v52;
	v52 =	vunpack.i.u.bf16.f32 v57;
	v57 =	vld.idx.msk [tilespmem:v27+s18+$0x0], $0xffff  }
0x267: {  	s19 =	simm.s32 $0x1D5B0;
	s14 =	sand.u32 $0x380, s14;
	s4 =	sor.u32 s15, s4;
	v44 =	vadd.f32 v34, v35;
	v19 =	vor.u32 v62, v19;
	v40 =	vadd.f32 v22, v40  }
0x268: {  	s13 =	sor.u32 s14, s4;
	v62 =	vmul.f32 v56, v9;
	v63 =	vunpack.i.u.bf16.f32 v45;
	v26 =	vunpack.i.l.bf16.f32 v45;
	v45 =	vld [tilespmem:s19+$0x0]  }
0x269: {  	v22 =	vor.u32 v60, v19;
	v19 =	vmul.f32 v61, v7;
	v34 =	vmul.f32 v43, v29;
	[tilespmem:s13+$0x1EA00] =	vst v40  }
0x26a: {  	v33 =	vadd.f32 v33, v37;
	v35 =	vmul.f32 v51, v30;
	v30 =	vmul.f32 v50, v31;
	v38 =	vld.idx.msk [tilespmem:v38+s18+$0x0], $0xffff  }
0x26b: {  	v29 =	vmul.f32 v57, v32;
	v27 =	vmul.f32 v26, v53;
	v40 =	vadd.f32 v62, v19;
	v41 =	vld.idx.msk [tilespmem:v41+s18+$0x0], $0xffff  }
0x26c: {  	v20 =	vor.u32 v60, v20;
	v28 =	vmul.f32 v63, v53;
	v19 =	vmul.f32 v63, v52;
	v63 =	vld.idx.msk [tilespmem:v46+s18+$0x0], $0xffff  }
0x26d: {  	v37 =	vadd.f32 v47, v40;
	v31 =	vshrl.u32 v45, $0x11;
	v40 =	vand.u32 $0x7F, v45  }
0x26e: {  	v56 =	vld.idx.msk [tilespmem:v49+s18+$0x0], $0xffff;
	v46 =	vand.u32 $0xF800, v45;
	v57 =	vshrl.u32 v45, $0x1;
	v58 =	vand.u32 $0xFF, v45  }
0x26f: {  	v47 =	vld [tilespmem:s19+$0xFFFFFFF0];
	v59 =	vshrl.u32 v45, $0x8;
	v60 =	vshll.u32 v45, $0x3;
	v45 =	vshrl.u32 v45, $0x10  }
0x270: {  	v26 =	vmul.f32 v26, v52;
	v61 =	vand.u32 $0x1, v45;
	v38 =	vmul.f32 v38, v55  }
0x271: {  	v62 =	vand.u32 $0xFF, v59;
	v41 =	vmul.f32 v41, v54;
	v39 =	vmul.f32 v63, v39  }
0x272: {  	v63 =	vand.u32 $0x380, v57;
	v31 =	vadd.s32 v31, v62;
	v55 =	vand.u32 $0x400, v60  }
0x273: {  	v32 =	vmul.f32 v56, v48;
	v40 =	vor.u32 v40, v55;
	v59 =	vshll.u32 v31, $0x8  }
0x274: {  	v31 =	vshll.u32 v31, $0x7;
	v60 =	vshrl.u32 v47, $0x10;
	v62 =	vand.u32 $0xFF, v47  }
0x275: {  	s20 =	sshrl.u32 s10, $0xA;
	s10 =	simm.s32 $0xB0;
	v55 =	vand.u32 $0x7F, v47;
	v38 =	vadd.f32 v41, v38;
	v41 =	vadd.s32 v58, v61  }
0x276: {  	s30 =	sand.u32 $0x7F0, s10;
	s4 =	smul.u32 $0xE, s20;
	v58 =	vor.u32 v63, v40;
	v31 =	vand.u32 $0x380, v31;
	v54 =	vshll.u32 v41, $0x3  }
0x277: {  	v49 =	vld [tilespmem:s30+$0x1DC00];
	v61 =	vand.u32 $0x1, v60;
	v38 =	vadd.f32 v39, v38;
	v56 =	vand.u32 $0xC00, v54  }
0x278: {  	s4 =	ssub.s32 $0x4, s4;
	v60 =	vshll.u32 v47, $0x3;
	v41 =	vand.u32 $0x7F, v41;
	v57 =	vadd.s32 v46, v56  }
0x279: {  	s20 =	sshll.u32 s4, $0x4;
	s4 =	sshll.u32 s4, $0x7;
	v39 =	vor.u32 v46, v58;
	v52 =	vadd.f32 v32, v38;
	v32 =	vor.u32 v63, v57  }
0x27a: {  	s2 =	sshrl.u32 s2, $0xA;
	s4 =	sor.u32 s4, s20;
	v45 =	vadd.s32 v62, v61;
	v38 =	vand.u32 $0xFFF800, v59;
	v32 =	vor.u32 v41, v32  }
0x27b: {  	s2 =	smul.u32 $0xE, s2;
	s4 =	sand.u32 $0x460, s4;
	v62 =	vshrl.u32 v47, $0x11;
	v61 =	vshll.u32 v45, $0x3;
	v63 =	vld [tilespmem:s30+$0x1E300];
	v40 =	vor.u32 v38, v40  }
0x27c: {  	s7 =	sshrl.u32 s7, $0xA;
	s4 =	sor.u32 s24, s4;
	s24 =	simm.s32 $0xB;
	v58 =	vunpack.i.u.bf16.f32 v49;
	v38 =	vadd.s32 v56, v38;
	v43 =	vor.u32 v31, v40  }
0x27d: {  	s2 =	ssub.s32 $0x6, s2;
	s7 =	smul.u32 $0xE, s7;
	s20 =	sand.u32 $0xFE, s24;
	v54 =	vld.idx.msk [tilespmem:v11+s6+$0x0], $0xffff;
	v59 =	vshrl.u32 v47, $0x8;
	v56 =	vand.u32 $0xC00, v61;
	v31 =	vor.u32 v31, v38  }
0x27e: {  	s19 =	sshll.u32 s2, $0x4;
	s30 =	sshll.u32 s2, $0x7;
	s2 =	sor.u32 s16, s4;
	v61 =	vand.u32 $0xF800, v47;
	v47 =	vshrl.u32 v47, $0x1;
	v40 =	vld.idx.msk [tilespmem:v39+s6+$0x0], $0xffff;
	v46 =	vor.u32 v41, v31  }
0x27f: {  	s24 =	sshrl.u32 s20, $0x1;
	v49 =	vunpack.i.l.bf16.f32 v49;
	[tilespmem:s2+$0x1EA00] =	vst v44;
	v47 =	vand.u32 $0x380, v47;
	v31 =	vand.u32 $0xFF, v59;
	v53 =	vld.idx.msk [tilespmem:v32+s6+$0x0], $0xffff  }
0x280: {  	[tilespmem:s9+$0x1F200] =	vst v6;
	s7 =	ssub.s32 $0x8, s7;
	s16 =	smul.u32 $0x93, s24;
	v6 =	vld.idx.msk [tilespmem:v21+s18+$0x0], $0xffff;
	v41 =	vand.u32 $0x400, v60;
	v57 =	vadd.s32 v62, v31;
	v38 =	vunpack.i.l.bf16.f32 v63  }
0x281: {  	s20 =	sshll.u32 s7, $0x7;
	s19 =	sor.u32 s30, s19;
	s30 =	simm.s32 $0xA0;
	v55 =	vor.u32 v55, v41;
	v60 =	vunpack.i.u.bf16.f32 v63;
	v51 =	vmul.f32 v38, v49;
	v59 =	vld.idx.msk [tilespmem:v43+s6+$0x0], $0xffff  }
0x282: {  	[tilespmem:s23+$0x1F200] =	vst v15;
	s4 =	sand.u32 $0x460, s19;
	s19 =	sshll.u32 s7, $0x4;
	s16 =	sshrl.u32 s16, $0xA;
	v15 =	vld.idx.msk [tilespmem:v17+s18+$0x0], $0xffff;
	v21 =	vshll.u32 v57, $0x8;
	v50 =	vmul.f32 v38, v58;
	v48 =	vmul.f32 v60, v49  }
0x283: {  	s24 =	sand.u32 $0x7E0, s30;
	s4 =	sor.u32 s12, s4;
	s12 =	simm.s32 $0xA;
	v49 =	vmul.f32 v60, v58;
	v58 =	vadd.s32 v61, v56;
	v21 =	vand.u32 $0xFFF800, v21;
	v62 =	vld.idx.msk [tilespmem:v46+s6+$0x0], $0xffff  }
0x284: {  	v17 =	vld.idx.msk [tilespmem:v23+s18+$0x0], $0xffff;
	s16 =	smul.u32 $0xE, s16;
	s20 =	sor.u32 s20, s19;
	s30 =	sand.u32 $0xFE, s12;
	v58 =	vor.u32 v47, v58;
	v63 =	vmul.f32 v40, v51;
	v53 =	vmul.f32 v53, v50  }
0x285: {  	s7 =	sor.u32 s25, s4;
	s4 =	sand.u32 $0x460, s20;
	s25 =	sshrl.u32 s30, $0x1;
	v60 =	vld [tilespmem:s24+$0x1DC00];
	v47 =	vor.u32 v47, v55;
	v55 =	vor.u32 v21, v55;
	v56 =	vadd.s32 v56, v21  }
0x286: {  	s16 =	ssub.s32 $0xB, s16;
	s4 =	sor.u32 s15, s4;
	s19 =	smul.u32 $0x93, s25;
	v21 =	vld.idx.msk [tilespmem:v24+s18+$0x0], $0xffff;
	v40 =	vmul.f32 v54, v8;
	v59 =	vmul.f32 v59, v48;
	v54 =	vadd.f32 v53, v63  }
0x287: {  	v23 =	vshll.u32 v57, $0x7;
	s30 =	sshll.u32 s16, $0x4;
	s16 =	sshll.u32 s16, $0x7;
	s9 =	sor.u32 s14, s4;
	v24 =	vld [tilespmem:s24+$0x1E300]  }
0x288: {  	v31 =	vld.idx.msk [tilespmem:v20+s6+$0x0], $0xffff;
	v57 =	vand.u32 $0x380, v23;
	s16 =	sor.u32 s16, s30;
	s20 =	sshrl.u32 s19, $0x2;
	s23 =	sshrl.u32 s19, $0x3;
	v63 =	vmul.f32 v62, v49;
	v54 =	vadd.f32 v59, v54  }
0x289: {  	[tilespmem:s0+$0x1F200] =	vst v36;
	v38 =	vld.idx.msk [tilespmem:v18+s6+$0x0], $0xffff;
	v47 =	vor.u32 v61, v47;
	s4 =	sand.u32 $0x470, s16;
	s25 =	sshrl.u32 s19, $0xA;
	v23 =	vor.u32 v57, v55;
	s14 =	sand.u32 $0x800, s20  }
0x28a: {  	[tilespmem:s13+$0x1F200] =	vst v52;
	v41 =	vld.idx.msk [tilespmem:v25+s6+$0x0], $0xffff;
	v52 =	vor.u32 v57, v56;
	s15 =	sand.u32 $0x380, s23;
	s13 =	smul.u32 $0xE, s25;
	s30 =	sor.u32 s14, s4;
	v53 =	vand.u32 $0x7F, v45;
	v54 =	vadd.f32 v63, v54  }
0x28b: {  	s0 =	simm.s32 $0x1D5D0;
	[tilespmem:s5+$0x1F200] =	vst v42;
	v44 =	vld.idx.msk [tilespmem:v22+s6+$0x0], $0xffff;
	v36 =	vunpack.i.u.bf16.f32 v60;
	v42 =	vunpack.i.l.bf16.f32 v60;
	s5 =	sor.u32 s15, s30;
	v45 =	vor.u32 v53, v58  }
.LBB2_14:
0x28c: {  	v55 =	vld [tilespmem:s0+$0x0];
	s4 =	ssub.s32 s12, s13;
	v56 =	vunpack.i.u.bf16.f32 v24;
	v24 =	vunpack.i.l.bf16.f32 v24;
	v52 =	vor.u32 v53, v52;
	[tilespmem:s5+$0x1EA00] =	vst v54  }
0x28d: {  	v37 =	vadd.f32 v40, v37;
	s13 =	sshll.u32 s4, $0x4;
	v53 =	vmul.f32 v24, v42;
	v54 =	vmul.f32 v24, v36;
	s4 =	sshll.u32 s4, $0x7;
	v39 =	vld.idx.msk [tilespmem:v39+s18+$0x0], $0xffff  }
0x28e: {  	v38 =	vmul.f32 v38, v27;
	v31 =	vmul.f32 v31, v26;
	v57 =	vadd.f32 v35, v34;
	s4 =	sor.u32 s4, s13;
	v32 =	vld.idx.msk [tilespmem:v32+s18+$0x0], $0xffff  }
0x28f: {  	v41 =	vmul.f32 v41, v28;
	v16 =	vadd.f32 v16, v33;
	v42 =	vmul.f32 v56, v42;
	v24 =	vld [tilespmem:s0+$0xFFFFFFF0];
	s4 =	sand.u32 $0x460, s4;
	[tilespmem:s7+$0x1EA00] =	vst v37  }
0x290: {  	v40 =	vmul.f32 v44, v19;
	v36 =	vmul.f32 v56, v36;
	v37 =	vadd.f32 v31, v38;
	s4 =	sor.u32 s14, s4;
	v43 =	vld.idx.msk [tilespmem:v43+s18+$0x0], $0xffff  }
0x291: {  	v34 =	vmul.f32 v6, v2;
	v35 =	vmul.f32 v15, v3;
	v33 =	vadd.f32 v30, v57;
	v31 =	vld.idx.msk [tilespmem:v45+s6+$0x0], $0xffff;
	s4 =	sor.u32 s15, s4  }
0x292: {  	v56 =	vmul.f32 v21, v5;
	v30 =	vmul.f32 v17, v4;
	v37 =	vadd.f32 v41, v37;
	v46 =	vld.idx.msk [tilespmem:v46+s18+$0x0], $0xffff  }
0x293: {  	v2 =	vmovc v7;
	v7 =	vmovc v27;
	v5 =	vshrl.u32 v55, $0x11;
	v57 =	vand.u32 $0x7F, v55;
	v58 =	vand.u32 $0xF800, v55;
	v38 =	vld.idx.msk [tilespmem:v47+s6+$0x0], $0xffff;
	[tilespmem:s11+$0x1F200] =	vst v16;
	s11 =	smov.u32 s1;
	s1 =	smov.u32 s2;
	s2 =	smov.u32 s7  }
0x294: {  	v27 =	vmovc v53;
	v4 =	vshrl.u32 v55, $0x1;
	v6 =	vmul.f32 v39, v51;
	v15 =	vmul.f32 v32, v50;
	s7 =	smov.u32 s9;
	s9 =	smov.u32 s4;
	v41 =	vld.idx.msk [tilespmem:v23+s6+$0x0], $0xffff  }
0x295: {  	v3 =	vmovc v9;
	v9 =	vmovc v26;
	v17 =	vshrl.u32 v55, $0x8;
	v21 =	vshll.u32 v55, $0x3;
	v16 =	vand.u32 $0xFF, v55;
	v44 =	vld.idx.msk [tilespmem:v52+s6+$0x0], $0xffff  }
0x296: {  	v26 =	vmovc v54;
	v32 =	vshrl.u32 v55, $0x10;
	v39 =	vadd.f32 v15, v6;
	v43 =	vmul.f32 v43, v48;
	v6 =	vld.idx.msk [tilespmem:v12+s18+$0x0], $0xffff  }
0x297: {  	v12 =	vand.u32 $0xFF, v17;
	v17 =	vand.u32 $0x1, v32;
	v32 =	vand.u32 $0x380, v4;
	v4 =	vmovc v10;
	v10 =	vmovc v28;
	v15 =	vld.idx.msk [tilespmem:v13+s18+$0x0], $0xffff  }
0x298: {  	v13 =	vadd.s32 v16, v17;
	v16 =	vadd.f32 v43, v39;
	v39 =	vmul.f32 v46, v49;
	v17 =	vld.idx.msk [tilespmem:v14+s18+$0x0], $0xffff  }
0x299: {  	v12 =	vadd.s32 v5, v12;
	v46 =	vand.u32 $0x400, v21;
	v14 =	vshll.u32 v13, $0x3;
	v21 =	vld.idx.msk [tilespmem:v11+s18+$0x0], $0xffff;
	v11 =	vmovc v22;
	v22 =	vmovc v52  }
0x29a: {  	v28 =	vmovc v42;
	v5 =	vmovc v8;
	v43 =	vor.u32 v57, v46;
	v14 =	vand.u32 $0xC00, v14;
	v46 =	vadd.f32 v39, v16  }
0x29b: {  	v8 =	vmovc v19;
	v19 =	vmovc v36;
	v42 =	vand.u32 $0x7F, v13;
	v39 =	vor.u32 v32, v43;
	v13 =	vadd.s32 v58, v14  }
0x29c: {  	v36 =	vshll.u32 v12, $0x8;
	v39 =	vor.u32 v58, v39;
	v50 =	vor.u32 v32, v13;
	v16 =	vmovc v29;
	[tilespmem:s5+$0x1F200] =	vst v46  }
0x29d: {  	s10 =	sadd.s32 $0x20, s10;
	v49 =	vshll.u32 v12, $0x7;
	v36 =	vand.u32 $0xFFF800, v36;
	v12 =	vmovc v18;
	v29 =	vmovc v56;
	v32 =	vor.u32 v42, v50  }
0x29e: {  	s4 =	sadd.s32 $0xFFFFFFF0, s10;
	v48 =	vand.u32 $0x380, v49;
	v43 =	vor.u32 v36, v43;
	v18 =	vmovc v47;
	v46 =	vshrl.u32 v24, $0x10;
	s5 =	sand.u32 $0x7F0, s10;
	v13 =	vmovc v20  }
0x29f: {  	s4 =	sand.u32 $0x7E0, s4;
	v36 =	vadd.s32 v14, v36;
	v43 =	vor.u32 v48, v43;
	v14 =	vmovc v25;
	v46 =	vand.u32 $0x1, v46;
	v20 =	vmovc v45;
	v47 =	vld [tilespmem:s5+$0x1DC00]  }
0x2a0: {  	v49 =	vshrl.u32 v24, $0x8;
	v36 =	vor.u32 v48, v36;
	v25 =	vmovc v23;
	v45 =	vand.u32 $0xFF, v24;
	v50 =	vld [tilespmem:s5+$0x1E300]  }
0x2a1: {  	v23 =	vadd.s32 v45, v46;
	v45 =	vshll.u32 v24, $0x3;
	v46 =	vor.u32 v42, v36;
	v52 =	vld.idx.msk [tilespmem:v39+s6+$0x0], $0xffff  }
0x2a2: {  	v36 =	vand.u32 $0xFF, v49;
	v42 =	vand.u32 $0x400, v45;
	v45 =	vshll.u32 v23, $0x3;
	s5 =	sadd.s32 $0x3, s12;
	v49 =	vld.idx.msk [tilespmem:v32+s6+$0x0], $0xffff  }
0x2a3: {  	v53 =	vand.u32 $0x7F, v24;
	v48 =	vshrl.u32 v24, $0x11;
	v54 =	vand.u32 $0xC00, v45;
	s13 =	sand.u32 $0xFE, s5;
	v55 =	vld [tilespmem:s4+$0x1DC00]  }
0x2a4: {  	v56 =	vshrl.u32 v24, $0x1;
	v36 =	vadd.s32 v48, v36;
	v45 =	vand.u32 $0xF800, v24;
	s13 =	sshrl.u32 s13, $0x1;
	v57 =	vld.idx.msk [tilespmem:v43+s6+$0x0], $0xffff  }
0x2a5: {  	v58 =	vunpack.i.u.bf16.f32 v47;
	v47 =	vunpack.i.l.bf16.f32 v47;
	v24 =	vld [tilespmem:s4+$0x1E300];
	s4 =	smul.u32 $0x93, s13;
	v48 =	vunpack.i.l.bf16.f32 v50  }
0x2a6: {  	v59 =	vunpack.i.u.bf16.f32 v50;
	v51 =	vmul.f32 v48, v47;
	v50 =	vmul.f32 v48, v58;
	v60 =	vld.idx.msk [tilespmem:v46+s6+$0x0], $0xffff  }
0x2a7: {  	s12 =	sadd.s32 $0x2, s12;
	v42 =	vor.u32 v53, v42;
	v61 =	vadd.s32 v45, v54;
	v48 =	vmul.f32 v59, v47;
	s4 =	sshrl.u32 s4, $0xA  }
0x2a8: {  	p0 =	slt.u32 s12, $0x6E;
	s13 =	sand.u32 $0xFE, s12;
	v47 =	vand.u32 $0x380, v56;
	s4 =	smul.u32 $0xE, s4;
	v52 =	vmul.f32 v52, v51;
	v56 =	vmul.f32 v49, v50  }
0x2a9: {  	v53 =	vand.u32 $0x7F, v23;
	s13 =	sshrl.u32 s13, $0x1;
	v62 =	vor.u32 v47, v42;
	v23 =	vor.u32 v47, v61  }
0x2aa: {  	s13 =	smul.u32 $0x93, s13;
	v49 =	vmul.f32 v59, v58;
	s4 =	ssub.s32 s5, s4;
	v52 =	vadd.f32 v56, v52;
	v56 =	vmul.f32 v57, v48  }
.Ltmp7:
0x2ab: {  	v47 =	vor.u32 v45, v62;
	v45 =	vor.u32 v53, v23;
	v23 =	vshll.u32 v36, $0x8;
	s5 =	sshll.u32 s4, $0x4;
	s4 =	sshll.u32 s4, $0x7;
	(pc) =	sbr.rel @p0 .LBB2_14-.Ltmp7, $4  }
0x2ac: {  	s15 =	sshrl.u32 s13, $0xA;
	v23 =	vand.u32 $0xFFF800, v23;
	s14 =	sshrl.u32 s13, $0x2;
	v52 =	vadd.f32 v56, v52;
	v56 =	vmul.f32 v60, v49;
	s4 =	sor.u32 s4, s5  }
0x2ad: {  	v57 =	vshll.u32 v36, $0x7;
	v58 =	vor.u32 v23, v42;
	v59 =	vadd.s32 v54, v23;
	s14 =	sand.u32 $0x800, s14;
	s5 =	sshrl.u32 s13, $0x3;
	s4 =	sand.u32 $0x470, s4  }
0x2ae: {  	v36 =	vunpack.i.u.bf16.f32 v55;
	v57 =	vand.u32 $0x380, v57;
	s13 =	smul.u32 $0xE, s15;
	s15 =	sand.u32 $0x380, s5;
	v54 =	vadd.f32 v56, v52;
	s4 =	sor.u32 s14, s4  }
0x2af: {  	s0 =	sadd.s32 $0x20, s0;
	v42 =	vunpack.i.l.bf16.f32 v55;
	v23 =	vor.u32 v57, v58;
	v52 =	vor.u32 v57, v59;
	s5 =	sor.u32 s15, s4  }
0x2b0: {  	_ =	sdelay $0x3  }
0x2b1: {  	v52 =	vor.u32 v53, v52;
	v61 =	vld.idx.msk [tilespmem:v45+s6+$0x0], $0xffff  }
0x2b2: {  	v55 =	vld.idx.msk [tilespmem:v47+s6+$0x0], $0xffff;
	_ =	sdelay $0x1  }
0x2b3: {  	v56 =	vunpack.i.l.bf16.f32 v24;
	[tilespmem:s5+$0x1EA00] =	vst v54;
	v57 =	vld.idx.msk [tilespmem:v23+s6+$0x0], $0xffff;
	v38 =	vmul.f32 v38, v27;
	v31 =	vmul.f32 v31, v26  }
0x2b4: {  	v62 =	vunpack.i.u.bf16.f32 v24;
	v54 =	vmul.f32 v56, v42;
	v56 =	vmul.f32 v56, v36;
	v39 =	vld.idx.msk [tilespmem:v39+s18+$0x0], $0xffff  }
0x2b5: {  	v37 =	vadd.f32 v40, v37;
	v41 =	vmul.f32 v41, v28;
	v40 =	vmul.f32 v62, v42;
	v63 =	vld.idx.msk [tilespmem:v52+s6+$0x0], $0xffff  }
0x2b6: {  	v32 =	vld.idx.msk [tilespmem:v32+s18+$0x0], $0xffff;
	v31 =	vadd.f32 v31, v38;
	v58 =	vmul.f32 v55, v54;
	v53 =	vmul.f32 v61, v56  }
0x2b7: {  	v60 =	vmul.f32 v44, v19;
	v24 =	vmul.f32 v62, v36;
	v59 =	vld.idx.msk [tilespmem:v43+s18+$0x0], $0xffff;
	[tilespmem:s7+$0x1EA00] =	vst v37  }
0x2b8: {  	s0 =	ssub.s32 s12, s13;
	v12 =	vld.idx.msk [tilespmem:v12+s18+$0x0], $0xffff;
	v31 =	vadd.f32 v41, v31;
	v62 =	vmul.f32 v57, v40;
	v38 =	vadd.f32 v53, v58  }
0x2b9: {  	s4 =	sshll.u32 s0, $0x4;
	s0 =	sshll.u32 s0, $0x7;
	v13 =	vld.idx.msk [tilespmem:v13+s18+$0x0], $0xffff  }
0x2ba: {  	s0 =	sor.u32 s0, s4;
	v14 =	vld.idx.msk [tilespmem:v14+s18+$0x0], $0xffff;
	v31 =	vadd.f32 v60, v31;
	v38 =	vadd.f32 v62, v38;
	v63 =	vmul.f32 v63, v24  }
0x2bb: {  	v2 =	vmul.f32 v6, v2;
	s0 =	sand.u32 $0x460, s0;
	v61 =	vld.idx.msk [tilespmem:v46+s18+$0x0], $0xffff  }
0x2bc: {  	v3 =	vmul.f32 v15, v3;
	v11 =	vld.idx.msk [tilespmem:v11+s18+$0x0], $0xffff;
	s0 =	sor.u32 s14, s0;
	[tilespmem:s9+$0x1EA00] =	vst v31;
	v42 =	vadd.f32 v63, v38  }
0x2bd: {  	s0 =	sor.u32 s15, s0;
	v18 =	vld.idx.msk [tilespmem:v18+s18+$0x0], $0xffff  }
0x2be: {  	v4 =	vmul.f32 v17, v4;
	v2 =	vadd.f32 v3, v2;
	v20 =	vld.idx.msk [tilespmem:v20+s18+$0x0], $0xffff;
	[tilespmem:s0+$0x1EA00] =	vst v42  }
0x2bf: {  	v44 =	vadd.f32 v35, v34;
	v16 =	vadd.f32 v16, v33;
	v5 =	vmul.f32 v21, v5;
	v46 =	vld.idx.msk [tilespmem:v47+s18+$0x0], $0xffff  }
0x2c0: {  	v2 =	vadd.f32 v4, v2;
	v36 =	vmul.f32 v59, v48;
	v48 =	vmul.f32 v61, v49;
	v49 =	vld.idx.msk [tilespmem:v45+s18+$0x0], $0xffff  }
0x2c1: {  	v30 =	vadd.f32 v30, v44;
	v39 =	vmul.f32 v39, v51;
	v32 =	vmul.f32 v32, v50;
	v50 =	vld.idx.msk [tilespmem:v25+s18+$0x0], $0xffff  }
0x2c2: {  	v2 =	vadd.f32 v5, v2;
	v3 =	vmul.f32 v12, v7;
	v9 =	vmul.f32 v13, v9;
	v51 =	vld.idx.msk [tilespmem:v23+s18+$0x0], $0xffff  }
0x2c3: {  	v53 =	vadd.f32 v29, v30;
	v10 =	vmul.f32 v14, v10;
	v8 =	vmul.f32 v11, v8;
	v55 =	vld.idx.msk [tilespmem:v22+s18+$0x0], $0xffff  }
0x2c4: {  	v3 =	vadd.f32 v9, v3;
	v57 =	vmul.f32 v18, v27;
	v58 =	vmul.f32 v20, v26;
	v59 =	vld.idx.msk [tilespmem:v52+s18+$0x0], $0xffff  }
0x2c5: {  	v32 =	vadd.f32 v32, v39;
	v6 =	vmul.f32 v46, v54;
	v60 =	vmul.f32 v49, v56  }
0x2c6: {  	v3 =	vadd.f32 v10, v3;
	v61 =	vmul.f32 v50, v28;
	v4 =	vadd.f32 v58, v57  }
0x2c7: {  	[tilespmem:s11+$0x1F200] =	vst v16;
	v47 =	vadd.f32 v36, v32;
	v7 =	vmul.f32 v51, v40;
	v6 =	vadd.f32 v60, v6  }
0x2c8: {  	[tilespmem:s2+$0x1F200] =	vst v2;
	v62 =	vmul.f32 v55, v19;
	v3 =	vadd.f32 v8, v3;
	v4 =	vadd.f32 v61, v4  }
0x2c9: {  	[tilespmem:s1+$0x1F200] =	vst v53;
	v15 =	vadd.f32 v48, v47;
	v63 =	vmul.f32 v59, v24;
	v6 =	vadd.f32 v7, v6  }
0x2ca: {  	s16 =	sshll.u32 s3, $0xB;
	s31 =	sadd.s32 $0x1, s31;
	[tilespmem:s7+$0x1F200] =	vst v3;
	v2 =	vadd.f32 v62, v4  }
0x2cb: {  	s19 =	sadd.s32 s28, s16;
	p0 =	sne.s32 s31, $0xE;
	[tilespmem:s5+$0x1F200] =	vst v15;
	v3 =	vadd.f32 v63, v6  }
.Ltmp8:
0x2cc: {  	s20 =	sadd.s32 s29, s16;
	s2 =	sshrl.u32 s19, $0x3;
	[tilespmem:s9+$0x1F200] =	vst v2;
	(pc) =	sbr.rel @p0 .LBB2_11-.Ltmp8, $4  }
0x2cd: {  	s24 =	simm.s32 $0x1EA00;
	s23 =	sadd.s32 s8, s2;
	[tilespmem:s0+$0x1F200] =	vst v3;
	s0 =	sshrl.u32 s20, $0x3  }
0x2ce: {  	[hbm4b:s23+s6] =	stream.linear.scatter [tilespmem:s24], [sflag:$0x4], $0x800, $0x38;
	[tilespmem:$0x1FA00] =	vst v63  }
0x2cf: {  	s25 =	simm.s32 $0x1F200;
	s30 =	smov.u32 s26;
	s0 =	sadd.s32 s8, s0  }
0x2d0: {  	[hbm4b:s0+s6] =	stream.linear.scatter [tilespmem:s25], [sflag:$0x4], $0x800, $0x38;
	[tilespmem:$0x1FA00] =	vst v63  }
0x2d1: {  	s3 =	rddreg [dreg:$0xb]  }
0x2d2: {  	s0 =	rddreg [dreg:$0x8];
	p0 =	seq.s32 s3, $0x5  }
0x2d3: {  	s0 =	sadd.s32 @!p0 s3, s0  }
0x2d4: {  	s1 =	smulhi.u32 @!p0 $0xAAAAAAAB, s0;
	_ =	sdelay $0x1  }
0x2d5: {  	s1 =	sshrl.u32 @!p0 s1, $0x5  }
0x2d6: {  	s25 =	rddreg [dreg:$0x5];
	s2 =	smul.u32 @!p0 $0x30, s1  }
0x2d7: {  	s1 =	sadd.s32 @!p0 s25, s1  }
0x2d8: {  	s1 =	smul.u32 @!p0 $0xA8000, s1;
	s0 =	ssub.s32 @!p0 s0, s2  }
0x2d9: {  	s0 =	smul.u32 @!p0 $0x3800, s0;
	_ =	sdelay $0x1  }
0x2da: {  	s0 =	sadd.s32 @!p0 s0, s1;
	s1 =	rddreg [dreg:$0x6]  }
0x2db: {  	s0 =	sadd.s32 @!p0 s1, s0;
	s1 =	simm.s32 @!p0 $0x0  }
0x2dc: {  	[tilespmem:s1], [sflag:$0x1] =	stream.linear.gather @!p0 [hbm4b:s0+s1], $0x1C000, $0x38;
	[tilespmem:$0x1FA00] =	vst v63  }
0x2dd: {  	_ =	swait.ge [sflag:s17], $0x1500  }
0x2de: {  	[sflag:s17] =	ssyncset.done $0x0  }
0x2df: {  	s3 =	sadd.s32 $0x1, s3;
	[sflag:s17] =	ssyncadd.s32 $0xFFFFEB00  }
0x2e0: {  	p0 =	sne.s32 s3, $0x6;
	_ =	swait.ge [sflag:s22], $0x800  }
.Ltmp9:
0x2e1: {  	[sflag:s22] =	ssyncset.done $0x0;
	(pc) =	sbr.rel @p0 .LBB2_10-.Ltmp9, $4  }
0x2e2: {  	[sflag:s22] =	ssyncadd.s32 $0xFFFFF800  }
0x2e3: {  	_ =	swait.ge [sflag:s22], $0x800  }
0x2e4: {  	[sflag:s22] =	ssyncset.done $0x0  }
0x2e5: {  	[sflag:s22] =	ssyncadd.s32 $0xFFFFF800  }
0x2e6: {  	s1 =	rddreg [dreg:$0xa]  }
0x2e7: {  	s0 =	rddreg [dreg:$0x9];
	s1 =	sadd.s32 $0x1, s1  }
0x2e8: {  	p0 =	sne.s32 s1, s0  }
.Ltmp10:
0x2e9: {  	_ = 	snop;
	(pc) =	sbr.rel @p0 .LBB2_1-.Ltmp10, $3  }
0x2ea: {  	_ =	sdelay $0x1  }
0x2eb: {  	s4 =	stileid.u32  }
0x2ec: {  	s24 =	rddreg [dreg:$0x1];
	s26 =	simm.s32 $0x6;
	s28 =	simm.s32 $0x5  }
0x2ed: {  	_ =	sfence.sel $0x180000  }
0x2ee: {  	[bflag:$0x0] =	sbarrier.arrive $0xFFFF  }
0x2ef: {  	_ =	strace $0x90000047  }
0x2f0: {  	[bflag:$0x2] =	sbarrier.arrive $0xFFFF  }
0x2f1: {  	p0 =	sne.s32 s4, $0x0;
	s0 =	rddreg [dreg:$0x3]  }
0x2f2: {  	s0 =	sadd.s32 @!p0 $0x100000, s0  }
0x2f3: {  	[sflag:s0] =	ssyncadd.tile.s32 @!p0 $0x1;
	_ =	shalt  }
.Lfunc_end2:
_tile_overlayer_lowered:
.L_overlay_start_2:
0x2f4: {  	(tag) =	ssettag $0x2  }
0x2f5: {  	s0 =	rddreg [dreg:$0x0];
	s2 =	stileid.u32  }
0x2f6: {  	s1 =	rddreg [dreg:$0x1];
	p0 =	sne.s32 s2, $0x0  }
0x2f7: {  	s3 =	rddreg [dreg:$0x2];
	[bflag:$0x3] =	sbarrier.arrive $0xFFFF;
	s2 =	simm.s32 @!p0 $0x1C05  }
0x2f8: {  	[timem:s3], [sflag:s2] =	dma.local @!p0 [hbm:s0], s1  }
0x2f9: {  	s0 =	simm.s32 @!p0 $0x5  }
0x2fa: {  	_ =	swait.ge @!p0 [sflag:s0], s1  }
0x2fb: {  	s1 =	ssub.s32 @!p0 $0x0, s1;
	[sflag:s0] =	ssyncset.done @!p0 $0x0  }
0x2fc: {  	[sflag:s0] =	ssyncadd.s32 @!p0 s1  }
0x2fd: {  	[bflag:$0x3] =	sbarrier.arrive $0xFFFF  }
0x2fe: {  	_ =	shalt  }

</sc_bundles>
